<compile_context>
chip_gen: v7x
topology: tpu7x:2x2x1
jax: 0.10.2.dev20260603
libtpu: 0.0.44.dev20260713+nightly
codegen_flags: <defaults>
</compile_context>

<pallas_src>
import functools

import jax
import jax.numpy as jnp
from jax import lax
from jax.experimental import pallas as pl
from jax.experimental.pallas import tpu as pltpu
from jax.experimental.pallas import tpu_sc as plsc

B, S, H, I, E, K = 2, 2048, 1024, 512, 8, 2
N = B * S
TM = 256
TMR = 256
TMR_LOG = 8
NT_TOK = N // TM
T_ROWS = (N * K) // TMR + E
R = T_ROWS * TMR

NC, NS = 2, 16
NW = NC * NS
CW = N // NW
SUB = 64
NSUB = CW // SUB


def _dg16(vals, idx):
    return lax.gather(
        vals, idx[:, None],
        dimension_numbers=lax.GatherDimensionNumbers(
            offset_dims=(), collapsed_slice_dims=(0,), start_index_map=(0,)),
        slice_sizes=(1,),
        mode=lax.GatherScatterMode.PROMISE_IN_BOUNDS)


def _k1b_body(x_r, sWg_r, sbg_r, sWu_r, sbu_r, sWd_r, sbd_r, out0_r):
    xb = x_r[...]
    hg = jnp.dot(xb, sWg_r[...], preferred_element_type=jnp.float32) + sbg_r[...]
    hu = jnp.dot(xb, sWu_r[...], preferred_element_type=jnp.float32) + sbu_r[...]
    h = jax.nn.silu(hg) * hu
    out0_r[...] = xb + jnp.dot(h, sWd_r[...], preferred_element_type=jnp.float32) + sbd_r[...]


def _k1b(x2, sWg, sbg2, sWu, sbu2, sWd, sbd2):
    return pl.pallas_call(
        _k1b_body,
        grid=(NT_TOK,),
        in_specs=[
            pl.BlockSpec((TM, H), lambda i: (i, 0)),
            pl.BlockSpec((H, I), lambda i: (0, 0)),
            pl.BlockSpec((1, I), lambda i: (0, 0)),
            pl.BlockSpec((H, I), lambda i: (0, 0)),
            pl.BlockSpec((1, I), lambda i: (0, 0)),
            pl.BlockSpec((I, H), lambda i: (0, 0)),
            pl.BlockSpec((1, H), lambda i: (0, 0)),
        ],
        out_specs=pl.BlockSpec((TM, H), lambda i: (i, 0)),
        out_shape=jax.ShapeDtypeStruct((N, H), jnp.float32),
    )(x2, sWg, sbg2, sWu, sbu2, sWd, sbd2)


def _k1_body(x_r, gW_r, gb_r,
             w0b_r, w1b_r, e0_r, e1_r, r0_r, r1_r, cnt_r):
    i = pl.program_id(0)
    xb = x_r[...]
    logits = jnp.dot(xb, gW_r[...], preferred_element_type=jnp.float32) + gb_r[...]
    p = jax.nn.sigmoid(logits)
    iota_e = lax.broadcasted_iota(jnp.int32, (TM, E), 1)
    v1 = jnp.max(p, axis=1, keepdims=True)
    i1 = jnp.min(jnp.where(p == v1, iota_e, E), axis=1, keepdims=True)
    p2 = jnp.where(iota_e == i1, -1.0, p)
    v2 = jnp.max(p2, axis=1, keepdims=True)
    i2 = jnp.min(jnp.where(p2 == v2, iota_e, E), axis=1, keepdims=True)
    ssum = v1 + v2
    w0b_r[...] = jnp.broadcast_to(v1 / ssum, (TM, 16))
    w1b_r[...] = jnp.broadcast_to(v2 / ssum, (TM, 16))
    e0_r[...] = i1
    e1_r[...] = i2
    @pl.when(i == 0)
    def _():
        cnt_r[...] = jnp.zeros((1, 16), jnp.int32)
    base = cnt_r[:, :E]
    oh1 = (iota_e == i1).astype(jnp.float32)
    oh2 = (iota_e == i2).astype(jnp.float32)
    r_io = lax.broadcasted_iota(jnp.int32, (TM, TM), 0)
    c_io = lax.broadcasted_iota(jnp.int32, (TM, TM), 1)
    lt = (r_io > c_io).astype(jnp.float32)
    c1 = jnp.dot(lt, oh1, preferred_element_type=jnp.float32)
    c2 = jnp.dot(lt, oh2, preferred_element_type=jnp.float32)
    tot1 = jnp.sum(oh1, axis=0, keepdims=True)
    tot2 = jnp.sum(oh2, axis=0, keepdims=True)
    basef = base.astype(jnp.float32)
    rank1 = jnp.sum(jnp.where(oh1 > 0, c1 + basef, 0.0), axis=1, keepdims=True)
    rank2 = jnp.sum(jnp.where(oh2 > 0, c2 + basef + tot1, 0.0), axis=1, keepdims=True)
    r0_r[...] = rank1.astype(jnp.int32)
    r1_r[...] = rank2.astype(jnp.int32)
    newc = base + (tot1 + tot2).astype(jnp.int32)
    cnt_r[...] = jnp.concatenate([newc, jnp.zeros((1, 16 - E), jnp.int32)], axis=1)


def _k1(x2, gate_W, gate_b2):
    return pl.pallas_call(
        _k1_body,
        grid=(NT_TOK,),
        in_specs=[
            pl.BlockSpec((TM, H), lambda i: (i, 0)),
            pl.BlockSpec((H, E), lambda i: (0, 0)),
            pl.BlockSpec((1, E), lambda i: (0, 0)),
        ],
        out_specs=[
            pl.BlockSpec((TM, 16), lambda i: (i, 0)),
            pl.BlockSpec((TM, 16), lambda i: (i, 0)),
            pl.BlockSpec((TM, 1), lambda i: (i, 0)),
            pl.BlockSpec((TM, 1), lambda i: (i, 0)),
            pl.BlockSpec((TM, 1), lambda i: (i, 0)),
            pl.BlockSpec((TM, 1), lambda i: (i, 0)),
            pl.BlockSpec((1, 16), lambda i: (0, 0)),
        ],
        out_shape=[
            jax.ShapeDtypeStruct((N, 16), jnp.float32),
            jax.ShapeDtypeStruct((N, 16), jnp.float32),
            jax.ShapeDtypeStruct((N, 1), jnp.int32),
            jax.ShapeDtypeStruct((N, 1), jnp.int32),
            jax.ShapeDtypeStruct((N, 1), jnp.int32),
            jax.ShapeDtypeStruct((N, 1), jnp.int32),
            jax.ShapeDtypeStruct((1, 16), jnp.int32),
        ],
    )(x2, gate_W, gate_b2)


@functools.partial(
    pl.kernel,
    out_type=[
        jax.ShapeDtypeStruct((R, H), jnp.float32),
        jax.ShapeDtypeStruct((2, N), jnp.int32),
        jax.ShapeDtypeStruct((T_ROWS,), jnp.int32),
        jax.ShapeDtypeStruct((T_ROWS,), jnp.int32),
        jax.ShapeDtypeStruct((T_ROWS,), jnp.int32),
    ],
    mesh=plsc.VectorSubcoreMesh(
        core_axis_name="c", subcore_axis_name="s", num_cores=NC,
        num_subcores=NS),
    compiler_params=pltpu.CompilerParams(needs_layout_passes=False),
    scratch_types=[
        pltpu.VMEM((16,), jnp.int32),
        pltpu.VMEM((SUB,), jnp.int32),
        pltpu.VMEM((SUB,), jnp.int32),
        pltpu.VMEM((SUB,), jnp.int32),
        pltpu.VMEM((SUB,), jnp.int32),
        pltpu.VMEM((SUB, H), jnp.float32),
        pltpu.VMEM((T_ROWS,), jnp.int32),
        pltpu.VMEM((T_ROWS,), jnp.int32),
        pltpu.VMEM((T_ROWS,), jnp.int32),
        pltpu.SemaphoreType.DMA,
        pltpu.SemaphoreType.DMA,
    ],
)
def _dispatch(x_hbm, e0_hbm, e1_hbm, r0_hbm, r1_hbm, cnt_hbm,
              xs_hbm, sl_hbm, sel_hbm, eid_hbm, val_hbm,
              cnt_v, ebuf, rbuf, idx0, idx1, xrows,
              msel, meid, mval, sem0, sem1):
    wid = lax.axis_index("s") * NC + lax.axis_index("c")
    base = wid * CW
    pltpu.sync_copy(cnt_hbm, cnt_v)
    c16 = cnt_v[...]
    tpe = jnp.right_shift(c16 + (TMR - 1), TMR_LOG)
    lane = lax.iota(jnp.int32, 16)
    excl = jnp.zeros((16,), jnp.int32)
    for e in range(E - 1):
        ce = _dg16(tpe, jnp.full((16,), e, jnp.int32))
        excl = excl + jnp.where(lane > e, ce, 0)
    toff = excl * TMR
    cum = excl + tpe
    for j in range(NSUB):
        sb = base + j * SUB
        pltpu.sync_copy(e0_hbm.at[pl.ds(sb, SUB)], ebuf)
        pltpu.sync_copy(r0_hbm.at[pl.ds(sb, SUB)], rbuf)
        for cc in range(SUB // 16):
            sl = pl.ds(cc * 16, 16)
            idx0[sl] = _dg16(toff, ebuf[sl]) + rbuf[sl]
        pltpu.sync_copy(e1_hbm.at[pl.ds(sb, SUB)], ebuf)
        pltpu.sync_copy(r1_hbm.at[pl.ds(sb, SUB)], rbuf)
        for cc in range(SUB // 16):
            sl = pl.ds(cc * 16, 16)
            idx1[sl] = _dg16(toff, ebuf[sl]) + rbuf[sl]
        pltpu.sync_copy(x_hbm.at[pl.ds(sb, SUB)], xrows)
        cp0 = pltpu.async_copy(xrows, xs_hbm.at[idx0], sem0)
        cp1 = pltpu.async_copy(xrows, xs_hbm.at[idx1], sem1)
        pltpu.sync_copy(idx0, sl_hbm.at[0, pl.ds(sb, SUB)])
        pltpu.sync_copy(idx1, sl_hbm.at[1, pl.ds(sb, SUB)])
        cp0.wait()
        cp1.wait()

    @pl.when(wid == 0)
    def _():
        total = _dg16(cum, jnp.full((16,), E - 1, jnp.int32))
        for off in (*range(0, T_ROWS - 16, 16), T_ROWS - 16):
            jv = lax.iota(jnp.int32, 16) + off
            acc = jnp.zeros((16,), jnp.int32)
            for e in range(E):
                ce = _dg16(cum, jnp.full((16,), e, jnp.int32))
                acc = acc + (jv >= ce).astype(jnp.int32)
            vv = (jv < total).astype(jnp.int32)
            sl = pl.ds(off, 16)
            mval[sl] = vv
            meid[sl] = jnp.where(vv > 0, jnp.minimum(acc, E - 1), 0)
            msel[sl] = jnp.where(vv > 0, jv, 0)
        pltpu.sync_copy(msel, sel_hbm)
        pltpu.sync_copy(meid, eid_hbm)
        pltpu.sync_copy(mval, val_hbm)


def _k4_body(sel_r, eid_r, val_r, xs_r, eWg_r, ebg_r, eWu_r, ebu_r, eWd_r, ebd_r,
             ys_r):
    i = pl.program_id(0)

    @pl.when(val_r[i] > 0)
    def _():
        xb = xs_r[...]
        hg = jnp.dot(xb, eWg_r[0], preferred_element_type=jnp.float32) + ebg_r[0]
        hu = jnp.dot(xb, eWu_r[0], preferred_element_type=jnp.float32) + ebu_r[0]
        h = jax.nn.silu(hg) * hu
        ys_r[...] = jnp.dot(h, eWd_r[0], preferred_element_type=jnp.float32) + ebd_r[0]


def _k4(sel, eid, valid, xs, eWg, ebg, eWu, ebu, eWd, ebd):
    grid_spec = pltpu.PrefetchScalarGridSpec(
        num_scalar_prefetch=3,
        grid=(T_ROWS,),
        in_specs=[
            pl.BlockSpec((TMR, H), lambda i, sel, eid, val: (sel[i], 0)),
            pl.BlockSpec((1, H, I), lambda i, sel, eid, val: (eid[i], 0, 0)),
            pl.BlockSpec((1, 1, I), lambda i, sel, eid, val: (eid[i], 0, 0)),
            pl.BlockSpec((1, H, I), lambda i, sel, eid, val: (eid[i], 0, 0)),
            pl.BlockSpec((1, 1, I), lambda i, sel, eid, val: (eid[i], 0, 0)),
            pl.BlockSpec((1, I, H), lambda i, sel, eid, val: (eid[i], 0, 0)),
            pl.BlockSpec((1, 1, H), lambda i, sel, eid, val: (eid[i], 0, 0)),
        ],
        out_specs=pl.BlockSpec((TMR, H), lambda i, sel, eid, val: (i, 0)),
    )
    return pl.pallas_call(
        _k4_body,
        grid_spec=grid_spec,
        out_shape=jax.ShapeDtypeStruct((R, H), jnp.float32),
    )(sel, eid, valid, xs, eWg, ebg, eWu, ebu, eWd, ebd)


def kernel(x, gate_W, gate_b, sWg, sbg, sWu, sbu, sWd, sbd,
           eWg, ebg, eWu, ebu, eWd, ebd):
    x2 = x.reshape(N, H)
    w0b, w1b, e0, e1, r0, r1, cnt = _k1(x2, gate_W, gate_b.reshape(1, E))
    xs, sl01, sel, eid, val = _dispatch(
        x2, e0.reshape(N), e1.reshape(N), r0.reshape(N), r1.reshape(N),
        cnt.reshape(16))
    out0 = _k1b(x2, sWg, sbg.reshape(1, I), sWu, sbu.reshape(1, I),
                sWd, sbd.reshape(1, H))
    ys = _k4(sel, eid, val, xs,
             eWg, ebg.reshape(E, 1, I), eWu, ebu.reshape(E, 1, I),
             eWd, ebd.reshape(E, 1, H))
    g0 = ys[sl01[0]]
    g1 = ys[sl01[1]]
    out = out0 + w0b[:, :1] * g0 + w1b[:, :1] * g1
    return out.reshape(B, S, H)

# --- scband reference (transcript-rebuilt; emitter-appended) ---
"""Pipeline reference for scband-deepseek-mo-e-21921513078943 (READ-ONLY COPY).

The authoritative reference and input builder live on the scoring server;
editing this copy changes nothing except your own understanding.
"""

import jax, jax.numpy as jnp
import numpy as np

B, S, H, I, E, K = 2, 2048, 1024, 512, 8, 2


def _mlp(x, Wg, bg, Wu, bu, Wd, bd):
    # DeepSeek-style gated MLP (SwiGLU)
    return (jax.nn.silu(x @ Wg + bg) * (x @ Wu + bu)) @ Wd + bd


def setup_inputs(seed: int = 0) -> dict:
    key = jax.random.key(seed)
    ks = jax.random.split(key, 12)
    s = 0.02
    return {
        "x": jax.random.normal(ks[0], (B, S, H), dtype=jnp.float32),
        "gate_W": jax.random.normal(ks[1], (H, E), dtype=jnp.float32) * s,
        "gate_b": jnp.zeros((E,), dtype=jnp.float32),
        "sWg": jax.random.normal(ks[2], (H, I), dtype=jnp.float32) * s,
        "sbg": jnp.zeros((I,), dtype=jnp.float32),
        "sWu": jax.random.normal(ks[3], (H, I), dtype=jnp.float32) * s,
        "sbu": jnp.zeros((I,), dtype=jnp.float32),
        "sWd": jax.random.normal(ks[4], (I, H), dtype=jnp.float32) * s,
        "sbd": jnp.zeros((H,), dtype=jnp.float32),
        "eWg": jax.random.normal(ks[5], (E, H, I), dtype=jnp.float32) * s,
        "ebg": jnp.zeros((E, I), dtype=jnp.float32),
        "eWu": jax.random.normal(ks[6], (E, H, I), dtype=jnp.float32) * s,
        "ebu": jnp.zeros((E, I), dtype=jnp.float32),
        "eWd": jax.random.normal(ks[7], (E, I, H), dtype=jnp.float32) * s,
        "ebd": jnp.zeros((E, H), dtype=jnp.float32),
    }


def reference(x, gate_W, gate_b, sWg, sbg, sWu, sbu, sWd, sbd,
              eWg, ebg, eWu, ebu, eWd, ebd):
    # router: sigmoid gate, top-k, normalize selected weights
    router_logits = jax.nn.sigmoid(x @ gate_W + gate_b)          # [B, S, E]
    expert_values, expert_indices = jax.lax.top_k(router_logits, k=K)  # [B, S, K]
    expert_values = expert_values / jnp.sum(expert_values, axis=-1, keepdims=True)
    # compute ALL experts densely (faithful to the original module)
    all_outputs = jax.vmap(
        lambda Wg, bg, Wu, bu, Wd, bd: _mlp(x, Wg, bg, Wu, bu, Wd, bd)
    )(eWg, ebg, eWu, ebu, eWd, ebd)                              # [E, B, S, H]
    all_outputs = jnp.moveaxis(all_outputs, 0, 2)                # [B, S, E, H]
    # gather_topk: per (b, s) take the k selected expert outputs
    selected_outputs = jnp.take_along_axis(
        all_outputs, expert_indices[..., None], axis=2)          # [B, S, K, H]
    expert_weighted = (expert_values[..., None] * selected_outputs).sum(axis=2)
    return x + _mlp(x, sWg, sbg, sWu, sbu, sWd, sbd) + expert_weighted

if __name__ == "__main__":
    import jax
    _d = setup_inputs()
    print(jax.jit(kernel)(*tuple(_d.values())))

</pallas_src>

<mosaic_0001>
#map = affine_map<(d0, d1) -> (0, 0)>
#map1 = affine_map<(d0, d1) -> (0)>
module attributes {stable_mosaic.version = 14 : i64} {
  func.func @_dispatch(%arg0: i32, %arg1: i32, %arg2: memref<4096x1024xf32, #tpu.memory_space<hbm>>, %arg3: memref<4096xi32, #tpu.memory_space<hbm>>, %arg4: memref<4096xi32, #tpu.memory_space<hbm>>, %arg5: memref<4096xi32, #tpu.memory_space<hbm>>, %arg6: memref<4096xi32, #tpu.memory_space<hbm>>, %arg7: memref<16xi32, #tpu.memory_space<hbm>>, %arg8: memref<10240x1024xf32, #tpu.memory_space<hbm>>, %arg9: memref<2x4096xi32, #tpu.memory_space<hbm>>, %arg10: memref<40xi32, #tpu.memory_space<hbm>>, %arg11: memref<40xi32, #tpu.memory_space<hbm>>, %arg12: memref<40xi32, #tpu.memory_space<hbm>>, %arg13: memref<16xi32, #tpu.memory_space<vmem>>, %arg14: memref<64xi32, #tpu.memory_space<vmem>>, %arg15: memref<64xi32, #tpu.memory_space<vmem>>, %arg16: memref<64xi32, #tpu.memory_space<vmem>>, %arg17: memref<64xi32, #tpu.memory_space<vmem>>, %arg18: memref<64x1024xf32, #tpu.memory_space<vmem>>, %arg19: memref<40xi32, #tpu.memory_space<vmem>>, %arg20: memref<40xi32, #tpu.memory_space<vmem>>, %arg21: memref<40xi32, #tpu.memory_space<vmem>>, %arg22: memref<!tpu.dma_semaphore, #tpu.memory_space<semaphore_mem>>, %arg23: memref<!tpu.dma_semaphore, #tpu.memory_space<semaphore_mem>>) attributes {dimension_semantics = [#tpu.dimension_semantics<core_parallel>, #tpu.dimension_semantics<subcore_parallel>], iteration_bounds = array<i64: 2, 16>, scalar_prefetch = 0 : i64, scratch_operands = 11 : i64, tpu.core_type = #tpu.core_type<sc_vector_subcore>, window_params = [{transform_indices = #map}, {transform_indices = #map1}, {transform_indices = #map1}, {transform_indices = #map1}, {transform_indices = #map1}, {transform_indices = #map1}, {transform_indices = #map}, {transform_indices = #map}, {transform_indices = #map1}, {transform_indices = #map1}, {transform_indices = #map1}]} {
    %mul3A = arith.constant 2 : i32
    %mul3A_0 = arith.muli %arg1, %mul3A : i32
    %add3A = arith.addi %mul3A_0, %arg0 : i32
    %mul3A_1 = arith.constant 128 : i32
    %mul3A_2 = arith.muli %add3A, %mul3A_1 : i32
    "tpu.region"() ({
      %run_scoped3A_284 = tpu.sem_alloc : memref<!tpu.dma_semaphore, #tpu.memory_space<semaphore_mem>>
      tpu.enqueue_dma source(%arg7 : memref<16xi32, #tpu.memory_space<hbm>>) target(%arg13 : memref<16xi32, #tpu.memory_space<vmem>>) target_semaphore(%run_scoped3A_284 : memref<!tpu.dma_semaphore, #tpu.memory_space<semaphore_mem>>)
      tpu.wait_dma2 semaphore(%run_scoped3A_284 : memref<!tpu.dma_semaphore, #tpu.memory_space<semaphore_mem>>) src(%arg7 : memref<16xi32, #tpu.memory_space<hbm>>) dst(%arg13 : memref<16xi32, #tpu.memory_space<vmem>>)
      tpu.yield
    }) : () -> ()
    %get3A = arith.constant 0 : index
    %get3A_3 = tpu.vector_load %arg13[%get3A] {strides = array<i32>} : memref<16xi32, #tpu.memory_space<vmem>>, vector<16xi32>,
    %add3A_4 = arith.constant 255 : i32
    %add3A_5 = vector.broadcast %add3A_4 : i32 to vector<16xi32>
    %add3A_6 = arith.addi %get3A_3, %add3A_5 : vector<16xi32>
    %shift_right_arithmetic3A = arith.constant 8 : i32
    %shift_right_arithmetic3A_7 = vector.broadcast %shift_right_arithmetic3A : i32 to vector<16xi32>
    %shift_right_arithmetic3A_8 = arith.shrsi %add3A_6, %shift_right_arithmetic3A_7 : vector<16xi32>
    %iota3A = tpu.iota {dimensions = array<i32: 0>} : vector<16xi32>
    %broadcast_in_dim3A = arith.constant 0 : i32
    %broadcast_in_dim3A_9 = vector.broadcast %broadcast_in_dim3A : i32 to vector<16xi32>
    %broadcast_in_dim3A_10 = arith.constant 0 : i32
    %broadcast_in_dim3A_11 = vector.broadcast %broadcast_in_dim3A_10 : i32 to vector<16xi32>
    %broadcast_in_dim3A_12 = vector.shape_cast %broadcast_in_dim3A_11 : vector<16xi32> to vector<16x1xi32>
    %gather3A = vector.shape_cast %broadcast_in_dim3A_12 : vector<16x1xi32> to vector<16xi32>
    %gather3A_13 = tpu.dynamic_gather %shift_right_arithmetic3A_8[%gather3A] in [0] : vector<16xi32>, vector<16xi32> -> vector<16xi32>
    %gt3A = arith.constant 0 : i32
    %gt3A_14 = vector.broadcast %gt3A : i32 to vector<16xi32>
    %gt3A_15 = arith.cmpi sgt, %iota3A, %gt3A_14 : vector<16xi32>
    %jit3A = arith.constant 0 : i32
    %broadcast_in_dim3A_16 = vector.broadcast %jit3A : i32 to vector<16xi32>
    %select_n3A = arith.select %gt3A_15, %gather3A_13, %broadcast_in_dim3A_16 : vector<16xi1>, vector<16xi32>
    %add3A_17 = arith.addi %broadcast_in_dim3A_9, %select_n3A : vector<16xi32>
    %broadcast_in_dim3A_18 = arith.constant 1 : i32
    %broadcast_in_dim3A_19 = vector.broadcast %broadcast_in_dim3A_18 : i32 to vector<16xi32>
    %broadcast_in_dim3A_20 = vector.shape_cast %broadcast_in_dim3A_19 : vector<16xi32> to vector<16x1xi32>
    %gather3A_21 = vector.shape_cast %broadcast_in_dim3A_20 : vector<16x1xi32> to vector<16xi32>
    %gather3A_22 = tpu.dynamic_gather %shift_right_arithmetic3A_8[%gather3A_21] in [0] : vector<16xi32>, vector<16xi32> -> vector<16xi32>
    %gt3A_23 = arith.constant 1 : i32
    %gt3A_24 = vector.broadcast %gt3A_23 : i32 to vector<16xi32>
    %gt3A_25 = arith.cmpi sgt, %iota3A, %gt3A_24 : vector<16xi32>
    %jit3A_26 = arith.constant 0 : i32
    %broadcast_in_dim3A_27 = vector.broadcast %jit3A_26 : i32 to vector<16xi32>
    %select_n3A_28 = arith.select %gt3A_25, %gather3A_22, %broadcast_in_dim3A_27 : vector<16xi1>, vector<16xi32>
    %add3A_29 = arith.addi %add3A_17, %select_n3A_28 : vector<16xi32>
    %broadcast_in_dim3A_30 = arith.constant 2 : i32
    %broadcast_in_dim3A_31 = vector.broadcast %broadcast_in_dim3A_30 : i32 to vector<16xi32>
    %broadcast_in_dim3A_32 = vector.shape_cast %broadcast_in_dim3A_31 : vector<16xi32> to vector<16x1xi32>
    %gather3A_33 = vector.shape_cast %broadcast_in_dim3A_32 : vector<16x1xi32> to vector<16xi32>
    %gather3A_34 = tpu.dynamic_gather %shift_right_arithmetic3A_8[%gather3A_33] in [0] : vector<16xi32>, vector<16xi32> -> vector<16xi32>
    %gt3A_35 = arith.constant 2 : i32
    %gt3A_36 = vector.broadcast %gt3A_35 : i32 to vector<16xi32>
    %gt3A_37 = arith.cmpi sgt, %iota3A, %gt3A_36 : vector<16xi32>
    %jit3A_38 = arith.constant 0 : i32
    %broadcast_in_dim3A_39 = vector.broadcast %jit3A_38 : i32 to vector<16xi32>
    %select_n3A_40 = arith.select %gt3A_37, %gather3A_34, %broadcast_in_dim3A_39 : vector<16xi1>, vector<16xi32>
    %add3A_41 = arith.addi %add3A_29, %select_n3A_40 : vector<16xi32>
    %broadcast_in_dim3A_42 = arith.constant 3 : i32
    %broadcast_in_dim3A_43 = vector.broadcast %broadcast_in_dim3A_42 : i32 to vector<16xi32>
    %broadcast_in_dim3A_44 = vector.shape_cast %broadcast_in_dim3A_43 : vector<16xi32> to vector<16x1xi32>
    %gather3A_45 = vector.shape_cast %broadcast_in_dim3A_44 : vector<16x1xi32> to vector<16xi32>
    %gather3A_46 = tpu.dynamic_gather %shift_right_arithmetic3A_8[%gather3A_45] in [0] : vector<16xi32>, vector<16xi32> -> vector<16xi32>
    %gt3A_47 = arith.constant 3 : i32
    %gt3A_48 = vector.broadcast %gt3A_47 : i32 to vector<16xi32>
    %gt3A_49 = arith.cmpi sgt, %iota3A, %gt3A_48 : vector<16xi32>
    %jit3A_50 = arith.constant 0 : i32
    %broadcast_in_dim3A_51 = vector.broadcast %jit3A_50 : i32 to vector<16xi32>
    %select_n3A_52 = arith.select %gt3A_49, %gather3A_46, %broadcast_in_dim3A_51 : vector<16xi1>, vector<16xi32>
    %add3A_53 = arith.addi %add3A_41, %select_n3A_52 : vector<16xi32>
    %broadcast_in_dim3A_54 = arith.constant 4 : i32
    %broadcast_in_dim3A_55 = vector.broadcast %broadcast_in_dim3A_54 : i32 to vector<16xi32>
    %broadcast_in_dim3A_56 = vector.shape_cast %broadcast_in_dim3A_55 : vector<16xi32> to vector<16x1xi32>
    %gather3A_57 = vector.shape_cast %broadcast_in_dim3A_56 : vector<16x1xi32> to vector<16xi32>
    %gather3A_58 = tpu.dynamic_gather %shift_right_arithmetic3A_8[%gather3A_57] in [0] : vector<16xi32>, vector<16xi32> -> vector<16xi32>
    %gt3A_59 = arith.constant 4 : i32
    %gt3A_60 = vector.broadcast %gt3A_59 : i32 to vector<16xi32>
    %gt3A_61 = arith.cmpi sgt, %iota3A, %gt3A_60 : vector<16xi32>
    %jit3A_62 = arith.constant 0 : i32
    %broadcast_in_dim3A_63 = vector.broadcast %jit3A_62 : i32 to vector<16xi32>
    %select_n3A_64 = arith.select %gt3A_61, %gather3A_58, %broadcast_in_dim3A_63 : vector<16xi1>, vector<16xi32>
    %add3A_65 = arith.addi %add3A_53, %select_n3A_64 : vector<16xi32>
    %broadcast_in_dim3A_66 = arith.constant 5 : i32
    %broadcast_in_dim3A_67 = vector.broadcast %broadcast_in_dim3A_66 : i32 to vector<16xi32>
    %broadcast_in_dim3A_68 = vector.shape_cast %broadcast_in_dim3A_67 : vector<16xi32> to vector<16x1xi32>
    %gather3A_69 = vector.shape_cast %broadcast_in_dim3A_68 : vector<16x1xi32> to vector<16xi32>
    %gather3A_70 = tpu.dynamic_gather %shift_right_arithmetic3A_8[%gather3A_69] in [0] : vector<16xi32>, vector<16xi32> -> vector<16xi32>
    %gt3A_71 = arith.constant 5 : i32
    %gt3A_72 = vector.broadcast %gt3A_71 : i32 to vector<16xi32>
    %gt3A_73 = arith.cmpi sgt, %iota3A, %gt3A_72 : vector<16xi32>
    %jit3A_74 = arith.constant 0 : i32
    %broadcast_in_dim3A_75 = vector.broadcast %jit3A_74 : i32 to vector<16xi32>
    %select_n3A_76 = arith.select %gt3A_73, %gather3A_70, %broadcast_in_dim3A_75 : vector<16xi1>, vector<16xi32>
    %add3A_77 = arith.addi %add3A_65, %select_n3A_76 : vector<16xi32>
    %broadcast_in_dim3A_78 = arith.constant 6 : i32
    %broadcast_in_dim3A_79 = vector.broadcast %broadcast_in_dim3A_78 : i32 to vector<16xi32>
    %broadcast_in_dim3A_80 = vector.shape_cast %broadcast_in_dim3A_79 : vector<16xi32> to vector<16x1xi32>
    %gather3A_81 = vector.shape_cast %broadcast_in_dim3A_80 : vector<16x1xi32> to vector<16xi32>
    %gather3A_82 = tpu.dynamic_gather %shift_right_arithmetic3A_8[%gather3A_81] in [0] : vector<16xi32>, vector<16xi32> -> vector<16xi32>
    %gt3A_83 = arith.constant 6 : i32
    %gt3A_84 = vector.broadcast %gt3A_83 : i32 to vector<16xi32>
    %gt3A_85 = arith.cmpi sgt, %iota3A, %gt3A_84 : vector<16xi32>
    %jit3A_86 = arith.constant 0 : i32
    %broadcast_in_dim3A_87 = vector.broadcast %jit3A_86 : i32 to vector<16xi32>
    %select_n3A_88 = arith.select %gt3A_85, %gather3A_82, %broadcast_in_dim3A_87 : vector<16xi1>, vector<16xi32>
    %add3A_89 = arith.addi %add3A_77, %select_n3A_88 : vector<16xi32>
    %mul3A_90 = arith.constant 256 : i32
    %mul3A_91 = vector.broadcast %mul3A_90 : i32 to vector<16xi32>
    %mul3A_92 = arith.muli %add3A_89, %mul3A_91 : vector<16xi32>
    %add3A_93 = arith.addi %add3A_89, %shift_right_arithmetic3A_8 : vector<16xi32>
    %add3A_94 = arith.constant 0 : i32
    %add3A_95 = arith.addi %mul3A_2, %add3A_94 : i32
    "tpu.region"() ({
      %run_scoped3A_284 = tpu.sem_alloc : memref<!tpu.dma_semaphore, #tpu.memory_space<semaphore_mem>>
      %dma_start3A_285 = tpu.memref_slice %arg3[%add3A_95] : memref<4096xi32, #tpu.memory_space<hbm>> -> memref<64xi32, #tpu.memory_space<hbm>>
      %dma_start3A_286 = tpu.memref_slice %arg3[%add3A_95] : memref<4096xi32, #tpu.memory_space<hbm>> -> memref<64xi32, #tpu.memory_space<hbm>>
      tpu.enqueue_dma source(%dma_start3A_286 : memref<64xi32, #tpu.memory_space<hbm>>) target(%arg14 : memref<64xi32, #tpu.memory_space<vmem>>) target_semaphore(%run_scoped3A_284 : memref<!tpu.dma_semaphore, #tpu.memory_space<semaphore_mem>>)
      %dma_wait3A_287 = tpu.memref_slice %arg3[%add3A_95] : memref<4096xi32, #tpu.memory_space<hbm>> -> memref<64xi32, #tpu.memory_space<hbm>>
      %dma_wait3A_288 = tpu.memref_slice %arg3[%add3A_95] : memref<4096xi32, #tpu.memory_space<hbm>> -> memref<64xi32, #tpu.memory_space<hbm>>
      tpu.wait_dma2 semaphore(%run_scoped3A_284 : memref<!tpu.dma_semaphore, #tpu.memory_space<semaphore_mem>>) src(%dma_wait3A_288 : memref<64xi32, #tpu.memory_space<hbm>>) dst(%arg14 : memref<64xi32, #tpu.memory_space<vmem>>)
      tpu.yield
    }) : () -> ()
    "tpu.region"() ({
      %run_scoped3A_284 = tpu.sem_alloc : memref<!tpu.dma_semaphore, #tpu.memory_space<semaphore_mem>>
      %dma_start3A_285 = tpu.memref_slice %arg5[%add3A_95] : memref<4096xi32, #tpu.memory_space<hbm>> -> memref<64xi32, #tpu.memory_space<hbm>>
      %dma_start3A_286 = tpu.memref_slice %arg5[%add3A_95] : memref<4096xi32, #tpu.memory_space<hbm>> -> memref<64xi32, #tpu.memory_space<hbm>>
      tpu.enqueue_dma source(%dma_start3A_286 : memref<64xi32, #tpu.memory_space<hbm>>) target(%arg15 : memref<64xi32, #tpu.memory_space<vmem>>) target_semaphore(%run_scoped3A_284 : memref<!tpu.dma_semaphore, #tpu.memory_space<semaphore_mem>>)
      %dma_wait3A_287 = tpu.memref_slice %arg5[%add3A_95] : memref<4096xi32, #tpu.memory_space<hbm>> -> memref<64xi32, #tpu.memory_space<hbm>>
      %dma_wait3A_288 = tpu.memref_slice %arg5[%add3A_95] : memref<4096xi32, #tpu.memory_space<hbm>> -> memref<64xi32, #tpu.memory_space<hbm>>
      tpu.wait_dma2 semaphore(%run_scoped3A_284 : memref<!tpu.dma_semaphore, #tpu.memory_space<semaphore_mem>>) src(%dma_wait3A_288 : memref<64xi32, #tpu.memory_space<hbm>>) dst(%arg15 : memref<64xi32, #tpu.memory_space<vmem>>)
      tpu.yield
    }) : () -> ()
    %get3A_96 = arith.constant 0 : index
    %get3A_97 = tpu.vector_load %arg14[%get3A_96] {strides = array<i32>} : memref<64xi32, #tpu.memory_space<vmem>>, vector<16xi32>,
    %broadcast_in_dim3A_98 = vector.shape_cast %get3A_97 : vector<16xi32> to vector<16x1xi32>
    %gather3A_99 = vector.shape_cast %broadcast_in_dim3A_98 : vector<16x1xi32> to vector<16xi32>
    %gather3A_100 = tpu.dynamic_gather %mul3A_92[%gather3A_99] in [0] : vector<16xi32>, vector<16xi32> -> vector<16xi32>
    %get3A_101 = arith.constant 0 : index
    %get3A_102 = tpu.vector_load %arg15[%get3A_101] {strides = array<i32>} : memref<64xi32, #tpu.memory_space<vmem>>, vector<16xi32>,
    %add3A_103 = arith.addi %gather3A_100, %get3A_102 : vector<16xi32>
    %swap3A = arith.constant 0 : index
    %swap3A_104 = tpu.vector_load %arg16[%swap3A] {strides = array<i32>} : memref<64xi32, #tpu.memory_space<vmem>>, vector<16xi32>,
    tpu.vector_store %arg16[%swap3A], %add3A_103 {strides = array<i32>} : memref<64xi32, #tpu.memory_space<vmem>>, vector<16xi32>,
    %get3A_105 = arith.constant 16 : index
    %get3A_106 = tpu.vector_load %arg14[%get3A_105] {strides = array<i32>} : memref<64xi32, #tpu.memory_space<vmem>>, vector<16xi32>,
    %broadcast_in_dim3A_107 = vector.shape_cast %get3A_106 : vector<16xi32> to vector<16x1xi32>
    %gather3A_108 = vector.shape_cast %broadcast_in_dim3A_107 : vector<16x1xi32> to vector<16xi32>
    %gather3A_109 = tpu.dynamic_gather %mul3A_92[%gather3A_108] in [0] : vector<16xi32>, vector<16xi32> -> vector<16xi32>
    %get3A_110 = arith.constant 16 : index
    %get3A_111 = tpu.vector_load %arg15[%get3A_110] {strides = array<i32>} : memref<64xi32, #tpu.memory_space<vmem>>, vector<16xi32>,
    %add3A_112 = arith.addi %gather3A_109, %get3A_111 : vector<16xi32>
    %swap3A_113 = arith.constant 16 : index
    %swap3A_114 = tpu.vector_load %arg16[%swap3A_113] {strides = array<i32>} : memref<64xi32, #tpu.memory_space<vmem>>, vector<16xi32>,
    tpu.vector_store %arg16[%swap3A_113], %add3A_112 {strides = array<i32>} : memref<64xi32, #tpu.memory_space<vmem>>, vector<16xi32>,
    %get3A_115 = arith.constant 32 : index
    %get3A_116 = tpu.vector_load %arg14[%get3A_115] {strides = array<i32>} : memref<64xi32, #tpu.memory_space<vmem>>, vector<16xi32>,
    %broadcast_in_dim3A_117 = vector.shape_cast %get3A_116 : vector<16xi32> to vector<16x1xi32>
    %gather3A_118 = vector.shape_cast %broadcast_in_dim3A_117 : vector<16x1xi32> to vector<16xi32>
    %gather3A_119 = tpu.dynamic_gather %mul3A_92[%gather3A_118] in [0] : vector<16xi32>, vector<16xi32> -> vector<16xi32>
    %get3A_120 = arith.constant 32 : index
    %get3A_121 = tpu.vector_load %arg15[%get3A_120] {strides = array<i32>} : memref<64xi32, #tpu.memory_space<vmem>>, vector<16xi32>,
    %add3A_122 = arith.addi %gather3A_119, %get3A_121 : vector<16xi32>
    %swap3A_123 = arith.constant 32 : index
    %swap3A_124 = tpu.vector_load %arg16[%swap3A_123] {strides = array<i32>} : memref<64xi32, #tpu.memory_space<vmem>>, vector<16xi32>,
    tpu.vector_store %arg16[%swap3A_123], %add3A_122 {strides = array<i32>} : memref<64xi32, #tpu.memory_space<vmem>>, vector<16xi32>,
    %get3A_125 = arith.constant 48 : index
    %get3A_126 = tpu.vector_load %arg14[%get3A_125] {strides = array<i32>} : memref<64xi32, #tpu.memory_space<vmem>>, vector<16xi32>,
    %broadcast_in_dim3A_127 = vector.shape_cast %get3A_126 : vector<16xi32> to vector<16x1xi32>
    %gather3A_128 = vector.shape_cast %broadcast_in_dim3A_127 : vector<16x1xi32> to vector<16xi32>
    %gather3A_129 = tpu.dynamic_gather %mul3A_92[%gather3A_128] in [0] : vector<16xi32>, vector<16xi32> -> vector<16xi32>
    %get3A_130 = arith.constant 48 : index
    %get3A_131 = tpu.vector_load %arg15[%get3A_130] {strides = array<i32>} : memref<64xi32, #tpu.memory_space<vmem>>, vector<16xi32>,
    %add3A_132 = arith.addi %gather3A_129, %get3A_131 : vector<16xi32>
    %swap3A_133 = arith.constant 48 : index
    %swap3A_134 = tpu.vector_load %arg16[%swap3A_133] {strides = array<i32>} : memref<64xi32, #tpu.memory_space<vmem>>, vector<16xi32>,
    tpu.vector_store %arg16[%swap3A_133], %add3A_132 {strides = array<i32>} : memref<64xi32, #tpu.memory_space<vmem>>, vector<16xi32>,
    "tpu.region"() ({
      %run_scoped3A_284 = tpu.sem_alloc : memref<!tpu.dma_semaphore, #tpu.memory_space<semaphore_mem>>
      %dma_start3A_285 = tpu.memref_slice %arg4[%add3A_95] : memref<4096xi32, #tpu.memory_space<hbm>> -> memref<64xi32, #tpu.memory_space<hbm>>
      %dma_start3A_286 = tpu.memref_slice %arg4[%add3A_95] : memref<4096xi32, #tpu.memory_space<hbm>> -> memref<64xi32, #tpu.memory_space<hbm>>
      tpu.enqueue_dma source(%dma_start3A_286 : memref<64xi32, #tpu.memory_space<hbm>>) target(%arg14 : memref<64xi32, #tpu.memory_space<vmem>>) target_semaphore(%run_scoped3A_284 : memref<!tpu.dma_semaphore, #tpu.memory_space<semaphore_mem>>)
      %dma_wait3A_287 = tpu.memref_slice %arg4[%add3A_95] : memref<4096xi32, #tpu.memory_space<hbm>> -> memref<64xi32, #tpu.memory_space<hbm>>
      %dma_wait3A_288 = tpu.memref_slice %arg4[%add3A_95] : memref<4096xi32, #tpu.memory_space<hbm>> -> memref<64xi32, #tpu.memory_space<hbm>>
      tpu.wait_dma2 semaphore(%run_scoped3A_284 : memref<!tpu.dma_semaphore, #tpu.memory_space<semaphore_mem>>) src(%dma_wait3A_288 : memref<64xi32, #tpu.memory_space<hbm>>) dst(%arg14 : memref<64xi32, #tpu.memory_space<vmem>>)
      tpu.yield
    }) : () -> ()
    "tpu.region"() ({
      %run_scoped3A_284 = tpu.sem_alloc : memref<!tpu.dma_semaphore, #tpu.memory_space<semaphore_mem>>
      %dma_start3A_285 = tpu.memref_slice %arg6[%add3A_95] : memref<4096xi32, #tpu.memory_space<hbm>> -> memref<64xi32, #tpu.memory_space<hbm>>
      %dma_start3A_286 = tpu.memref_slice %arg6[%add3A_95] : memref<4096xi32, #tpu.memory_space<hbm>> -> memref<64xi32, #tpu.memory_space<hbm>>
      tpu.enqueue_dma source(%dma_start3A_286 : memref<64xi32, #tpu.memory_space<hbm>>) target(%arg15 : memref<64xi32, #tpu.memory_space<vmem>>) target_semaphore(%run_scoped3A_284 : memref<!tpu.dma_semaphore, #tpu.memory_space<semaphore_mem>>)
      %dma_wait3A_287 = tpu.memref_slice %arg6[%add3A_95] : memref<4096xi32, #tpu.memory_space<hbm>> -> memref<64xi32, #tpu.memory_space<hbm>>
      %dma_wait3A_288 = tpu.memref_slice %arg6[%add3A_95] : memref<4096xi32, #tpu.memory_space<hbm>> -> memref<64xi32, #tpu.memory_space<hbm>>
      tpu.wait_dma2 semaphore(%run_scoped3A_284 : memref<!tpu.dma_semaphore, #tpu.memory_space<semaphore_mem>>) src(%dma_wait3A_288 : memref<64xi32, #tpu.memory_space<hbm>>) dst(%arg15 : memref<64xi32, #tpu.memory_space<vmem>>)
      tpu.yield
    }) : () -> ()
    %get3A_135 = arith.constant 0 : index
    %get3A_136 = tpu.vector_load %arg14[%get3A_135] {strides = array<i32>} : memref<64xi32, #tpu.memory_space<vmem>>, vector<16xi32>,
    %broadcast_in_dim3A_137 = vector.shape_cast %get3A_136 : vector<16xi32> to vector<16x1xi32>
    %gather3A_138 = vector.shape_cast %broadcast_in_dim3A_137 : vector<16x1xi32> to vector<16xi32>
    %gather3A_139 = tpu.dynamic_gather %mul3A_92[%gather3A_138] in [0] : vector<16xi32>, vector<16xi32> -> vector<16xi32>
    %get3A_140 = arith.constant 0 : index
    %get3A_141 = tpu.vector_load %arg15[%get3A_140] {strides = array<i32>} : memref<64xi32, #tpu.memory_space<vmem>>, vector<16xi32>,
    %add3A_142 = arith.addi %gather3A_139, %get3A_141 : vector<16xi32>
    %swap3A_143 = arith.constant 0 : index
    %swap3A_144 = tpu.vector_load %arg17[%swap3A_143] {strides = array<i32>} : memref<64xi32, #tpu.memory_space<vmem>>, vector<16xi32>,
    tpu.vector_store %arg17[%swap3A_143], %add3A_142 {strides = array<i32>} : memref<64xi32, #tpu.memory_space<vmem>>, vector<16xi32>,
    %get3A_145 = arith.constant 16 : index
    %get3A_146 = tpu.vector_load %arg14[%get3A_145] {strides = array<i32>} : memref<64xi32, #tpu.memory_space<vmem>>, vector<16xi32>,
    %broadcast_in_dim3A_147 = vector.shape_cast %get3A_146 : vector<16xi32> to vector<16x1xi32>
    %gather3A_148 = vector.shape_cast %broadcast_in_dim3A_147 : vector<16x1xi32> to vector<16xi32>
    %gather3A_149 = tpu.dynamic_gather %mul3A_92[%gather3A_148] in [0] : vector<16xi32>, vector<16xi32> -> vector<16xi32>
    %get3A_150 = arith.constant 16 : index
    %get3A_151 = tpu.vector_load %arg15[%get3A_150] {strides = array<i32>} : memref<64xi32, #tpu.memory_space<vmem>>, vector<16xi32>,
    %add3A_152 = arith.addi %gather3A_149, %get3A_151 : vector<16xi32>
    %swap3A_153 = arith.constant 16 : index
    %swap3A_154 = tpu.vector_load %arg17[%swap3A_153] {strides = array<i32>} : memref<64xi32, #tpu.memory_space<vmem>>, vector<16xi32>,
    tpu.vector_store %arg17[%swap3A_153], %add3A_152 {strides = array<i32>} : memref<64xi32, #tpu.memory_space<vmem>>, vector<16xi32>,
    %get3A_155 = arith.constant 32 : index
    %get3A_156 = tpu.vector_load %arg14[%get3A_155] {strides = array<i32>} : memref<64xi32, #tpu.memory_space<vmem>>, vector<16xi32>,
    %broadcast_in_dim3A_157 = vector.shape_cast %get3A_156 : vector<16xi32> to vector<16x1xi32>
    %gather3A_158 = vector.shape_cast %broadcast_in_dim3A_157 : vector<16x1xi32> to vector<16xi32>
    %gather3A_159 = tpu.dynamic_gather %mul3A_92[%gather3A_158] in [0] : vector<16xi32>, vector<16xi32> -> vector<16xi32>
    %get3A_160 = arith.constant 32 : index
    %get3A_161 = tpu.vector_load %arg15[%get3A_160] {strides = array<i32>} : memref<64xi32, #tpu.memory_space<vmem>>, vector<16xi32>,
    %add3A_162 = arith.addi %gather3A_159, %get3A_161 : vector<16xi32>
    %swap3A_163 = arith.constant 32 : index
    %swap3A_164 = tpu.vector_load %arg17[%swap3A_163] {strides = array<i32>} : memref<64xi32, #tpu.memory_space<vmem>>, vector<16xi32>,
    tpu.vector_store %arg17[%swap3A_163], %add3A_162 {strides = array<i32>} : memref<64xi32, #tpu.memory_space<vmem>>, vector<16xi32>,
    %get3A_165 = arith.constant 48 : index
    %get3A_166 = tpu.vector_load %arg14[%get3A_165] {strides = array<i32>} : memref<64xi32, #tpu.memory_space<vmem>>, vector<16xi32>,
    %broadcast_in_dim3A_167 = vector.shape_cast %get3A_166 : vector<16xi32> to vector<16x1xi32>
    %gather3A_168 = vector.shape_cast %broadcast_in_dim3A_167 : vector<16x1xi32> to vector<16xi32>
    %gather3A_169 = tpu.dynamic_gather %mul3A_92[%gather3A_168] in [0] : vector<16xi32>, vector<16xi32> -> vector<16xi32>
    %get3A_170 = arith.constant 48 : index
    %get3A_171 = tpu.vector_load %arg15[%get3A_170] {strides = array<i32>} : memref<64xi32, #tpu.memory_space<vmem>>, vector<16xi32>,
    %add3A_172 = arith.addi %gather3A_169, %get3A_171 : vector<16xi32>
    %swap3A_173 = arith.constant 48 : index
    %swap3A_174 = tpu.vector_load %arg17[%swap3A_173] {strides = array<i32>} : memref<64xi32, #tpu.memory_space<vmem>>, vector<16xi32>,
    tpu.vector_store %arg17[%swap3A_173], %add3A_172 {strides = array<i32>} : memref<64xi32, #tpu.memory_space<vmem>>, vector<16xi32>,
    "tpu.region"() ({
      %run_scoped3A_284 = tpu.sem_alloc : memref<!tpu.dma_semaphore, #tpu.memory_space<semaphore_mem>>
      %dma_start3A_285 = arith.constant 0 : i32
      %dma_start3A_286 = tpu.memref_slice %arg2[%add3A_95, %dma_start3A_285] : memref<4096x1024xf32, #tpu.memory_space<hbm>> -> memref<64x1024xf32, #tpu.memory_space<hbm>>
      %dma_start3A_287 = arith.constant 0 : i32
      %dma_start3A_288 = tpu.memref_slice %arg2[%add3A_95, %dma_start3A_287] : memref<4096x1024xf32, #tpu.memory_space<hbm>> -> memref<64x1024xf32, #tpu.memory_space<hbm>>
      tpu.enqueue_dma source(%dma_start3A_288 : memref<64x1024xf32, #tpu.memory_space<hbm>>) target(%arg18 : memref<64x1024xf32, #tpu.memory_space<vmem>>) target_semaphore(%run_scoped3A_284 : memref<!tpu.dma_semaphore, #tpu.memory_space<semaphore_mem>>)
      %dma_wait3A_289 = arith.constant 0 : i32
      %dma_wait3A_290 = tpu.memref_slice %arg2[%add3A_95, %dma_wait3A_289] : memref<4096x1024xf32, #tpu.memory_space<hbm>> -> memref<64x1024xf32, #tpu.memory_space<hbm>>
      %dma_wait3A_291 = arith.constant 0 : i32
      %dma_wait3A_292 = tpu.memref_slice %arg2[%add3A_95, %dma_wait3A_291] : memref<4096x1024xf32, #tpu.memory_space<hbm>> -> memref<64x1024xf32, #tpu.memory_space<hbm>>
      tpu.wait_dma2 semaphore(%run_scoped3A_284 : memref<!tpu.dma_semaphore, #tpu.memory_space<semaphore_mem>>) src(%dma_wait3A_292 : memref<64x1024xf32, #tpu.memory_space<hbm>>) dst(%arg18 : memref<64x1024xf32, #tpu.memory_space<vmem>>)
      tpu.yield
    }) : () -> ()
    %dma_start3A = arith.constant 0 : i32
    %dma_start3A_175 = arith.constant 0 : i32
    %dma_start3A_176 = tpu.memref_slice %arg8[%dma_start3A, %dma_start3A_175] : memref<10240x1024xf32, #tpu.memory_space<hbm>> -> memref<10240x1024xf32, #tpu.memory_space<hbm>>
    tpu.enqueue_indirect_dma source(%arg18 : memref<64x1024xf32, #tpu.memory_space<vmem>>) target(%dma_start3A_176 : memref<10240x1024xf32, #tpu.memory_space<hbm>>) offsets(%arg16 : memref<64xi32, #tpu.memory_space<vmem>>) semaphore(%arg22 : memref<!tpu.dma_semaphore, #tpu.memory_space<semaphore_mem>>)
    %dma_start3A_177 = arith.constant 0 : i32
    %dma_start3A_178 = arith.constant 0 : i32
    %dma_start3A_179 = tpu.memref_slice %arg8[%dma_start3A_177, %dma_start3A_178] : memref<10240x1024xf32, #tpu.memory_space<hbm>> -> memref<10240x1024xf32, #tpu.memory_space<hbm>>
    tpu.enqueue_indirect_dma source(%arg18 : memref<64x1024xf32, #tpu.memory_space<vmem>>) target(%dma_start3A_179 : memref<10240x1024xf32, #tpu.memory_space<hbm>>) offsets(%arg17 : memref<64xi32, #tpu.memory_space<vmem>>) semaphore(%arg23 : memref<!tpu.dma_semaphore, #tpu.memory_space<semaphore_mem>>)
    %run_scoped3A = arith.constant 0 : i32
    "tpu.region"() ({
      %run_scoped3A_284 = tpu.sem_alloc : memref<!tpu.dma_semaphore, #tpu.memory_space<semaphore_mem>>
      %dma_start3A_285 = tpu.memref_slice %arg9[%run_scoped3A, %add3A_95] : memref<2x4096xi32, #tpu.memory_space<hbm>> -> memref<1x64xi32, #tpu.memory_space<hbm>>
      %dma_start3A_286 = tpu.memref_squeeze %dma_start3A_285 : memref<1x64xi32, #tpu.memory_space<hbm>> -> memref<64xi32, #tpu.memory_space<hbm>>
      %dma_start3A_287 = tpu.memref_slice %arg9[%run_scoped3A, %add3A_95] : memref<2x4096xi32, #tpu.memory_space<hbm>> -> memref<1x64xi32, #tpu.memory_space<hbm>>
      %dma_start3A_288 = tpu.memref_squeeze %dma_start3A_287 : memref<1x64xi32, #tpu.memory_space<hbm>> -> memref<64xi32, #tpu.memory_space<hbm>>
      tpu.enqueue_dma source(%arg16 : memref<64xi32, #tpu.memory_space<vmem>>) target(%dma_start3A_288 : memref<64xi32, #tpu.memory_space<hbm>>) target_semaphore(%run_scoped3A_284 : memref<!tpu.dma_semaphore, #tpu.memory_space<semaphore_mem>>)
      %dma_wait3A_289 = tpu.memref_slice %arg9[%run_scoped3A, %add3A_95] : memref<2x4096xi32, #tpu.memory_space<hbm>> -> memref<1x64xi32, #tpu.memory_space<hbm>>
      %dma_wait3A_290 = tpu.memref_squeeze %dma_wait3A_289 : memref<1x64xi32, #tpu.memory_space<hbm>> -> memref<64xi32, #tpu.memory_space<hbm>>
      %dma_wait3A_291 = tpu.memref_slice %arg9[%run_scoped3A, %add3A_95] : memref<2x4096xi32, #tpu.memory_space<hbm>> -> memref<1x64xi32, #tpu.memory_space<hbm>>
      %dma_wait3A_292 = tpu.memref_squeeze %dma_wait3A_291 : memref<1x64xi32, #tpu.memory_space<hbm>> -> memref<64xi32, #tpu.memory_space<hbm>>
      tpu.wait_dma2 semaphore(%run_scoped3A_284 : memref<!tpu.dma_semaphore, #tpu.memory_space<semaphore_mem>>) src(%arg16 : memref<64xi32, #tpu.memory_space<vmem>>) dst(%dma_wait3A_292 : memref<64xi32, #tpu.memory_space<hbm>>)
      tpu.yield
    }) : () -> ()
    %run_scoped3A_180 = arith.constant 1 : i32
    "tpu.region"() ({
      %run_scoped3A_284 = tpu.sem_alloc : memref<!tpu.dma_semaphore, #tpu.memory_space<semaphore_mem>>
      %dma_start3A_285 = tpu.memref_slice %arg9[%run_scoped3A_180, %add3A_95] : memref<2x4096xi32, #tpu.memory_space<hbm>> -> memref<1x64xi32, #tpu.memory_space<hbm>>
      %dma_start3A_286 = tpu.memref_squeeze %dma_start3A_285 : memref<1x64xi32, #tpu.memory_space<hbm>> -> memref<64xi32, #tpu.memory_space<hbm>>
      %dma_start3A_287 = tpu.memref_slice %arg9[%run_scoped3A_180, %add3A_95] : memref<2x4096xi32, #tpu.memory_space<hbm>> -> memref<1x64xi32, #tpu.memory_space<hbm>>
      %dma_start3A_288 = tpu.memref_squeeze %dma_start3A_287 : memref<1x64xi32, #tpu.memory_space<hbm>> -> memref<64xi32, #tpu.memory_space<hbm>>
      tpu.enqueue_dma source(%arg17 : memref<64xi32, #tpu.memory_space<vmem>>) target(%dma_start3A_288 : memref<64xi32, #tpu.memory_space<hbm>>) target_semaphore(%run_scoped3A_284 : memref<!tpu.dma_semaphore, #tpu.memory_space<semaphore_mem>>)
      %dma_wait3A_289 = tpu.memref_slice %arg9[%run_scoped3A_180, %add3A_95] : memref<2x4096xi32, #tpu.memory_space<hbm>> -> memref<1x64xi32, #tpu.memory_space<hbm>>
      %dma_wait3A_290 = tpu.memref_squeeze %dma_wait3A_289 : memref<1x64xi32, #tpu.memory_space<hbm>> -> memref<64xi32, #tpu.memory_space<hbm>>
      %dma_wait3A_291 = tpu.memref_slice %arg9[%run_scoped3A_180, %add3A_95] : memref<2x4096xi32, #tpu.memory_space<hbm>> -> memref<1x64xi32, #tpu.memory_space<hbm>>
      %dma_wait3A_292 = tpu.memref_squeeze %dma_wait3A_291 : memref<1x64xi32, #tpu.memory_space<hbm>> -> memref<64xi32, #tpu.memory_space<hbm>>
      tpu.wait_dma2 semaphore(%run_scoped3A_284 : memref<!tpu.dma_semaphore, #tpu.memory_space<semaphore_mem>>) src(%arg17 : memref<64xi32, #tpu.memory_space<vmem>>) dst(%dma_wait3A_292 : memref<64xi32, #tpu.memory_space<hbm>>)
      tpu.yield
    }) : () -> ()
    %dma_wait3A = arith.constant 0 : i32
    %dma_wait3A_181 = arith.constant 0 : i32
    %dma_wait3A_182 = tpu.memref_slice %arg8[%dma_wait3A, %dma_wait3A_181] : memref<10240x1024xf32, #tpu.memory_space<hbm>> -> memref<10240x1024xf32, #tpu.memory_space<hbm>>
    tpu.wait_indirect_dma semaphore(%arg22 : memref<!tpu.dma_semaphore, #tpu.memory_space<semaphore_mem>>) src(%arg18 : memref<64x1024xf32, #tpu.memory_space<vmem>>) dst(%dma_wait3A_182 : memref<10240x1024xf32, #tpu.memory_space<hbm>>)
    %dma_wait3A_183 = arith.constant 0 : i32
    %dma_wait3A_184 = arith.constant 0 : i32
    %dma_wait3A_185 = tpu.memref_slice %arg8[%dma_wait3A_183, %dma_wait3A_184] : memref<10240x1024xf32, #tpu.memory_space<hbm>> -> memref<10240x1024xf32, #tpu.memory_space<hbm>>
    tpu.wait_indirect_dma semaphore(%arg23 : memref<!tpu.dma_semaphore, #tpu.memory_space<semaphore_mem>>) src(%arg18 : memref<64x1024xf32, #tpu.memory_space<vmem>>) dst(%dma_wait3A_185 : memref<10240x1024xf32, #tpu.memory_space<hbm>>)
    %add3A_186 = arith.constant 64 : i32
    %add3A_187 = arith.addi %mul3A_2, %add3A_186 : i32
    "tpu.region"() ({
      %run_scoped3A_284 = tpu.sem_alloc : memref<!tpu.dma_semaphore, #tpu.memory_space<semaphore_mem>>
      %dma_start3A_285 = tpu.memref_slice %arg3[%add3A_187] : memref<4096xi32, #tpu.memory_space<hbm>> -> memref<64xi32, #tpu.memory_space<hbm>>
      %dma_start3A_286 = tpu.memref_slice %arg3[%add3A_187] : memref<4096xi32, #tpu.memory_space<hbm>> -> memref<64xi32, #tpu.memory_space<hbm>>
      tpu.enqueue_dma source(%dma_start3A_286 : memref<64xi32, #tpu.memory_space<hbm>>) target(%arg14 : memref<64xi32, #tpu.memory_space<vmem>>) target_semaphore(%run_scoped3A_284 : memref<!tpu.dma_semaphore, #tpu.memory_space<semaphore_mem>>)
      %dma_wait3A_287 = tpu.memref_slice %arg3[%add3A_187] : memref<4096xi32, #tpu.memory_space<hbm>> -> memref<64xi32, #tpu.memory_space<hbm>>
      %dma_wait3A_288 = tpu.memref_slice %arg3[%add3A_187] : memref<4096xi32, #tpu.memory_space<hbm>> -> memref<64xi32, #tpu.memory_space<hbm>>
      tpu.wait_dma2 semaphore(%run_scoped3A_284 : memref<!tpu.dma_semaphore, #tpu.memory_space<semaphore_mem>>) src(%dma_wait3A_288 : memref<64xi32, #tpu.memory_space<hbm>>) dst(%arg14 : memref<64xi32, #tpu.memory_space<vmem>>)
      tpu.yield
    }) : () -> ()
    "tpu.region"() ({
      %run_scoped3A_284 = tpu.sem_alloc : memref<!tpu.dma_semaphore, #tpu.memory_space<semaphore_mem>>
      %dma_start3A_285 = tpu.memref_slice %arg5[%add3A_187] : memref<4096xi32, #tpu.memory_space<hbm>> -> memref<64xi32, #tpu.memory_space<hbm>>
      %dma_start3A_286 = tpu.memref_slice %arg5[%add3A_187] : memref<4096xi32, #tpu.memory_space<hbm>> -> memref<64xi32, #tpu.memory_space<hbm>>
      tpu.enqueue_dma source(%dma_start3A_286 : memref<64xi32, #tpu.memory_space<hbm>>) target(%arg15 : memref<64xi32, #tpu.memory_space<vmem>>) target_semaphore(%run_scoped3A_284 : memref<!tpu.dma_semaphore, #tpu.memory_space<semaphore_mem>>)
      %dma_wait3A_287 = tpu.memref_slice %arg5[%add3A_187] : memref<4096xi32, #tpu.memory_space<hbm>> -> memref<64xi32, #tpu.memory_space<hbm>>
      %dma_wait3A_288 = tpu.memref_slice %arg5[%add3A_187] : memref<4096xi32, #tpu.memory_space<hbm>> -> memref<64xi32, #tpu.memory_space<hbm>>
      tpu.wait_dma2 semaphore(%run_scoped3A_284 : memref<!tpu.dma_semaphore, #tpu.memory_space<semaphore_mem>>) src(%dma_wait3A_288 : memref<64xi32, #tpu.memory_space<hbm>>) dst(%arg15 : memref<64xi32, #tpu.memory_space<vmem>>)
      tpu.yield
    }) : () -> ()
    %get3A_188 = arith.constant 0 : index
    %get3A_189 = tpu.vector_load %arg14[%get3A_188] {strides = array<i32>} : memref<64xi32, #tpu.memory_space<vmem>>, vector<16xi32>,
    %broadcast_in_dim3A_190 = vector.shape_cast %get3A_189 : vector<16xi32> to vector<16x1xi32>
    %gather3A_191 = vector.shape_cast %broadcast_in_dim3A_190 : vector<16x1xi32> to vector<16xi32>
    %gather3A_192 = tpu.dynamic_gather %mul3A_92[%gather3A_191] in [0] : vector<16xi32>, vector<16xi32> -> vector<16xi32>
    %get3A_193 = arith.constant 0 : index
    %get3A_194 = tpu.vector_load %arg15[%get3A_193] {strides = array<i32>} : memref<64xi32, #tpu.memory_space<vmem>>, vector<16xi32>,
    %add3A_195 = arith.addi %gather3A_192, %get3A_194 : vector<16xi32>
    %swap3A_196 = arith.constant 0 : index
    %swap3A_197 = tpu.vector_load %arg16[%swap3A_196] {strides = array<i32>} : memref<64xi32, #tpu.memory_space<vmem>>, vector<16xi32>,
    tpu.vector_store %arg16[%swap3A_196], %add3A_195 {strides = array<i32>} : memref<64xi32, #tpu.memory_space<vmem>>, vector<16xi32>,
    %get3A_198 = arith.constant 16 : index
    %get3A_199 = tpu.vector_load %arg14[%get3A_198] {strides = array<i32>} : memref<64xi32, #tpu.memory_space<vmem>>, vector<16xi32>,
    %broadcast_in_dim3A_200 = vector.shape_cast %get3A_199 : vector<16xi32> to vector<16x1xi32>
    %gather3A_201 = vector.shape_cast %broadcast_in_dim3A_200 : vector<16x1xi32> to vector<16xi32>
    %gather3A_202 = tpu.dynamic_gather %mul3A_92[%gather3A_201] in [0] : vector<16xi32>, vector<16xi32> -> vector<16xi32>
    %get3A_203 = arith.constant 16 : index
    %get3A_204 = tpu.vector_load %arg15[%get3A_203] {strides = array<i32>} : memref<64xi32, #tpu.memory_space<vmem>>, vector<16xi32>,
    %add3A_205 = arith.addi %gather3A_202, %get3A_204 : vector<16xi32>
    %swap3A_206 = arith.constant 16 : index
    %swap3A_207 = tpu.vector_load %arg16[%swap3A_206] {strides = array<i32>} : memref<64xi32, #tpu.memory_space<vmem>>, vector<16xi32>,
    tpu.vector_store %arg16[%swap3A_206], %add3A_205 {strides = array<i32>} : memref<64xi32, #tpu.memory_space<vmem>>, vector<16xi32>,
    %get3A_208 = arith.constant 32 : index
    %get3A_209 = tpu.vector_load %arg14[%get3A_208] {strides = array<i32>} : memref<64xi32, #tpu.memory_space<vmem>>, vector<16xi32>,
    %broadcast_in_dim3A_210 = vector.shape_cast %get3A_209 : vector<16xi32> to vector<16x1xi32>
    %gather3A_211 = vector.shape_cast %broadcast_in_dim3A_210 : vector<16x1xi32> to vector<16xi32>
    %gather3A_212 = tpu.dynamic_gather %mul3A_92[%gather3A_211] in [0] : vector<16xi32>, vector<16xi32> -> vector<16xi32>
    %get3A_213 = arith.constant 32 : index
    %get3A_214 = tpu.vector_load %arg15[%get3A_213] {strides = array<i32>} : memref<64xi32, #tpu.memory_space<vmem>>, vector<16xi32>,
    %add3A_215 = arith.addi %gather3A_212, %get3A_214 : vector<16xi32>
    %swap3A_216 = arith.constant 32 : index
    %swap3A_217 = tpu.vector_load %arg16[%swap3A_216] {strides = array<i32>} : memref<64xi32, #tpu.memory_space<vmem>>, vector<16xi32>,
    tpu.vector_store %arg16[%swap3A_216], %add3A_215 {strides = array<i32>} : memref<64xi32, #tpu.memory_space<vmem>>, vector<16xi32>,
    %get3A_218 = arith.constant 48 : index
    %get3A_219 = tpu.vector_load %arg14[%get3A_218] {strides = array<i32>} : memref<64xi32, #tpu.memory_space<vmem>>, vector<16xi32>,
    %broadcast_in_dim3A_220 = vector.shape_cast %get3A_219 : vector<16xi32> to vector<16x1xi32>
    %gather3A_221 = vector.shape_cast %broadcast_in_dim3A_220 : vector<16x1xi32> to vector<16xi32>
    %gather3A_222 = tpu.dynamic_gather %mul3A_92[%gather3A_221] in [0] : vector<16xi32>, vector<16xi32> -> vector<16xi32>
    %get3A_223 = arith.constant 48 : index
    %get3A_224 = tpu.vector_load %arg15[%get3A_223] {strides = array<i32>} : memref<64xi32, #tpu.memory_space<vmem>>, vector<16xi32>,
    %add3A_225 = arith.addi %gather3A_222, %get3A_224 : vector<16xi32>
    %swap3A_226 = arith.constant 48 : index
    %swap3A_227 = tpu.vector_load %arg16[%swap3A_226] {strides = array<i32>} : memref<64xi32, #tpu.memory_space<vmem>>, vector<16xi32>,
    tpu.vector_store %arg16[%swap3A_226], %add3A_225 {strides = array<i32>} : memref<64xi32, #tpu.memory_space<vmem>>, vector<16xi32>,
    "tpu.region"() ({
      %run_scoped3A_284 = tpu.sem_alloc : memref<!tpu.dma_semaphore, #tpu.memory_space<semaphore_mem>>
      %dma_start3A_285 = tpu.memref_slice %arg4[%add3A_187] : memref<4096xi32, #tpu.memory_space<hbm>> -> memref<64xi32, #tpu.memory_space<hbm>>
      %dma_start3A_286 = tpu.memref_slice %arg4[%add3A_187] : memref<4096xi32, #tpu.memory_space<hbm>> -> memref<64xi32, #tpu.memory_space<hbm>>
      tpu.enqueue_dma source(%dma_start3A_286 : memref<64xi32, #tpu.memory_space<hbm>>) target(%arg14 : memref<64xi32, #tpu.memory_space<vmem>>) target_semaphore(%run_scoped3A_284 : memref<!tpu.dma_semaphore, #tpu.memory_space<semaphore_mem>>)
      %dma_wait3A_287 = tpu.memref_slice %arg4[%add3A_187] : memref<4096xi32, #tpu.memory_space<hbm>> -> memref<64xi32, #tpu.memory_space<hbm>>
      %dma_wait3A_288 = tpu.memref_slice %arg4[%add3A_187] : memref<4096xi32, #tpu.memory_space<hbm>> -> memref<64xi32, #tpu.memory_space<hbm>>
      tpu.wait_dma2 semaphore(%run_scoped3A_284 : memref<!tpu.dma_semaphore, #tpu.memory_space<semaphore_mem>>) src(%dma_wait3A_288 : memref<64xi32, #tpu.memory_space<hbm>>) dst(%arg14 : memref<64xi32, #tpu.memory_space<vmem>>)
      tpu.yield
    }) : () -> ()
    "tpu.region"() ({
      %run_scoped3A_284 = tpu.sem_alloc : memref<!tpu.dma_semaphore, #tpu.memory_space<semaphore_mem>>
      %dma_start3A_285 = tpu.memref_slice %arg6[%add3A_187] : memref<4096xi32, #tpu.memory_space<hbm>> -> memref<64xi32, #tpu.memory_space<hbm>>
      %dma_start3A_286 = tpu.memref_slice %arg6[%add3A_187] : memref<4096xi32, #tpu.memory_space<hbm>> -> memref<64xi32, #tpu.memory_space<hbm>>
      tpu.enqueue_dma source(%dma_start3A_286 : memref<64xi32, #tpu.memory_space<hbm>>) target(%arg15 : memref<64xi32, #tpu.memory_space<vmem>>) target_semaphore(%run_scoped3A_284 : memref<!tpu.dma_semaphore, #tpu.memory_space<semaphore_mem>>)
      %dma_wait3A_287 = tpu.memref_slice %arg6[%add3A_187] : memref<4096xi32, #tpu.memory_space<hbm>> -> memref<64xi32, #tpu.memory_space<hbm>>
      %dma_wait3A_288 = tpu.memref_slice %arg6[%add3A_187] : memref<4096xi32, #tpu.memory_space<hbm>> -> memref<64xi32, #tpu.memory_space<hbm>>
      tpu.wait_dma2 semaphore(%run_scoped3A_284 : memref<!tpu.dma_semaphore, #tpu.memory_space<semaphore_mem>>) src(%dma_wait3A_288 : memref<64xi32, #tpu.memory_space<hbm>>) dst(%arg15 : memref<64xi32, #tpu.memory_space<vmem>>)
      tpu.yield
    }) : () -> ()
    %get3A_228 = arith.constant 0 : index
    %get3A_229 = tpu.vector_load %arg14[%get3A_228] {strides = array<i32>} : memref<64xi32, #tpu.memory_space<vmem>>, vector<16xi32>,
    %broadcast_in_dim3A_230 = vector.shape_cast %get3A_229 : vector<16xi32> to vector<16x1xi32>
    %gather3A_231 = vector.shape_cast %broadcast_in_dim3A_230 : vector<16x1xi32> to vector<16xi32>
    %gather3A_232 = tpu.dynamic_gather %mul3A_92[%gather3A_231] in [0] : vector<16xi32>, vector<16xi32> -> vector<16xi32>
    %get3A_233 = arith.constant 0 : index
    %get3A_234 = tpu.vector_load %arg15[%get3A_233] {strides = array<i32>} : memref<64xi32, #tpu.memory_space<vmem>>, vector<16xi32>,
    %add3A_235 = arith.addi %gather3A_232, %get3A_234 : vector<16xi32>
    %swap3A_236 = arith.constant 0 : index
    %swap3A_237 = tpu.vector_load %arg17[%swap3A_236] {strides = array<i32>} : memref<64xi32, #tpu.memory_space<vmem>>, vector<16xi32>,
    tpu.vector_store %arg17[%swap3A_236], %add3A_235 {strides = array<i32>} : memref<64xi32, #tpu.memory_space<vmem>>, vector<16xi32>,
    %get3A_238 = arith.constant 16 : index
    %get3A_239 = tpu.vector_load %arg14[%get3A_238] {strides = array<i32>} : memref<64xi32, #tpu.memory_space<vmem>>, vector<16xi32>,
    %broadcast_in_dim3A_240 = vector.shape_cast %get3A_239 : vector<16xi32> to vector<16x1xi32>
    %gather3A_241 = vector.shape_cast %broadcast_in_dim3A_240 : vector<16x1xi32> to vector<16xi32>
    %gather3A_242 = tpu.dynamic_gather %mul3A_92[%gather3A_241] in [0] : vector<16xi32>, vector<16xi32> -> vector<16xi32>
    %get3A_243 = arith.constant 16 : index
    %get3A_244 = tpu.vector_load %arg15[%get3A_243] {strides = array<i32>} : memref<64xi32, #tpu.memory_space<vmem>>, vector<16xi32>,
    %add3A_245 = arith.addi %gather3A_242, %get3A_244 : vector<16xi32>
    %swap3A_246 = arith.constant 16 : index
    %swap3A_247 = tpu.vector_load %arg17[%swap3A_246] {strides = array<i32>} : memref<64xi32, #tpu.memory_space<vmem>>, vector<16xi32>,
    tpu.vector_store %arg17[%swap3A_246], %add3A_245 {strides = array<i32>} : memref<64xi32, #tpu.memory_space<vmem>>, vector<16xi32>,
    %get3A_248 = arith.constant 32 : index
    %get3A_249 = tpu.vector_load %arg14[%get3A_248] {strides = array<i32>} : memref<64xi32, #tpu.memory_space<vmem>>, vector<16xi32>,
    %broadcast_in_dim3A_250 = vector.shape_cast %get3A_249 : vector<16xi32> to vector<16x1xi32>
    %gather3A_251 = vector.shape_cast %broadcast_in_dim3A_250 : vector<16x1xi32> to vector<16xi32>
    %gather3A_252 = tpu.dynamic_gather %mul3A_92[%gather3A_251] in [0] : vector<16xi32>, vector<16xi32> -> vector<16xi32>
    %get3A_253 = arith.constant 32 : index
    %get3A_254 = tpu.vector_load %arg15[%get3A_253] {strides = array<i32>} : memref<64xi32, #tpu.memory_space<vmem>>, vector<16xi32>,
    %add3A_255 = arith.addi %gather3A_252, %get3A_254 : vector<16xi32>
    %swap3A_256 = arith.constant 32 : index
    %swap3A_257 = tpu.vector_load %arg17[%swap3A_256] {strides = array<i32>} : memref<64xi32, #tpu.memory_space<vmem>>, vector<16xi32>,
    tpu.vector_store %arg17[%swap3A_256], %add3A_255 {strides = array<i32>} : memref<64xi32, #tpu.memory_space<vmem>>, vector<16xi32>,
    %get3A_258 = arith.constant 48 : index
    %get3A_259 = tpu.vector_load %arg14[%get3A_258] {strides = array<i32>} : memref<64xi32, #tpu.memory_space<vmem>>, vector<16xi32>,
    %broadcast_in_dim3A_260 = vector.shape_cast %get3A_259 : vector<16xi32> to vector<16x1xi32>
    %gather3A_261 = vector.shape_cast %broadcast_in_dim3A_260 : vector<16x1xi32> to vector<16xi32>
    %gather3A_262 = tpu.dynamic_gather %mul3A_92[%gather3A_261] in [0] : vector<16xi32>, vector<16xi32> -> vector<16xi32>
    %get3A_263 = arith.constant 48 : index
    %get3A_264 = tpu.vector_load %arg15[%get3A_263] {strides = array<i32>} : memref<64xi32, #tpu.memory_space<vmem>>, vector<16xi32>,
    %add3A_265 = arith.addi %gather3A_262, %get3A_264 : vector<16xi32>
    %swap3A_266 = arith.constant 48 : index
    %swap3A_267 = tpu.vector_load %arg17[%swap3A_266] {strides = array<i32>} : memref<64xi32, #tpu.memory_space<vmem>>, vector<16xi32>,
    tpu.vector_store %arg17[%swap3A_266], %add3A_265 {strides = array<i32>} : memref<64xi32, #tpu.memory_space<vmem>>, vector<16xi32>,
    "tpu.region"() ({
      %run_scoped3A_284 = tpu.sem_alloc : memref<!tpu.dma_semaphore, #tpu.memory_space<semaphore_mem>>
      %dma_start3A_285 = arith.constant 0 : i32
      %dma_start3A_286 = tpu.memref_slice %arg2[%add3A_187, %dma_start3A_285] : memref<4096x1024xf32, #tpu.memory_space<hbm>> -> memref<64x1024xf32, #tpu.memory_space<hbm>>
      %dma_start3A_287 = arith.constant 0 : i32
      %dma_start3A_288 = tpu.memref_slice %arg2[%add3A_187, %dma_start3A_287] : memref<4096x1024xf32, #tpu.memory_space<hbm>> -> memref<64x1024xf32, #tpu.memory_space<hbm>>
      tpu.enqueue_dma source(%dma_start3A_288 : memref<64x1024xf32, #tpu.memory_space<hbm>>) target(%arg18 : memref<64x1024xf32, #tpu.memory_space<vmem>>) target_semaphore(%run_scoped3A_284 : memref<!tpu.dma_semaphore, #tpu.memory_space<semaphore_mem>>)
      %dma_wait3A_289 = arith.constant 0 : i32
      %dma_wait3A_290 = tpu.memref_slice %arg2[%add3A_187, %dma_wait3A_289] : memref<4096x1024xf32, #tpu.memory_space<hbm>> -> memref<64x1024xf32, #tpu.memory_space<hbm>>
      %dma_wait3A_291 = arith.constant 0 : i32
      %dma_wait3A_292 = tpu.memref_slice %arg2[%add3A_187, %dma_wait3A_291] : memref<4096x1024xf32, #tpu.memory_space<hbm>> -> memref<64x1024xf32, #tpu.memory_space<hbm>>
      tpu.wait_dma2 semaphore(%run_scoped3A_284 : memref<!tpu.dma_semaphore, #tpu.memory_space<semaphore_mem>>) src(%dma_wait3A_292 : memref<64x1024xf32, #tpu.memory_space<hbm>>) dst(%arg18 : memref<64x1024xf32, #tpu.memory_space<vmem>>)
      tpu.yield
    }) : () -> ()
    %dma_start3A_268 = arith.constant 0 : i32
    %dma_start3A_269 = arith.constant 0 : i32
    %dma_start3A_270 = tpu.memref_slice %arg8[%dma_start3A_268, %dma_start3A_269] : memref<10240x1024xf32, #tpu.memory_space<hbm>> -> memref<10240x1024xf32, #tpu.memory_space<hbm>>
    tpu.enqueue_indirect_dma source(%arg18 : memref<64x1024xf32, #tpu.memory_space<vmem>>) target(%dma_start3A_270 : memref<10240x1024xf32, #tpu.memory_space<hbm>>) offsets(%arg16 : memref<64xi32, #tpu.memory_space<vmem>>) semaphore(%arg22 : memref<!tpu.dma_semaphore, #tpu.memory_space<semaphore_mem>>)
    %dma_start3A_271 = arith.constant 0 : i32
    %dma_start3A_272 = arith.constant 0 : i32
    %dma_start3A_273 = tpu.memref_slice %arg8[%dma_start3A_271, %dma_start3A_272] : memref<10240x1024xf32, #tpu.memory_space<hbm>> -> memref<10240x1024xf32, #tpu.memory_space<hbm>>
    tpu.enqueue_indirect_dma source(%arg18 : memref<64x1024xf32, #tpu.memory_space<vmem>>) target(%dma_start3A_273 : memref<10240x1024xf32, #tpu.memory_space<hbm>>) offsets(%arg17 : memref<64xi32, #tpu.memory_space<vmem>>) semaphore(%arg23 : memref<!tpu.dma_semaphore, #tpu.memory_space<semaphore_mem>>)
    %run_scoped3A_274 = arith.constant 0 : i32
    "tpu.region"() ({
      %run_scoped3A_284 = tpu.sem_alloc : memref<!tpu.dma_semaphore, #tpu.memory_space<semaphore_mem>>
      %dma_start3A_285 = tpu.memref_slice %arg9[%run_scoped3A_274, %add3A_187] : memref<2x4096xi32, #tpu.memory_space<hbm>> -> memref<1x64xi32, #tpu.memory_space<hbm>>
      %dma_start3A_286 = tpu.memref_squeeze %dma_start3A_285 : memref<1x64xi32, #tpu.memory_space<hbm>> -> memref<64xi32, #tpu.memory_space<hbm>>
      %dma_start3A_287 = tpu.memref_slice %arg9[%run_scoped3A_274, %add3A_187] : memref<2x4096xi32, #tpu.memory_space<hbm>> -> memref<1x64xi32, #tpu.memory_space<hbm>>
      %dma_start3A_288 = tpu.memref_squeeze %dma_start3A_287 : memref<1x64xi32, #tpu.memory_space<hbm>> -> memref<64xi32, #tpu.memory_space<hbm>>
      tpu.enqueue_dma source(%arg16 : memref<64xi32, #tpu.memory_space<vmem>>) target(%dma_start3A_288 : memref<64xi32, #tpu.memory_space<hbm>>) target_semaphore(%run_scoped3A_284 : memref<!tpu.dma_semaphore, #tpu.memory_space<semaphore_mem>>)
      %dma_wait3A_289 = tpu.memref_slice %arg9[%run_scoped3A_274, %add3A_187] : memref<2x4096xi32, #tpu.memory_space<hbm>> -> memref<1x64xi32, #tpu.memory_space<hbm>>
      %dma_wait3A_290 = tpu.memref_squeeze %dma_wait3A_289 : memref<1x64xi32, #tpu.memory_space<hbm>> -> memref<64xi32, #tpu.memory_space<hbm>>
      %dma_wait3A_291 = tpu.memref_slice %arg9[%run_scoped3A_274, %add3A_187] : memref<2x4096xi32, #tpu.memory_space<hbm>> -> memref<1x64xi32, #tpu.memory_space<hbm>>
      %dma_wait3A_292 = tpu.memref_squeeze %dma_wait3A_291 : memref<1x64xi32, #tpu.memory_space<hbm>> -> memref<64xi32, #tpu.memory_space<hbm>>
      tpu.wait_dma2 semaphore(%run_scoped3A_284 : memref<!tpu.dma_semaphore, #tpu.memory_space<semaphore_mem>>) src(%arg16 : memref<64xi32, #tpu.memory_space<vmem>>) dst(%dma_wait3A_292 : memref<64xi32, #tpu.memory_space<hbm>>)
      tpu.yield
    }) : () -> ()
    %run_scoped3A_275 = arith.constant 1 : i32
    "tpu.region"() ({
      %run_scoped3A_284 = tpu.sem_alloc : memref<!tpu.dma_semaphore, #tpu.memory_space<semaphore_mem>>
      %dma_start3A_285 = tpu.memref_slice %arg9[%run_scoped3A_275, %add3A_187] : memref<2x4096xi32, #tpu.memory_space<hbm>> -> memref<1x64xi32, #tpu.memory_space<hbm>>
      %dma_start3A_286 = tpu.memref_squeeze %dma_start3A_285 : memref<1x64xi32, #tpu.memory_space<hbm>> -> memref<64xi32, #tpu.memory_space<hbm>>
      %dma_start3A_287 = tpu.memref_slice %arg9[%run_scoped3A_275, %add3A_187] : memref<2x4096xi32, #tpu.memory_space<hbm>> -> memref<1x64xi32, #tpu.memory_space<hbm>>
      %dma_start3A_288 = tpu.memref_squeeze %dma_start3A_287 : memref<1x64xi32, #tpu.memory_space<hbm>> -> memref<64xi32, #tpu.memory_space<hbm>>
      tpu.enqueue_dma source(%arg17 : memref<64xi32, #tpu.memory_space<vmem>>) target(%dma_start3A_288 : memref<64xi32, #tpu.memory_space<hbm>>) target_semaphore(%run_scoped3A_284 : memref<!tpu.dma_semaphore, #tpu.memory_space<semaphore_mem>>)
      %dma_wait3A_289 = tpu.memref_slice %arg9[%run_scoped3A_275, %add3A_187] : memref<2x4096xi32, #tpu.memory_space<hbm>> -> memref<1x64xi32, #tpu.memory_space<hbm>>
      %dma_wait3A_290 = tpu.memref_squeeze %dma_wait3A_289 : memref<1x64xi32, #tpu.memory_space<hbm>> -> memref<64xi32, #tpu.memory_space<hbm>>
      %dma_wait3A_291 = tpu.memref_slice %arg9[%run_scoped3A_275, %add3A_187] : memref<2x4096xi32, #tpu.memory_space<hbm>> -> memref<1x64xi32, #tpu.memory_space<hbm>>
      %dma_wait3A_292 = tpu.memref_squeeze %dma_wait3A_291 : memref<1x64xi32, #tpu.memory_space<hbm>> -> memref<64xi32, #tpu.memory_space<hbm>>
      tpu.wait_dma2 semaphore(%run_scoped3A_284 : memref<!tpu.dma_semaphore, #tpu.memory_space<semaphore_mem>>) src(%arg17 : memref<64xi32, #tpu.memory_space<vmem>>) dst(%dma_wait3A_292 : memref<64xi32, #tpu.memory_space<hbm>>)
      tpu.yield
    }) : () -> ()
    %dma_wait3A_276 = arith.constant 0 : i32
    %dma_wait3A_277 = arith.constant 0 : i32
    %dma_wait3A_278 = tpu.memref_slice %arg8[%dma_wait3A_276, %dma_wait3A_277] : memref<10240x1024xf32, #tpu.memory_space<hbm>> -> memref<10240x1024xf32, #tpu.memory_space<hbm>>
    tpu.wait_indirect_dma semaphore(%arg22 : memref<!tpu.dma_semaphore, #tpu.memory_space<semaphore_mem>>) src(%arg18 : memref<64x1024xf32, #tpu.memory_space<vmem>>) dst(%dma_wait3A_278 : memref<10240x1024xf32, #tpu.memory_space<hbm>>)
    %dma_wait3A_279 = arith.constant 0 : i32
    %dma_wait3A_280 = arith.constant 0 : i32
    %dma_wait3A_281 = tpu.memref_slice %arg8[%dma_wait3A_279, %dma_wait3A_280] : memref<10240x1024xf32, #tpu.memory_space<hbm>> -> memref<10240x1024xf32, #tpu.memory_space<hbm>>
    tpu.wait_indirect_dma semaphore(%arg23 : memref<!tpu.dma_semaphore, #tpu.memory_space<semaphore_mem>>) src(%arg18 : memref<64x1024xf32, #tpu.memory_space<vmem>>) dst(%dma_wait3A_281 : memref<10240x1024xf32, #tpu.memory_space<hbm>>)
    %eq3A = arith.constant 0 : i32
    %eq3A_282 = arith.cmpi eq, %add3A, %eq3A : i32
    %convert_element_type3A = arith.extui %eq3A_282 : i1 to i32
    %cond3A = arith.constant 0 : i32
    %cond3A_283 = arith.cmpi ne, %convert_element_type3A, %cond3A : i32
    scf.if %cond3A_283 {
      %broadcast_in_dim3A_284 = arith.constant 7 : i32
      %broadcast_in_dim3A_285 = vector.broadcast %broadcast_in_dim3A_284 : i32 to vector<16xi32>
      %broadcast_in_dim3A_286 = vector.shape_cast %broadcast_in_dim3A_285 : vector<16xi32> to vector<16x1xi32>
      %gather3A_287 = vector.shape_cast %broadcast_in_dim3A_286 : vector<16x1xi32> to vector<16xi32>
      %gather3A_288 = tpu.dynamic_gather %add3A_93[%gather3A_287] in [0] : vector<16xi32>, vector<16xi32> -> vector<16xi32>
      %iota3A_289 = tpu.iota {dimensions = array<i32: 0>} : vector<16xi32>
      %add3A_290 = arith.constant 0 : i32
      %add3A_291 = vector.broadcast %add3A_290 : i32 to vector<16xi32>
      %add3A_292 = arith.addi %iota3A_289, %add3A_291 : vector<16xi32>
      %broadcast_in_dim3A_293 = arith.constant 0 : i32
      %broadcast_in_dim3A_294 = vector.broadcast %broadcast_in_dim3A_293 : i32 to vector<16xi32>
      %broadcast_in_dim3A_295 = arith.constant 0 : i32
      %broadcast_in_dim3A_296 = vector.broadcast %broadcast_in_dim3A_295 : i32 to vector<16xi32>
      %broadcast_in_dim3A_297 = vector.shape_cast %broadcast_in_dim3A_296 : vector<16xi32> to vector<16x1xi32>
      %gather3A_298 = vector.shape_cast %broadcast_in_dim3A_297 : vector<16x1xi32> to vector<16xi32>
      %gather3A_299 = tpu.dynamic_gather %add3A_93[%gather3A_298] in [0] : vector<16xi32>, vector<16xi32> -> vector<16xi32>
      %ge3A = arith.cmpi sge, %add3A_292, %gather3A_299 : vector<16xi32>
      %convert_element_type3A_300 = arith.extui %ge3A : vector<16xi1> to vector<16xi32>
      %add3A_301 = arith.addi %broadcast_in_dim3A_294, %convert_element_type3A_300 : vector<16xi32>
      %broadcast_in_dim3A_302 = arith.constant 1 : i32
      %broadcast_in_dim3A_303 = vector.broadcast %broadcast_in_dim3A_302 : i32 to vector<16xi32>
      %broadcast_in_dim3A_304 = vector.shape_cast %broadcast_in_dim3A_303 : vector<16xi32> to vector<16x1xi32>
      %gather3A_305 = vector.shape_cast %broadcast_in_dim3A_304 : vector<16x1xi32> to vector<16xi32>
      %gather3A_306 = tpu.dynamic_gather %add3A_93[%gather3A_305] in [0] : vector<16xi32>, vector<16xi32> -> vector<16xi32>
      %ge3A_307 = arith.cmpi sge, %add3A_292, %gather3A_306 : vector<16xi32>
      %convert_element_type3A_308 = arith.extui %ge3A_307 : vector<16xi1> to vector<16xi32>
      %add3A_309 = arith.addi %add3A_301, %convert_element_type3A_308 : vector<16xi32>
      %broadcast_in_dim3A_310 = arith.constant 2 : i32
      %broadcast_in_dim3A_311 = vector.broadcast %broadcast_in_dim3A_310 : i32 to vector<16xi32>
      %broadcast_in_dim3A_312 = vector.shape_cast %broadcast_in_dim3A_311 : vector<16xi32> to vector<16x1xi32>
      %gather3A_313 = vector.shape_cast %broadcast_in_dim3A_312 : vector<16x1xi32> to vector<16xi32>
      %gather3A_314 = tpu.dynamic_gather %add3A_93[%gather3A_313] in [0] : vector<16xi32>, vector<16xi32> -> vector<16xi32>
      %ge3A_315 = arith.cmpi sge, %add3A_292, %gather3A_314 : vector<16xi32>
      %convert_element_type3A_316 = arith.extui %ge3A_315 : vector<16xi1> to vector<16xi32>
      %add3A_317 = arith.addi %add3A_309, %convert_element_type3A_316 : vector<16xi32>
      %broadcast_in_dim3A_318 = arith.constant 3 : i32
      %broadcast_in_dim3A_319 = vector.broadcast %broadcast_in_dim3A_318 : i32 to vector<16xi32>
      %broadcast_in_dim3A_320 = vector.shape_cast %broadcast_in_dim3A_319 : vector<16xi32> to vector<16x1xi32>
      %gather3A_321 = vector.shape_cast %broadcast_in_dim3A_320 : vector<16x1xi32> to vector<16xi32>
      %gather3A_322 = tpu.dynamic_gather %add3A_93[%gather3A_321] in [0] : vector<16xi32>, vector<16xi32> -> vector<16xi32>
      %ge3A_323 = arith.cmpi sge, %add3A_292, %gather3A_322 : vector<16xi32>
      %convert_element_type3A_324 = arith.extui %ge3A_323 : vector<16xi1> to vector<16xi32>
      %add3A_325 = arith.addi %add3A_317, %convert_element_type3A_324 : vector<16xi32>
      %broadcast_in_dim3A_326 = arith.constant 4 : i32
      %broadcast_in_dim3A_327 = vector.broadcast %broadcast_in_dim3A_326 : i32 to vector<16xi32>
      %broadcast_in_dim3A_328 = vector.shape_cast %broadcast_in_dim3A_327 : vector<16xi32> to vector<16x1xi32>
      %gather3A_329 = vector.shape_cast %broadcast_in_dim3A_328 : vector<16x1xi32> to vector<16xi32>
      %gather3A_330 = tpu.dynamic_gather %add3A_93[%gather3A_329] in [0] : vector<16xi32>, vector<16xi32> -> vector<16xi32>
      %ge3A_331 = arith.cmpi sge, %add3A_292, %gather3A_330 : vector<16xi32>
      %convert_element_type3A_332 = arith.extui %ge3A_331 : vector<16xi1> to vector<16xi32>
      %add3A_333 = arith.addi %add3A_325, %convert_element_type3A_332 : vector<16xi32>
      %broadcast_in_dim3A_334 = arith.constant 5 : i32
      %broadcast_in_dim3A_335 = vector.broadcast %broadcast_in_dim3A_334 : i32 to vector<16xi32>
      %broadcast_in_dim3A_336 = vector.shape_cast %broadcast_in_dim3A_335 : vector<16xi32> to vector<16x1xi32>
      %gather3A_337 = vector.shape_cast %broadcast_in_dim3A_336 : vector<16x1xi32> to vector<16xi32>
      %gather3A_338 = tpu.dynamic_gather %add3A_93[%gather3A_337] in [0] : vector<16xi32>, vector<16xi32> -> vector<16xi32>
      %ge3A_339 = arith.cmpi sge, %add3A_292, %gather3A_338 : vector<16xi32>
      %convert_element_type3A_340 = arith.extui %ge3A_339 : vector<16xi1> to vector<16xi32>
      %add3A_341 = arith.addi %add3A_333, %convert_element_type3A_340 : vector<16xi32>
      %broadcast_in_dim3A_342 = arith.constant 6 : i32
      %broadcast_in_dim3A_343 = vector.broadcast %broadcast_in_dim3A_342 : i32 to vector<16xi32>
      %broadcast_in_dim3A_344 = vector.shape_cast %broadcast_in_dim3A_343 : vector<16xi32> to vector<16x1xi32>
      %gather3A_345 = vector.shape_cast %broadcast_in_dim3A_344 : vector<16x1xi32> to vector<16xi32>
      %gather3A_346 = tpu.dynamic_gather %add3A_93[%gather3A_345] in [0] : vector<16xi32>, vector<16xi32> -> vector<16xi32>
      %ge3A_347 = arith.cmpi sge, %add3A_292, %gather3A_346 : vector<16xi32>
      %convert_element_type3A_348 = arith.extui %ge3A_347 : vector<16xi1> to vector<16xi32>
      %add3A_349 = arith.addi %add3A_341, %convert_element_type3A_348 : vector<16xi32>
      %broadcast_in_dim3A_350 = arith.constant 7 : i32
      %broadcast_in_dim3A_351 = vector.broadcast %broadcast_in_dim3A_350 : i32 to vector<16xi32>
      %broadcast_in_dim3A_352 = vector.shape_cast %broadcast_in_dim3A_351 : vector<16xi32> to vector<16x1xi32>
      %gather3A_353 = vector.shape_cast %broadcast_in_dim3A_352 : vector<16x1xi32> to vector<16xi32>
      %gather3A_354 = tpu.dynamic_gather %add3A_93[%gather3A_353] in [0] : vector<16xi32>, vector<16xi32> -> vector<16xi32>
      %ge3A_355 = arith.cmpi sge, %add3A_292, %gather3A_354 : vector<16xi32>
      %convert_element_type3A_356 = arith.extui %ge3A_355 : vector<16xi1> to vector<16xi32>
      %add3A_357 = arith.addi %add3A_349, %convert_element_type3A_356 : vector<16xi32>
      %lt3A = arith.cmpi slt, %add3A_292, %gather3A_288 : vector<16xi32>
      %convert_element_type3A_358 = arith.extui %lt3A : vector<16xi1> to vector<16xi32>
      %swap3A_359 = arith.constant 0 : index
      %swap3A_360 = tpu.vector_load %arg21[%swap3A_359] {strides = array<i32>} : memref<40xi32, #tpu.memory_space<vmem>>, vector<16xi32>,
      tpu.vector_store %arg21[%swap3A_359], %convert_element_type3A_358 {strides = array<i32>} : memref<40xi32, #tpu.memory_space<vmem>>, vector<16xi32>,
      %gt3A_361 = arith.constant 0 : i32
      %gt3A_362 = vector.broadcast %gt3A_361 : i32 to vector<16xi32>
      %gt3A_363 = arith.cmpi sgt, %convert_element_type3A_358, %gt3A_362 : vector<16xi32>
      %min3A = arith.constant 7 : i32
      %min3A_364 = vector.broadcast %min3A : i32 to vector<16xi32>
      %min3A_365 = arith.minsi %add3A_357, %min3A_364 : vector<16xi32>
      %jit3A_366 = arith.constant 0 : i32
      %broadcast_in_dim3A_367 = vector.broadcast %jit3A_366 : i32 to vector<16xi32>
      %select_n3A_368 = arith.select %gt3A_363, %min3A_365, %broadcast_in_dim3A_367 : vector<16xi1>, vector<16xi32>
      %swap3A_369 = arith.constant 0 : index
      %swap3A_370 = tpu.vector_load %arg20[%swap3A_369] {strides = array<i32>} : memref<40xi32, #tpu.memory_space<vmem>>, vector<16xi32>,
      tpu.vector_store %arg20[%swap3A_369], %select_n3A_368 {strides = array<i32>} : memref<40xi32, #tpu.memory_space<vmem>>, vector<16xi32>,
      %gt3A_371 = arith.constant 0 : i32
      %gt3A_372 = vector.broadcast %gt3A_371 : i32 to vector<16xi32>
      %gt3A_373 = arith.cmpi sgt, %convert_element_type3A_358, %gt3A_372 : vector<16xi32>
      %jit3A_374 = arith.constant 0 : i32
      %broadcast_in_dim3A_375 = vector.broadcast %jit3A_374 : i32 to vector<16xi32>
      %select_n3A_376 = arith.select %gt3A_373, %add3A_292, %broadcast_in_dim3A_375 : vector<16xi1>, vector<16xi32>
      %swap3A_377 = arith.constant 0 : index
      %swap3A_378 = tpu.vector_load %arg19[%swap3A_377] {strides = array<i32>} : memref<40xi32, #tpu.memory_space<vmem>>, vector<16xi32>,
      tpu.vector_store %arg19[%swap3A_377], %select_n3A_376 {strides = array<i32>} : memref<40xi32, #tpu.memory_space<vmem>>, vector<16xi32>,
      %iota3A_379 = tpu.iota {dimensions = array<i32: 0>} : vector<16xi32>
      %add3A_380 = arith.constant 16 : i32
      %add3A_381 = vector.broadcast %add3A_380 : i32 to vector<16xi32>
      %add3A_382 = arith.addi %iota3A_379, %add3A_381 : vector<16xi32>
      %broadcast_in_dim3A_383 = arith.constant 0 : i32
      %broadcast_in_dim3A_384 = vector.broadcast %broadcast_in_dim3A_383 : i32 to vector<16xi32>
      %broadcast_in_dim3A_385 = arith.constant 0 : i32
      %broadcast_in_dim3A_386 = vector.broadcast %broadcast_in_dim3A_385 : i32 to vector<16xi32>
      %broadcast_in_dim3A_387 = vector.shape_cast %broadcast_in_dim3A_386 : vector<16xi32> to vector<16x1xi32>
      %gather3A_388 = vector.shape_cast %broadcast_in_dim3A_387 : vector<16x1xi32> to vector<16xi32>
      %gather3A_389 = tpu.dynamic_gather %add3A_93[%gather3A_388] in [0] : vector<16xi32>, vector<16xi32> -> vector<16xi32>
      %ge3A_390 = arith.cmpi sge, %add3A_382, %gather3A_389 : vector<16xi32>
      %convert_element_type3A_391 = arith.extui %ge3A_390 : vector<16xi1> to vector<16xi32>
      %add3A_392 = arith.addi %broadcast_in_dim3A_384, %convert_element_type3A_391 : vector<16xi32>
      %broadcast_in_dim3A_393 = arith.constant 1 : i32
      %broadcast_in_dim3A_394 = vector.broadcast %broadcast_in_dim3A_393 : i32 to vector<16xi32>
      %broadcast_in_dim3A_395 = vector.shape_cast %broadcast_in_dim3A_394 : vector<16xi32> to vector<16x1xi32>
      %gather3A_396 = vector.shape_cast %broadcast_in_dim3A_395 : vector<16x1xi32> to vector<16xi32>
      %gather3A_397 = tpu.dynamic_gather %add3A_93[%gather3A_396] in [0] : vector<16xi32>, vector<16xi32> -> vector<16xi32>
      %ge3A_398 = arith.cmpi sge, %add3A_382, %gather3A_397 : vector<16xi32>
      %convert_element_type3A_399 = arith.extui %ge3A_398 : vector<16xi1> to vector<16xi32>
      %add3A_400 = arith.addi %add3A_392, %convert_element_type3A_399 : vector<16xi32>
      %broadcast_in_dim3A_401 = arith.constant 2 : i32
      %broadcast_in_dim3A_402 = vector.broadcast %broadcast_in_dim3A_401 : i32 to vector<16xi32>
      %broadcast_in_dim3A_403 = vector.shape_cast %broadcast_in_dim3A_402 : vector<16xi32> to vector<16x1xi32>
      %gather3A_404 = vector.shape_cast %broadcast_in_dim3A_403 : vector<16x1xi32> to vector<16xi32>
      %gather3A_405 = tpu.dynamic_gather %add3A_93[%gather3A_404] in [0] : vector<16xi32>, vector<16xi32> -> vector<16xi32>
      %ge3A_406 = arith.cmpi sge, %add3A_382, %gather3A_405 : vector<16xi32>
      %convert_element_type3A_407 = arith.extui %ge3A_406 : vector<16xi1> to vector<16xi32>
      %add3A_408 = arith.addi %add3A_400, %convert_element_type3A_407 : vector<16xi32>
      %broadcast_in_dim3A_409 = arith.constant 3 : i32
      %broadcast_in_dim3A_410 = vector.broadcast %broadcast_in_dim3A_409 : i32 to vector<16xi32>
      %broadcast_in_dim3A_411 = vector.shape_cast %broadcast_in_dim3A_410 : vector<16xi32> to vector<16x1xi32>
      %gather3A_412 = vector.shape_cast %broadcast_in_dim3A_411 : vector<16x1xi32> to vector<16xi32>
      %gather3A_413 = tpu.dynamic_gather %add3A_93[%gather3A_412] in [0] : vector<16xi32>, vector<16xi32> -> vector<16xi32>
      %ge3A_414 = arith.cmpi sge, %add3A_382, %gather3A_413 : vector<16xi32>
      %convert_element_type3A_415 = arith.extui %ge3A_414 : vector<16xi1> to vector<16xi32>
      %add3A_416 = arith.addi %add3A_408, %convert_element_type3A_415 : vector<16xi32>
      %broadcast_in_dim3A_417 = arith.constant 4 : i32
      %broadcast_in_dim3A_418 = vector.broadcast %broadcast_in_dim3A_417 : i32 to vector<16xi32>
      %broadcast_in_dim3A_419 = vector.shape_cast %broadcast_in_dim3A_418 : vector<16xi32> to vector<16x1xi32>
      %gather3A_420 = vector.shape_cast %broadcast_in_dim3A_419 : vector<16x1xi32> to vector<16xi32>
      %gather3A_421 = tpu.dynamic_gather %add3A_93[%gather3A_420] in [0] : vector<16xi32>, vector<16xi32> -> vector<16xi32>
      %ge3A_422 = arith.cmpi sge, %add3A_382, %gather3A_421 : vector<16xi32>
      %convert_element_type3A_423 = arith.extui %ge3A_422 : vector<16xi1> to vector<16xi32>
      %add3A_424 = arith.addi %add3A_416, %convert_element_type3A_423 : vector<16xi32>
      %broadcast_in_dim3A_425 = arith.constant 5 : i32
      %broadcast_in_dim3A_426 = vector.broadcast %broadcast_in_dim3A_425 : i32 to vector<16xi32>
      %broadcast_in_dim3A_427 = vector.shape_cast %broadcast_in_dim3A_426 : vector<16xi32> to vector<16x1xi32>
      %gather3A_428 = vector.shape_cast %broadcast_in_dim3A_427 : vector<16x1xi32> to vector<16xi32>
      %gather3A_429 = tpu.dynamic_gather %add3A_93[%gather3A_428] in [0] : vector<16xi32>, vector<16xi32> -> vector<16xi32>
      %ge3A_430 = arith.cmpi sge, %add3A_382, %gather3A_429 : vector<16xi32>
      %convert_element_type3A_431 = arith.extui %ge3A_430 : vector<16xi1> to vector<16xi32>
      %add3A_432 = arith.addi %add3A_424, %convert_element_type3A_431 : vector<16xi32>
      %broadcast_in_dim3A_433 = arith.constant 6 : i32
      %broadcast_in_dim3A_434 = vector.broadcast %broadcast_in_dim3A_433 : i32 to vector<16xi32>
      %broadcast_in_dim3A_435 = vector.shape_cast %broadcast_in_dim3A_434 : vector<16xi32> to vector<16x1xi32>
      %gather3A_436 = vector.shape_cast %broadcast_in_dim3A_435 : vector<16x1xi32> to vector<16xi32>
      %gather3A_437 = tpu.dynamic_gather %add3A_93[%gather3A_436] in [0] : vector<16xi32>, vector<16xi32> -> vector<16xi32>
      %ge3A_438 = arith.cmpi sge, %add3A_382, %gather3A_437 : vector<16xi32>
      %convert_element_type3A_439 = arith.extui %ge3A_438 : vector<16xi1> to vector<16xi32>
      %add3A_440 = arith.addi %add3A_432, %convert_element_type3A_439 : vector<16xi32>
      %broadcast_in_dim3A_441 = arith.constant 7 : i32
      %broadcast_in_dim3A_442 = vector.broadcast %broadcast_in_dim3A_441 : i32 to vector<16xi32>
      %broadcast_in_dim3A_443 = vector.shape_cast %broadcast_in_dim3A_442 : vector<16xi32> to vector<16x1xi32>
      %gather3A_444 = vector.shape_cast %broadcast_in_dim3A_443 : vector<16x1xi32> to vector<16xi32>
      %gather3A_445 = tpu.dynamic_gather %add3A_93[%gather3A_444] in [0] : vector<16xi32>, vector<16xi32> -> vector<16xi32>
      %ge3A_446 = arith.cmpi sge, %add3A_382, %gather3A_445 : vector<16xi32>
      %convert_element_type3A_447 = arith.extui %ge3A_446 : vector<16xi1> to vector<16xi32>
      %add3A_448 = arith.addi %add3A_440, %convert_element_type3A_447 : vector<16xi32>
      %lt3A_449 = arith.cmpi slt, %add3A_382, %gather3A_288 : vector<16xi32>
      %convert_element_type3A_450 = arith.extui %lt3A_449 : vector<16xi1> to vector<16xi32>
      %swap3A_451 = arith.constant 16 : index
      %swap3A_452 = tpu.vector_load %arg21[%swap3A_451] {strides = array<i32>} : memref<40xi32, #tpu.memory_space<vmem>>, vector<16xi32>,
      tpu.vector_store %arg21[%swap3A_451], %convert_element_type3A_450 {strides = array<i32>} : memref<40xi32, #tpu.memory_space<vmem>>, vector<16xi32>,
      %gt3A_453 = arith.constant 0 : i32
      %gt3A_454 = vector.broadcast %gt3A_453 : i32 to vector<16xi32>
      %gt3A_455 = arith.cmpi sgt, %convert_element_type3A_450, %gt3A_454 : vector<16xi32>
      %min3A_456 = arith.constant 7 : i32
      %min3A_457 = vector.broadcast %min3A_456 : i32 to vector<16xi32>
      %min3A_458 = arith.minsi %add3A_448, %min3A_457 : vector<16xi32>
      %jit3A_459 = arith.constant 0 : i32
      %broadcast_in_dim3A_460 = vector.broadcast %jit3A_459 : i32 to vector<16xi32>
      %select_n3A_461 = arith.select %gt3A_455, %min3A_458, %broadcast_in_dim3A_460 : vector<16xi1>, vector<16xi32>
      %swap3A_462 = arith.constant 16 : index
      %swap3A_463 = tpu.vector_load %arg20[%swap3A_462] {strides = array<i32>} : memref<40xi32, #tpu.memory_space<vmem>>, vector<16xi32>,
      tpu.vector_store %arg20[%swap3A_462], %select_n3A_461 {strides = array<i32>} : memref<40xi32, #tpu.memory_space<vmem>>, vector<16xi32>,
      %gt3A_464 = arith.constant 0 : i32
      %gt3A_465 = vector.broadcast %gt3A_464 : i32 to vector<16xi32>
      %gt3A_466 = arith.cmpi sgt, %convert_element_type3A_450, %gt3A_465 : vector<16xi32>
      %jit3A_467 = arith.constant 0 : i32
      %broadcast_in_dim3A_468 = vector.broadcast %jit3A_467 : i32 to vector<16xi32>
      %select_n3A_469 = arith.select %gt3A_466, %add3A_382, %broadcast_in_dim3A_468 : vector<16xi1>, vector<16xi32>
      %swap3A_470 = arith.constant 16 : index
      %swap3A_471 = tpu.vector_load %arg19[%swap3A_470] {strides = array<i32>} : memref<40xi32, #tpu.memory_space<vmem>>, vector<16xi32>,
      tpu.vector_store %arg19[%swap3A_470], %select_n3A_469 {strides = array<i32>} : memref<40xi32, #tpu.memory_space<vmem>>, vector<16xi32>,
      %iota3A_472 = tpu.iota {dimensions = array<i32: 0>} : vector<16xi32>
      %add3A_473 = arith.constant 24 : i32
      %add3A_474 = vector.broadcast %add3A_473 : i32 to vector<16xi32>
      %add3A_475 = arith.addi %iota3A_472, %add3A_474 : vector<16xi32>
      %broadcast_in_dim3A_476 = arith.constant 0 : i32
      %broadcast_in_dim3A_477 = vector.broadcast %broadcast_in_dim3A_476 : i32 to vector<16xi32>
      %broadcast_in_dim3A_478 = arith.constant 0 : i32
      %broadcast_in_dim3A_479 = vector.broadcast %broadcast_in_dim3A_478 : i32 to vector<16xi32>
      %broadcast_in_dim3A_480 = vector.shape_cast %broadcast_in_dim3A_479 : vector<16xi32> to vector<16x1xi32>
      %gather3A_481 = vector.shape_cast %broadcast_in_dim3A_480 : vector<16x1xi32> to vector<16xi32>
      %gather3A_482 = tpu.dynamic_gather %add3A_93[%gather3A_481] in [0] : vector<16xi32>, vector<16xi32> -> vector<16xi32>
      %ge3A_483 = arith.cmpi sge, %add3A_475, %gather3A_482 : vector<16xi32>
      %convert_element_type3A_484 = arith.extui %ge3A_483 : vector<16xi1> to vector<16xi32>
      %add3A_485 = arith.addi %broadcast_in_dim3A_477, %convert_element_type3A_484 : vector<16xi32>
      %broadcast_in_dim3A_486 = arith.constant 1 : i32
      %broadcast_in_dim3A_487 = vector.broadcast %broadcast_in_dim3A_486 : i32 to vector<16xi32>
      %broadcast_in_dim3A_488 = vector.shape_cast %broadcast_in_dim3A_487 : vector<16xi32> to vector<16x1xi32>
      %gather3A_489 = vector.shape_cast %broadcast_in_dim3A_488 : vector<16x1xi32> to vector<16xi32>
      %gather3A_490 = tpu.dynamic_gather %add3A_93[%gather3A_489] in [0] : vector<16xi32>, vector<16xi32> -> vector<16xi32>
      %ge3A_491 = arith.cmpi sge, %add3A_475, %gather3A_490 : vector<16xi32>
      %convert_element_type3A_492 = arith.extui %ge3A_491 : vector<16xi1> to vector<16xi32>
      %add3A_493 = arith.addi %add3A_485, %convert_element_type3A_492 : vector<16xi32>
      %broadcast_in_dim3A_494 = arith.constant 2 : i32
      %broadcast_in_dim3A_495 = vector.broadcast %broadcast_in_dim3A_494 : i32 to vector<16xi32>
      %broadcast_in_dim3A_496 = vector.shape_cast %broadcast_in_dim3A_495 : vector<16xi32> to vector<16x1xi32>
      %gather3A_497 = vector.shape_cast %broadcast_in_dim3A_496 : vector<16x1xi32> to vector<16xi32>
      %gather3A_498 = tpu.dynamic_gather %add3A_93[%gather3A_497] in [0] : vector<16xi32>, vector<16xi32> -> vector<16xi32>
      %ge3A_499 = arith.cmpi sge, %add3A_475, %gather3A_498 : vector<16xi32>
      %convert_element_type3A_500 = arith.extui %ge3A_499 : vector<16xi1> to vector<16xi32>
      %add3A_501 = arith.addi %add3A_493, %convert_element_type3A_500 : vector<16xi32>
      %broadcast_in_dim3A_502 = arith.constant 3 : i32
      %broadcast_in_dim3A_503 = vector.broadcast %broadcast_in_dim3A_502 : i32 to vector<16xi32>
      %broadcast_in_dim3A_504 = vector.shape_cast %broadcast_in_dim3A_503 : vector<16xi32> to vector<16x1xi32>
      %gather3A_505 = vector.shape_cast %broadcast_in_dim3A_504 : vector<16x1xi32> to vector<16xi32>
      %gather3A_506 = tpu.dynamic_gather %add3A_93[%gather3A_505] in [0] : vector<16xi32>, vector<16xi32> -> vector<16xi32>
      %ge3A_507 = arith.cmpi sge, %add3A_475, %gather3A_506 : vector<16xi32>
      %convert_element_type3A_508 = arith.extui %ge3A_507 : vector<16xi1> to vector<16xi32>
      %add3A_509 = arith.addi %add3A_501, %convert_element_type3A_508 : vector<16xi32>
      %broadcast_in_dim3A_510 = arith.constant 4 : i32
      %broadcast_in_dim3A_511 = vector.broadcast %broadcast_in_dim3A_510 : i32 to vector<16xi32>
      %broadcast_in_dim3A_512 = vector.shape_cast %broadcast_in_dim3A_511 : vector<16xi32> to vector<16x1xi32>
      %gather3A_513 = vector.shape_cast %broadcast_in_dim3A_512 : vector<16x1xi32> to vector<16xi32>
      %gather3A_514 = tpu.dynamic_gather %add3A_93[%gather3A_513] in [0] : vector<16xi32>, vector<16xi32> -> vector<16xi32>
      %ge3A_515 = arith.cmpi sge, %add3A_475, %gather3A_514 : vector<16xi32>
      %convert_element_type3A_516 = arith.extui %ge3A_515 : vector<16xi1> to vector<16xi32>
      %add3A_517 = arith.addi %add3A_509, %convert_element_type3A_516 : vector<16xi32>
      %broadcast_in_dim3A_518 = arith.constant 5 : i32
      %broadcast_in_dim3A_519 = vector.broadcast %broadcast_in_dim3A_518 : i32 to vector<16xi32>
      %broadcast_in_dim3A_520 = vector.shape_cast %broadcast_in_dim3A_519 : vector<16xi32> to vector<16x1xi32>
      %gather3A_521 = vector.shape_cast %broadcast_in_dim3A_520 : vector<16x1xi32> to vector<16xi32>
      %gather3A_522 = tpu.dynamic_gather %add3A_93[%gather3A_521] in [0] : vector<16xi32>, vector<16xi32> -> vector<16xi32>
      %ge3A_523 = arith.cmpi sge, %add3A_475, %gather3A_522 : vector<16xi32>
      %convert_element_type3A_524 = arith.extui %ge3A_523 : vector<16xi1> to vector<16xi32>
      %add3A_525 = arith.addi %add3A_517, %convert_element_type3A_524 : vector<16xi32>
      %broadcast_in_dim3A_526 = arith.constant 6 : i32
      %broadcast_in_dim3A_527 = vector.broadcast %broadcast_in_dim3A_526 : i32 to vector<16xi32>
      %broadcast_in_dim3A_528 = vector.shape_cast %broadcast_in_dim3A_527 : vector<16xi32> to vector<16x1xi32>
      %gather3A_529 = vector.shape_cast %broadcast_in_dim3A_528 : vector<16x1xi32> to vector<16xi32>
      %gather3A_530 = tpu.dynamic_gather %add3A_93[%gather3A_529] in [0] : vector<16xi32>, vector<16xi32> -> vector<16xi32>
      %ge3A_531 = arith.cmpi sge, %add3A_475, %gather3A_530 : vector<16xi32>
      %convert_element_type3A_532 = arith.extui %ge3A_531 : vector<16xi1> to vector<16xi32>
      %add3A_533 = arith.addi %add3A_525, %convert_element_type3A_532 : vector<16xi32>
      %broadcast_in_dim3A_534 = arith.constant 7 : i32
      %broadcast_in_dim3A_535 = vector.broadcast %broadcast_in_dim3A_534 : i32 to vector<16xi32>
      %broadcast_in_dim3A_536 = vector.shape_cast %broadcast_in_dim3A_535 : vector<16xi32> to vector<16x1xi32>
      %gather3A_537 = vector.shape_cast %broadcast_in_dim3A_536 : vector<16x1xi32> to vector<16xi32>
      %gather3A_538 = tpu.dynamic_gather %add3A_93[%gather3A_537] in [0] : vector<16xi32>, vector<16xi32> -> vector<16xi32>
      %ge3A_539 = arith.cmpi sge, %add3A_475, %gather3A_538 : vector<16xi32>
      %convert_element_type3A_540 = arith.extui %ge3A_539 : vector<16xi1> to vector<16xi32>
      %add3A_541 = arith.addi %add3A_533, %convert_element_type3A_540 : vector<16xi32>
      %lt3A_542 = arith.cmpi slt, %add3A_475, %gather3A_288 : vector<16xi32>
      %convert_element_type3A_543 = arith.extui %lt3A_542 : vector<16xi1> to vector<16xi32>
      %swap3A_544 = arith.constant 24 : index
      %swap3A_545 = tpu.vector_load %arg21[%swap3A_544] {strides = array<i32>} : memref<40xi32, #tpu.memory_space<vmem>>, vector<16xi32>,
      tpu.vector_store %arg21[%swap3A_544], %convert_element_type3A_543 {strides = array<i32>} : memref<40xi32, #tpu.memory_space<vmem>>, vector<16xi32>,
      %gt3A_546 = arith.constant 0 : i32
      %gt3A_547 = vector.broadcast %gt3A_546 : i32 to vector<16xi32>
      %gt3A_548 = arith.cmpi sgt, %convert_element_type3A_543, %gt3A_547 : vector<16xi32>
      %min3A_549 = arith.constant 7 : i32
      %min3A_550 = vector.broadcast %min3A_549 : i32 to vector<16xi32>
      %min3A_551 = arith.minsi %add3A_541, %min3A_550 : vector<16xi32>
      %jit3A_552 = arith.constant 0 : i32
      %broadcast_in_dim3A_553 = vector.broadcast %jit3A_552 : i32 to vector<16xi32>
      %select_n3A_554 = arith.select %gt3A_548, %min3A_551, %broadcast_in_dim3A_553 : vector<16xi1>, vector<16xi32>
      %swap3A_555 = arith.constant 24 : index
      %swap3A_556 = tpu.vector_load %arg20[%swap3A_555] {strides = array<i32>} : memref<40xi32, #tpu.memory_space<vmem>>, vector<16xi32>,
      tpu.vector_store %arg20[%swap3A_555], %select_n3A_554 {strides = array<i32>} : memref<40xi32, #tpu.memory_space<vmem>>, vector<16xi32>,
      %gt3A_557 = arith.constant 0 : i32
      %gt3A_558 = vector.broadcast %gt3A_557 : i32 to vector<16xi32>
      %gt3A_559 = arith.cmpi sgt, %convert_element_type3A_543, %gt3A_558 : vector<16xi32>
      %jit3A_560 = arith.constant 0 : i32
      %broadcast_in_dim3A_561 = vector.broadcast %jit3A_560 : i32 to vector<16xi32>
      %select_n3A_562 = arith.select %gt3A_559, %add3A_475, %broadcast_in_dim3A_561 : vector<16xi1>, vector<16xi32>
      %swap3A_563 = arith.constant 24 : index
      %swap3A_564 = tpu.vector_load %arg19[%swap3A_563] {strides = array<i32>} : memref<40xi32, #tpu.memory_space<vmem>>, vector<16xi32>,
      tpu.vector_store %arg19[%swap3A_563], %select_n3A_562 {strides = array<i32>} : memref<40xi32, #tpu.memory_space<vmem>>, vector<16xi32>,
      "tpu.region"() ({
        %run_scoped3A_565 = tpu.sem_alloc : memref<!tpu.dma_semaphore, #tpu.memory_space<semaphore_mem>>
        tpu.enqueue_dma source(%arg19 : memref<40xi32, #tpu.memory_space<vmem>>) target(%arg10 : memref<40xi32, #tpu.memory_space<hbm>>) target_semaphore(%run_scoped3A_565 : memref<!tpu.dma_semaphore, #tpu.memory_space<semaphore_mem>>)
        tpu.wait_dma2 semaphore(%run_scoped3A_565 : memref<!tpu.dma_semaphore, #tpu.memory_space<semaphore_mem>>) src(%arg19 : memref<40xi32, #tpu.memory_space<vmem>>) dst(%arg10 : memref<40xi32, #tpu.memory_space<hbm>>)
        tpu.yield
      }) : () -> ()
      "tpu.region"() ({
        %run_scoped3A_565 = tpu.sem_alloc : memref<!tpu.dma_semaphore, #tpu.memory_space<semaphore_mem>>
        tpu.enqueue_dma source(%arg20 : memref<40xi32, #tpu.memory_space<vmem>>) target(%arg11 : memref<40xi32, #tpu.memory_space<hbm>>) target_semaphore(%run_scoped3A_565 : memref<!tpu.dma_semaphore, #tpu.memory_space<semaphore_mem>>)
        tpu.wait_dma2 semaphore(%run_scoped3A_565 : memref<!tpu.dma_semaphore, #tpu.memory_space<semaphore_mem>>) src(%arg20 : memref<40xi32, #tpu.memory_space<vmem>>) dst(%arg11 : memref<40xi32, #tpu.memory_space<hbm>>)
        tpu.yield
      }) : () -> ()
      "tpu.region"() ({
        %run_scoped3A_565 = tpu.sem_alloc : memref<!tpu.dma_semaphore, #tpu.memory_space<semaphore_mem>>
        tpu.enqueue_dma source(%arg21 : memref<40xi32, #tpu.memory_space<vmem>>) target(%arg12 : memref<40xi32, #tpu.memory_space<hbm>>) target_semaphore(%run_scoped3A_565 : memref<!tpu.dma_semaphore, #tpu.memory_space<semaphore_mem>>)
        tpu.wait_dma2 semaphore(%run_scoped3A_565 : memref<!tpu.dma_semaphore, #tpu.memory_space<semaphore_mem>>) src(%arg21 : memref<40xi32, #tpu.memory_space<vmem>>) dst(%arg12 : memref<40xi32, #tpu.memory_space<hbm>>)
        tpu.yield
      }) : () -> ()
    } else {
    }
    return
  }
}

module attributes {stable_mosaic.version = 14 : i64} {
  func.func @_k1_body(%arg0: i32, %arg1: memref<256x1024xf32, #tpu.memory_space<vmem>>, %arg2: memref<1024x8xf32, #tpu.memory_space<vmem>>, %arg3: memref<1x8xf32, #tpu.memory_space<vmem>>, %arg4: memref<256x16xf32, #tpu.memory_space<vmem>>, %arg5: memref<256x16xf32, #tpu.memory_space<vmem>>, %arg6: memref<256x1xi32, #tpu.memory_space<vmem>>, %arg7: memref<256x1xi32, #tpu.memory_space<vmem>>, %arg8: memref<256x1xi32, #tpu.memory_space<vmem>>, %arg9: memref<256x1xi32, #tpu.memory_space<vmem>>, %arg10: memref<1x16xi32, #tpu.memory_space<vmem>>) attributes {dimension_semantics = [#tpu.dimension_semantics<arbitrary>], iteration_bounds = array<i64: 16>, scalar_prefetch = 0 : i64, scratch_operands = 0 : i64, tpu.core_type = #tpu.core_type<tc>, window_params = [{transform_indices = @transform_0, window_bounds = array<i64: 256, 1024>}, {pipeline_mode = #tpu.pipeline_mode<synchronous>, transform_indices = @transform_1, window_bounds = array<i64: 1024, 8>}, {pipeline_mode = #tpu.pipeline_mode<synchronous>, transform_indices = @transform_2, window_bounds = array<i64: 1, 8>}, {transform_indices = @transform_3, window_bounds = array<i64: 256, 16>}, {transform_indices = @transform_4, window_bounds = array<i64: 256, 16>}, {transform_indices = @transform_5, window_bounds = array<i64: 256, 1>}, {transform_indices = @transform_6, window_bounds = array<i64: 256, 1>}, {transform_indices = @transform_7, window_bounds = array<i64: 256, 1>}, {transform_indices = @transform_8, window_bounds = array<i64: 256, 1>}, {pipeline_mode = #tpu.pipeline_mode<synchronous>, transform_indices = @transform_9, window_bounds = array<i64: 1, 16>}]} {
    %get3A = arith.constant 0 : index
    %get3A_0 = arith.constant 0 : index
    %get3A_1 = vector.load %arg1[%get3A, %get3A_0] : memref<256x1024xf32, #tpu.memory_space<vmem>>, vector<256x1024xf32>
    %get3A_2 = arith.constant 0 : index
    %get3A_3 = arith.constant 0 : index
    %get3A_4 = vector.load %arg2[%get3A_2, %get3A_3] : memref<1024x8xf32, #tpu.memory_space<vmem>>, vector<1024x8xf32>
    %dot_general3A = arith.constant dense<0.000000e+00> : vector<256x8xf32>
    %dot_general3A_5 = tpu.matmul %get3A_1, %get3A_4, %dot_general3A {dimension_numbers = #tpu.dot_dimension_numbers<[1], [0], [0], [1], [0, 0, 1, 1], [], []>, transpose_lhs_hint = false} : vector<256x1024xf32>, vector<1024x8xf32>, vector<256x8xf32> -> vector<256x8xf32>
    %get3A_6 = arith.constant 0 : index
    %get3A_7 = arith.constant 0 : index
    %get3A_8 = vector.load %arg3[%get3A_6, %get3A_7] : memref<1x8xf32, #tpu.memory_space<vmem>>, vector<1x8xf32>
    %add3A = vector.broadcast %get3A_8 : vector<1x8xf32> to vector<256x8xf32>
    %add3A_9 = arith.addf %dot_general3A_5, %add3A : vector<256x8xf32>
    %logistic3A = arith.negf %add3A_9 : vector<256x8xf32>
    %logistic3A_10 = math.exp %logistic3A : vector<256x8xf32>
    %logistic3A_11 = arith.constant 1.000000e+00 : f32
    %logistic3A_12 = vector.broadcast %logistic3A_11 : f32 to vector<256x8xf32>
    %logistic3A_13 = arith.addf %logistic3A_12, %logistic3A_10 : vector<256x8xf32>
    %logistic3A_14 = arith.divf %logistic3A_12, %logistic3A_13 : vector<256x8xf32>
    %iota3A = tpu.iota {dimensions = array<i32: 1>} : vector<256x8xi32>
    %reduce_max3A = arith.constant dense<0xFF800000> : vector<256xf32>
    %reduce_max3A_15 = vector.multi_reduction <maximumf>, %logistic3A_14, %reduce_max3A [1] : vector<256x8xf32> to vector<256xf32>
    %broadcast_in_dim3A = vector.shape_cast %reduce_max3A_15 : vector<256xf32> to vector<256x1xf32>
    %eq3A = vector.broadcast %broadcast_in_dim3A : vector<256x1xf32> to vector<256x8xf32>
    %eq3A_16 = arith.cmpf oeq, %logistic3A_14, %eq3A : vector<256x8xf32>
    %jit3A = arith.constant 8 : i32
    %broadcast_in_dim3A_17 = vector.broadcast %jit3A : i32 to vector<256x8xi32>
    %select_n3A = arith.select %eq3A_16, %iota3A, %broadcast_in_dim3A_17 : vector<256x8xi1>, vector<256x8xi32>
    %reduce_min3A = arith.constant dense<2147483647> : vector<256xi32>
    %reduce_min3A_18 = vector.multi_reduction <minsi>, %select_n3A, %reduce_min3A [1] : vector<256x8xi32> to vector<256xi32>
    %broadcast_in_dim3A_19 = vector.shape_cast %reduce_min3A_18 : vector<256xi32> to vector<256x1xi32>
    %eq3A_20 = vector.broadcast %broadcast_in_dim3A_19 : vector<256x1xi32> to vector<256x8xi32>
    %eq3A_21 = arith.cmpi eq, %iota3A, %eq3A_20 : vector<256x8xi32>
    %jit3A_22 = arith.constant -1.000000e+00 : f32
    %broadcast_in_dim3A_23 = vector.broadcast %jit3A_22 : f32 to vector<256x8xf32>
    %select_n3A_24 = arith.select %eq3A_21, %broadcast_in_dim3A_23, %logistic3A_14 : vector<256x8xi1>, vector<256x8xf32>
    %reduce_max3A_25 = arith.constant dense<0xFF800000> : vector<256xf32>
    %reduce_max3A_26 = vector.multi_reduction <maximumf>, %select_n3A_24, %reduce_max3A_25 [1] : vector<256x8xf32> to vector<256xf32>
    %broadcast_in_dim3A_27 = vector.shape_cast %reduce_max3A_26 : vector<256xf32> to vector<256x1xf32>
    %eq3A_28 = vector.broadcast %broadcast_in_dim3A_27 : vector<256x1xf32> to vector<256x8xf32>
    %eq3A_29 = arith.cmpf oeq, %select_n3A_24, %eq3A_28 : vector<256x8xf32>
    %jit3A_30 = arith.constant 8 : i32
    %broadcast_in_dim3A_31 = vector.broadcast %jit3A_30 : i32 to vector<256x8xi32>
    %select_n3A_32 = arith.select %eq3A_29, %iota3A, %broadcast_in_dim3A_31 : vector<256x8xi1>, vector<256x8xi32>
    %reduce_min3A_33 = arith.constant dense<2147483647> : vector<256xi32>
    %reduce_min3A_34 = vector.multi_reduction <minsi>, %select_n3A_32, %reduce_min3A_33 [1] : vector<256x8xi32> to vector<256xi32>
    %broadcast_in_dim3A_35 = vector.shape_cast %reduce_min3A_34 : vector<256xi32> to vector<256x1xi32>
    %add3A_36 = arith.addf %broadcast_in_dim3A, %broadcast_in_dim3A_27 : vector<256x1xf32>
    %div3A = arith.divf %broadcast_in_dim3A, %add3A_36 : vector<256x1xf32>
    %broadcast_in_dim3A_37 = vector.shape_cast %div3A : vector<256x1xf32> to vector<256x1xf32>
    %broadcast_in_dim3A_38 = vector.broadcast %broadcast_in_dim3A_37 : vector<256x1xf32> to vector<256x16xf32>
    %swap3A = arith.constant 0 : index
    %swap3A_39 = arith.constant 0 : index
    %swap3A_40 = vector.load %arg4[%swap3A, %swap3A_39] : memref<256x16xf32, #tpu.memory_space<vmem>>, vector<256x16xf32>
    tpu.vector_store %arg4[%swap3A, %swap3A_39], %broadcast_in_dim3A_38 {strides = array<i32>} : memref<256x16xf32, #tpu.memory_space<vmem>>, vector<256x16xf32>,
    %div3A_41 = arith.divf %broadcast_in_dim3A_27, %add3A_36 : vector<256x1xf32>
    %broadcast_in_dim3A_42 = vector.shape_cast %div3A_41 : vector<256x1xf32> to vector<256x1xf32>
    %broadcast_in_dim3A_43 = vector.broadcast %broadcast_in_dim3A_42 : vector<256x1xf32> to vector<256x16xf32>
    %swap3A_44 = arith.constant 0 : index
    %swap3A_45 = arith.constant 0 : index
    %swap3A_46 = vector.load %arg5[%swap3A_44, %swap3A_45] : memref<256x16xf32, #tpu.memory_space<vmem>>, vector<256x16xf32>
    tpu.vector_store %arg5[%swap3A_44, %swap3A_45], %broadcast_in_dim3A_43 {strides = array<i32>} : memref<256x16xf32, #tpu.memory_space<vmem>>, vector<256x16xf32>,
    %swap3A_47 = arith.constant 0 : index
    %swap3A_48 = arith.constant 0 : index
    %swap3A_49 = vector.load %arg6[%swap3A_47, %swap3A_48] : memref<256x1xi32, #tpu.memory_space<vmem>>, vector<256x1xi32>
    tpu.vector_store %arg6[%swap3A_47, %swap3A_48], %broadcast_in_dim3A_19 {strides = array<i32>} : memref<256x1xi32, #tpu.memory_space<vmem>>, vector<256x1xi32>,
    %swap3A_50 = arith.constant 0 : index
    %swap3A_51 = arith.constant 0 : index
    %swap3A_52 = vector.load %arg7[%swap3A_50, %swap3A_51] : memref<256x1xi32, #tpu.memory_space<vmem>>, vector<256x1xi32>
    tpu.vector_store %arg7[%swap3A_50, %swap3A_51], %broadcast_in_dim3A_35 {strides = array<i32>} : memref<256x1xi32, #tpu.memory_space<vmem>>, vector<256x1xi32>,
    %eq3A_53 = arith.constant 0 : i32
    %eq3A_54 = arith.cmpi eq, %arg0, %eq3A_53 : i32
    %convert_element_type3A = arith.extui %eq3A_54 : i1 to i32
    %cond3A = arith.constant 0 : i32
    %cond3A_55 = arith.cmpi ne, %convert_element_type3A, %cond3A : i32
    scf.if %cond3A_55 {
      %broadcast_in_dim3A_121 = arith.constant 0 : i32
      %broadcast_in_dim3A_122 = vector.broadcast %broadcast_in_dim3A_121 : i32 to vector<1x16xi32>
      %swap3A_123 = arith.constant 0 : index
      %swap3A_124 = arith.constant 0 : index
      %swap3A_125 = vector.load %arg10[%swap3A_123, %swap3A_124] : memref<1x16xi32, #tpu.memory_space<vmem>>, vector<1x16xi32>
      tpu.vector_store %arg10[%swap3A_123, %swap3A_124], %broadcast_in_dim3A_122 {strides = array<i32>} : memref<1x16xi32, #tpu.memory_space<vmem>>, vector<1x16xi32>,
    } else {
    }
    %get3A_56 = arith.constant 0 : index
    %get3A_57 = arith.constant 0 : index
    %get3A_58 = vector.load %arg10[%get3A_56, %get3A_57] : memref<1x16xi32, #tpu.memory_space<vmem>>, vector<1x8xi32>
    %eq3A_59 = vector.broadcast %broadcast_in_dim3A_19 : vector<256x1xi32> to vector<256x8xi32>
    %eq3A_60 = arith.cmpi eq, %iota3A, %eq3A_59 : vector<256x8xi32>
    %convert_element_type3A_61 = arith.extui %eq3A_60 : vector<256x8xi1> to vector<256x8xi32>
    %convert_element_type3A_62 = arith.sitofp %convert_element_type3A_61 : vector<256x8xi32> to vector<256x8xf32>
    %eq3A_63 = vector.broadcast %broadcast_in_dim3A_35 : vector<256x1xi32> to vector<256x8xi32>
    %eq3A_64 = arith.cmpi eq, %iota3A, %eq3A_63 : vector<256x8xi32>
    %convert_element_type3A_65 = arith.extui %eq3A_64 : vector<256x8xi1> to vector<256x8xi32>
    %convert_element_type3A_66 = arith.sitofp %convert_element_type3A_65 : vector<256x8xi32> to vector<256x8xf32>
    %iota3A_67 = tpu.iota {dimensions = array<i32: 0>} : vector<256x256xi32>
    %iota3A_68 = tpu.iota {dimensions = array<i32: 1>} : vector<256x256xi32>
    %gt3A = arith.cmpi sgt, %iota3A_67, %iota3A_68 : vector<256x256xi32>
    %convert_element_type3A_69 = arith.extui %gt3A : vector<256x256xi1> to vector<256x256xi32>
    %convert_element_type3A_70 = arith.sitofp %convert_element_type3A_69 : vector<256x256xi32> to vector<256x256xf32>
    %dot_general3A_71 = arith.constant dense<0.000000e+00> : vector<256x8xf32>
    %dot_general3A_72 = tpu.matmul %convert_element_type3A_70, %convert_element_type3A_62, %dot_general3A_71 {dimension_numbers = #tpu.dot_dimension_numbers<[1], [0], [0], [1], [0, 0, 1, 1], [], []>, transpose_lhs_hint = false} : vector<256x256xf32>, vector<256x8xf32>, vector<256x8xf32> -> vector<256x8xf32>
    %dot_general3A_73 = arith.constant dense<0.000000e+00> : vector<256x8xf32>
    %dot_general3A_74 = tpu.matmul %convert_element_type3A_70, %convert_element_type3A_66, %dot_general3A_73 {dimension_numbers = #tpu.dot_dimension_numbers<[1], [0], [0], [1], [0, 0, 1, 1], [], []>, transpose_lhs_hint = false} : vector<256x256xf32>, vector<256x8xf32>, vector<256x8xf32> -> vector<256x8xf32>
    %reduce_sum3A = arith.constant dense<0.000000e+00> : vector<8xf32>
    %reduce_sum3A_75 = vector.multi_reduction <add>, %convert_element_type3A_62, %reduce_sum3A [0] : vector<256x8xf32> to vector<8xf32>
    %broadcast_in_dim3A_76 = vector.shape_cast %reduce_sum3A_75 : vector<8xf32> to vector<1x8xf32>
    %reduce_sum3A_77 = arith.constant dense<0.000000e+00> : vector<8xf32>
    %reduce_sum3A_78 = vector.multi_reduction <add>, %convert_element_type3A_66, %reduce_sum3A_77 [0] : vector<256x8xf32> to vector<8xf32>
    %broadcast_in_dim3A_79 = vector.shape_cast %reduce_sum3A_78 : vector<8xf32> to vector<1x8xf32>
    %convert_element_type3A_80 = arith.sitofp %get3A_58 : vector<1x8xi32> to vector<1x8xf32>
    %gt3A_81 = arith.constant 0.000000e+00 : f32
    %gt3A_82 = vector.broadcast %gt3A_81 : f32 to vector<256x8xf32>
    %gt3A_83 = arith.cmpf ogt, %convert_element_type3A_62, %gt3A_82 : vector<256x8xf32>
    %add3A_84 = vector.broadcast %convert_element_type3A_80 : vector<1x8xf32> to vector<256x8xf32>
    %add3A_85 = arith.addf %dot_general3A_72, %add3A_84 : vector<256x8xf32>
    %jit3A_86 = arith.constant 0.000000e+00 : f32
    %broadcast_in_dim3A_87 = vector.broadcast %jit3A_86 : f32 to vector<256x8xf32>
    %select_n3A_88 = arith.select %gt3A_83, %add3A_85, %broadcast_in_dim3A_87 : vector<256x8xi1>, vector<256x8xf32>
    %reduce_sum3A_89 = arith.constant dense<0.000000e+00> : vector<256xf32>
    %reduce_sum3A_90 = vector.multi_reduction <add>, %select_n3A_88, %reduce_sum3A_89 [1] : vector<256x8xf32> to vector<256xf32>
    %broadcast_in_dim3A_91 = vector.shape_cast %reduce_sum3A_90 : vector<256xf32> to vector<256x1xf32>
    %gt3A_92 = arith.constant 0.000000e+00 : f32
    %gt3A_93 = vector.broadcast %gt3A_92 : f32 to vector<256x8xf32>
    %gt3A_94 = arith.cmpf ogt, %convert_element_type3A_66, %gt3A_93 : vector<256x8xf32>
    %add3A_95 = vector.broadcast %convert_element_type3A_80 : vector<1x8xf32> to vector<256x8xf32>
    %add3A_96 = arith.addf %dot_general3A_74, %add3A_95 : vector<256x8xf32>
    %add3A_97 = vector.broadcast %broadcast_in_dim3A_76 : vector<1x8xf32> to vector<256x8xf32>
    %add3A_98 = arith.addf %add3A_96, %add3A_97 : vector<256x8xf32>
    %jit3A_99 = arith.constant 0.000000e+00 : f32
    %broadcast_in_dim3A_100 = vector.broadcast %jit3A_99 : f32 to vector<256x8xf32>
    %select_n3A_101 = arith.select %gt3A_94, %add3A_98, %broadcast_in_dim3A_100 : vector<256x8xi1>, vector<256x8xf32>
    %reduce_sum3A_102 = arith.constant dense<0.000000e+00> : vector<256xf32>
    %reduce_sum3A_103 = vector.multi_reduction <add>, %select_n3A_101, %reduce_sum3A_102 [1] : vector<256x8xf32> to vector<256xf32>
    %broadcast_in_dim3A_104 = vector.shape_cast %reduce_sum3A_103 : vector<256xf32> to vector<256x1xf32>
    %convert_element_type3A_105 = arith.fptosi %broadcast_in_dim3A_91 : vector<256x1xf32> to vector<256x1xi32>
    %swap3A_106 = arith.constant 0 : index
    %swap3A_107 = arith.constant 0 : index
    %swap3A_108 = vector.load %arg8[%swap3A_106, %swap3A_107] : memref<256x1xi32, #tpu.memory_space<vmem>>, vector<256x1xi32>
    tpu.vector_store %arg8[%swap3A_106, %swap3A_107], %convert_element_type3A_105 {strides = array<i32>} : memref<256x1xi32, #tpu.memory_space<vmem>>, vector<256x1xi32>,
    %convert_element_type3A_109 = arith.fptosi %broadcast_in_dim3A_104 : vector<256x1xf32> to vector<256x1xi32>
    %swap3A_110 = arith.constant 0 : index
    %swap3A_111 = arith.constant 0 : index
    %swap3A_112 = vector.load %arg9[%swap3A_110, %swap3A_111] : memref<256x1xi32, #tpu.memory_space<vmem>>, vector<256x1xi32>
    tpu.vector_store %arg9[%swap3A_110, %swap3A_111], %convert_element_type3A_109 {strides = array<i32>} : memref<256x1xi32, #tpu.memory_space<vmem>>, vector<256x1xi32>,
    %add3A_113 = arith.addf %broadcast_in_dim3A_76, %broadcast_in_dim3A_79 : vector<1x8xf32>
    %convert_element_type3A_114 = arith.fptosi %add3A_113 : vector<1x8xf32> to vector<1x8xi32>
    %add3A_115 = arith.addi %get3A_58, %convert_element_type3A_114 : vector<1x8xi32>
    %broadcast_in_dim3A_116 = arith.constant 0 : i32
    %broadcast_in_dim3A_117 = vector.broadcast %broadcast_in_dim3A_116 : i32 to vector<1x8xi32>
    %concatenate3A = tpu.concatenate %add3A_115, %broadcast_in_dim3A_117 in 1 : vector<1x8xi32>, vector<1x8xi32> -> vector<1x16xi32>
    %swap3A_118 = arith.constant 0 : index
    %swap3A_119 = arith.constant 0 : index
    %swap3A_120 = vector.load %arg10[%swap3A_118, %swap3A_119] : memref<1x16xi32, #tpu.memory_space<vmem>>, vector<1x16xi32>
    tpu.vector_store %arg10[%swap3A_118, %swap3A_119], %concatenate3A {strides = array<i32>} : memref<1x16xi32, #tpu.memory_space<vmem>>, vector<1x16xi32>,
    return
  }
  func.func @transform_0(%arg0: i32) -> (i32, i32) {
    %c0_i32 = arith.constant 0 : i32
    %c0_i32_0 = arith.constant 0 : i32
    return %arg0, %c0_i32 : i32, i32
  }
  func.func @transform_1(%arg0: i32) -> (i32, i32) {
    %c0_i32 = arith.constant 0 : i32
    %c0_i32_0 = arith.constant 0 : i32
    %c0_i32_1 = arith.constant 0 : i32
    return %c0_i32, %c0_i32_0 : i32, i32
  }
  func.func @transform_2(%arg0: i32) -> (i32, i32) {
    %c0_i32 = arith.constant 0 : i32
    %c0_i32_0 = arith.constant 0 : i32
    %c0_i32_1 = arith.constant 0 : i32
    return %c0_i32, %c0_i32_0 : i32, i32
  }
  func.func @transform_3(%arg0: i32) -> (i32, i32) {
    %c0_i32 = arith.constant 0 : i32
    %c0_i32_0 = arith.constant 0 : i32
    return %arg0, %c0_i32 : i32, i32
  }
  func.func @transform_4(%arg0: i32) -> (i32, i32) {
    %c0_i32 = arith.constant 0 : i32
    %c0_i32_0 = arith.constant 0 : i32
    return %arg0, %c0_i32 : i32, i32
  }
  func.func @transform_5(%arg0: i32) -> (i32, i32) {
    %c0_i32 = arith.constant 0 : i32
    %c0_i32_0 = arith.constant 0 : i32
    return %arg0, %c0_i32 : i32, i32
  }
  func.func @transform_6(%arg0: i32) -> (i32, i32) {
    %c0_i32 = arith.constant 0 : i32
    %c0_i32_0 = arith.constant 0 : i32
    return %arg0, %c0_i32 : i32, i32
  }
  func.func @transform_7(%arg0: i32) -> (i32, i32) {
    %c0_i32 = arith.constant 0 : i32
    %c0_i32_0 = arith.constant 0 : i32
    return %arg0, %c0_i32 : i32, i32
  }
  func.func @transform_8(%arg0: i32) -> (i32, i32) {
    %c0_i32 = arith.constant 0 : i32
    %c0_i32_0 = arith.constant 0 : i32
    return %arg0, %c0_i32 : i32, i32
  }
  func.func @transform_9(%arg0: i32) -> (i32, i32) {
    %c0_i32 = arith.constant 0 : i32
    %c0_i32_0 = arith.constant 0 : i32
    %c0_i32_1 = arith.constant 0 : i32
    return %c0_i32, %c0_i32_0 : i32, i32
  }
}

module attributes {stable_mosaic.version = 14 : i64} {
  func.func @_k4_body(%arg0: i32, %arg1: memref<40xi32, #tpu.memory_space<smem>>, %arg2: memref<40xi32, #tpu.memory_space<smem>>, %arg3: memref<40xi32, #tpu.memory_space<smem>>, %arg4: memref<256x1024xf32, #tpu.memory_space<vmem>>, %arg5: memref<1x1024x512xf32, #tpu.memory_space<vmem>>, %arg6: memref<1x1x512xf32, #tpu.memory_space<vmem>>, %arg7: memref<1x1024x512xf32, #tpu.memory_space<vmem>>, %arg8: memref<1x1x512xf32, #tpu.memory_space<vmem>>, %arg9: memref<1x512x1024xf32, #tpu.memory_space<vmem>>, %arg10: memref<1x1x1024xf32, #tpu.memory_space<vmem>>, %arg11: memref<256x1024xf32, #tpu.memory_space<vmem>>) attributes {dimension_semantics = [#tpu.dimension_semantics<arbitrary>], iteration_bounds = array<i64: 40>, scalar_prefetch = 3 : i64, scratch_operands = 0 : i64, tpu.core_type = #tpu.core_type<tc>, window_params = [{transform_indices = @transform_0, window_bounds = array<i64: 256, 1024>}, {transform_indices = @transform_1, window_bounds = array<i64: 1, 1024, 512>}, {transform_indices = @transform_2, window_bounds = array<i64: 1, 1, 512>}, {transform_indices = @transform_3, window_bounds = array<i64: 1, 1024, 512>}, {transform_indices = @transform_4, window_bounds = array<i64: 1, 1, 512>}, {transform_indices = @transform_5, window_bounds = array<i64: 1, 512, 1024>}, {transform_indices = @transform_6, window_bounds = array<i64: 1, 1, 1024>}, {transform_indices = @transform_7, window_bounds = array<i64: 256, 1024>}]} {
    %get3A = arith.index_cast %arg0 : i32 to index
    %get3A_0 = memref.load %arg3[%get3A] : memref<40xi32, #tpu.memory_space<smem>>
    %gt3A = arith.constant 0 : i32
    %gt3A_1 = arith.cmpi sgt, %get3A_0, %gt3A : i32
    %convert_element_type3A = arith.extui %gt3A_1 : i1 to i32
    %cond3A = arith.constant 0 : i32
    %cond3A_2 = arith.cmpi ne, %convert_element_type3A, %cond3A : i32
    scf.if %cond3A_2 {
      %get3A_3 = arith.constant 0 : index
      %get3A_4 = arith.constant 0 : index
      %get3A_5 = vector.load %arg4[%get3A_3, %get3A_4] : memref<256x1024xf32, #tpu.memory_space<vmem>>, vector<256x1024xf32>
      %get3A_6 = arith.constant 0 : index
      %get3A_7 = arith.constant 0 : index
      %get3A_8 = arith.constant 0 : index
      %get3A_9 = vector.load %arg5[%get3A_6, %get3A_7, %get3A_8] : memref<1x1024x512xf32, #tpu.memory_space<vmem>>, vector<1x1024x512xf32>
      %get3A_10 = vector.shape_cast %get3A_9 : vector<1x1024x512xf32> to vector<1024x512xf32>
      %dot_general3A = arith.constant dense<0.000000e+00> : vector<256x512xf32>
      %dot_general3A_11 = tpu.matmul %get3A_5, %get3A_10, %dot_general3A {dimension_numbers = #tpu.dot_dimension_numbers<[1], [0], [0], [1], [0, 0, 1, 1], [], []>, transpose_lhs_hint = false} : vector<256x1024xf32>, vector<1024x512xf32>, vector<256x512xf32> -> vector<256x512xf32>
      %get3A_12 = arith.constant 0 : index
      %get3A_13 = arith.constant 0 : index
      %get3A_14 = arith.constant 0 : index
      %get3A_15 = vector.load %arg6[%get3A_12, %get3A_13, %get3A_14] : memref<1x1x512xf32, #tpu.memory_space<vmem>>, vector<1x1x512xf32>
      %get3A_16 = vector.shape_cast %get3A_15 : vector<1x1x512xf32> to vector<1x512xf32>
      %add3A = vector.broadcast %get3A_16 : vector<1x512xf32> to vector<256x512xf32>
      %add3A_17 = arith.addf %dot_general3A_11, %add3A : vector<256x512xf32>
      %get3A_18 = arith.constant 0 : index
      %get3A_19 = arith.constant 0 : index
      %get3A_20 = arith.constant 0 : index
      %get3A_21 = vector.load %arg7[%get3A_18, %get3A_19, %get3A_20] : memref<1x1024x512xf32, #tpu.memory_space<vmem>>, vector<1x1024x512xf32>
      %get3A_22 = vector.shape_cast %get3A_21 : vector<1x1024x512xf32> to vector<1024x512xf32>
      %dot_general3A_23 = arith.constant dense<0.000000e+00> : vector<256x512xf32>
      %dot_general3A_24 = tpu.matmul %get3A_5, %get3A_22, %dot_general3A_23 {dimension_numbers = #tpu.dot_dimension_numbers<[1], [0], [0], [1], [0, 0, 1, 1], [], []>, transpose_lhs_hint = false} : vector<256x1024xf32>, vector<1024x512xf32>, vector<256x512xf32> -> vector<256x512xf32>
      %get3A_25 = arith.constant 0 : index
      %get3A_26 = arith.constant 0 : index
      %get3A_27 = arith.constant 0 : index
      %get3A_28 = vector.load %arg8[%get3A_25, %get3A_26, %get3A_27] : memref<1x1x512xf32, #tpu.memory_space<vmem>>, vector<1x1x512xf32>
      %get3A_29 = vector.shape_cast %get3A_28 : vector<1x1x512xf32> to vector<1x512xf32>
      %add3A_30 = vector.broadcast %get3A_29 : vector<1x512xf32> to vector<256x512xf32>
      %add3A_31 = arith.addf %dot_general3A_24, %add3A_30 : vector<256x512xf32>
      %logistic3A = arith.negf %add3A_17 : vector<256x512xf32>
      %logistic3A_32 = math.exp %logistic3A : vector<256x512xf32>
      %logistic3A_33 = arith.constant 1.000000e+00 : f32
      %logistic3A_34 = vector.broadcast %logistic3A_33 : f32 to vector<256x512xf32>
      %logistic3A_35 = arith.addf %logistic3A_34, %logistic3A_32 : vector<256x512xf32>
      %logistic3A_36 = arith.divf %logistic3A_34, %logistic3A_35 : vector<256x512xf32>
      %mul3A = arith.mulf %add3A_17, %logistic3A_36 : vector<256x512xf32>
      %mul3A_37 = arith.mulf %mul3A, %add3A_31 : vector<256x512xf32>
      %get3A_38 = arith.constant 0 : index
      %get3A_39 = arith.constant 0 : index
      %get3A_40 = arith.constant 0 : index
      %get3A_41 = vector.load %arg9[%get3A_38, %get3A_39, %get3A_40] : memref<1x512x1024xf32, #tpu.memory_space<vmem>>, vector<1x512x1024xf32>
      %get3A_42 = vector.shape_cast %get3A_41 : vector<1x512x1024xf32> to vector<512x1024xf32>
      %dot_general3A_43 = arith.constant dense<0.000000e+00> : vector<256x1024xf32>
      %dot_general3A_44 = tpu.matmul %mul3A_37, %get3A_42, %dot_general3A_43 {dimension_numbers = #tpu.dot_dimension_numbers<[1], [0], [0], [1], [0, 0, 1, 1], [], []>, transpose_lhs_hint = false} : vector<256x512xf32>, vector<512x1024xf32>, vector<256x1024xf32> -> vector<256x1024xf32>
      %get3A_45 = arith.constant 0 : index
      %get3A_46 = arith.constant 0 : index
      %get3A_47 = arith.constant 0 : index
      %get3A_48 = vector.load %arg10[%get3A_45, %get3A_46, %get3A_47] : memref<1x1x1024xf32, #tpu.memory_space<vmem>>, vector<1x1x1024xf32>
      %get3A_49 = vector.shape_cast %get3A_48 : vector<1x1x1024xf32> to vector<1x1024xf32>
      %add3A_50 = vector.broadcast %get3A_49 : vector<1x1024xf32> to vector<256x1024xf32>
      %add3A_51 = arith.addf %dot_general3A_44, %add3A_50 : vector<256x1024xf32>
      %swap3A = arith.constant 0 : index
      %swap3A_52 = arith.constant 0 : index
      %swap3A_53 = vector.load %arg11[%swap3A, %swap3A_52] : memref<256x1024xf32, #tpu.memory_space<vmem>>, vector<256x1024xf32>
      tpu.vector_store %arg11[%swap3A, %swap3A_52], %add3A_51 {strides = array<i32>} : memref<256x1024xf32, #tpu.memory_space<vmem>>, vector<256x1024xf32>,
    } else {
    }
    return
  }
  func.func @transform_0(%arg0: i32, %arg1: memref<40xi32, #tpu.memory_space<smem>>, %arg2: memref<40xi32, #tpu.memory_space<smem>>, %arg3: memref<40xi32, #tpu.memory_space<smem>>) -> (i32, i32) {
    %get3A = arith.index_cast %arg0 : i32 to index
    %get3A_0 = memref.load %arg1[%get3A] : memref<40xi32, #tpu.memory_space<smem>>
    %c0_i32 = arith.constant 0 : i32
    %c0_i32_1 = arith.constant 0 : i32
    return %get3A_0, %c0_i32 : i32, i32
  }
  func.func @transform_1(%arg0: i32, %arg1: memref<40xi32, #tpu.memory_space<smem>>, %arg2: memref<40xi32, #tpu.memory_space<smem>>, %arg3: memref<40xi32, #tpu.memory_space<smem>>) -> (i32, i32, i32) {
    %get3A = arith.index_cast %arg0 : i32 to index
    %get3A_0 = memref.load %arg2[%get3A] : memref<40xi32, #tpu.memory_space<smem>>
    %c0_i32 = arith.constant 0 : i32
    %c0_i32_1 = arith.constant 0 : i32
    %c0_i32_2 = arith.constant 0 : i32
    return %get3A_0, %c0_i32, %c0_i32_1 : i32, i32, i32
  }
  func.func @transform_2(%arg0: i32, %arg1: memref<40xi32, #tpu.memory_space<smem>>, %arg2: memref<40xi32, #tpu.memory_space<smem>>, %arg3: memref<40xi32, #tpu.memory_space<smem>>) -> (i32, i32, i32) {
    %get3A = arith.index_cast %arg0 : i32 to index
    %get3A_0 = memref.load %arg2[%get3A] : memref<40xi32, #tpu.memory_space<smem>>
    %c0_i32 = arith.constant 0 : i32
    %c0_i32_1 = arith.constant 0 : i32
    %c0_i32_2 = arith.constant 0 : i32
    return %get3A_0, %c0_i32, %c0_i32_1 : i32, i32, i32
  }
  func.func @transform_3(%arg0: i32, %arg1: memref<40xi32, #tpu.memory_space<smem>>, %arg2: memref<40xi32, #tpu.memory_space<smem>>, %arg3: memref<40xi32, #tpu.memory_space<smem>>) -> (i32, i32, i32) {
    %get3A = arith.index_cast %arg0 : i32 to index
    %get3A_0 = memref.load %arg2[%get3A] : memref<40xi32, #tpu.memory_space<smem>>
    %c0_i32 = arith.constant 0 : i32
    %c0_i32_1 = arith.constant 0 : i32
    %c0_i32_2 = arith.constant 0 : i32
    return %get3A_0, %c0_i32, %c0_i32_1 : i32, i32, i32
  }
  func.func @transform_4(%arg0: i32, %arg1: memref<40xi32, #tpu.memory_space<smem>>, %arg2: memref<40xi32, #tpu.memory_space<smem>>, %arg3: memref<40xi32, #tpu.memory_space<smem>>) -> (i32, i32, i32) {
    %get3A = arith.index_cast %arg0 : i32 to index
    %get3A_0 = memref.load %arg2[%get3A] : memref<40xi32, #tpu.memory_space<smem>>
    %c0_i32 = arith.constant 0 : i32
    %c0_i32_1 = arith.constant 0 : i32
    %c0_i32_2 = arith.constant 0 : i32
    return %get3A_0, %c0_i32, %c0_i32_1 : i32, i32, i32
  }
  func.func @transform_5(%arg0: i32, %arg1: memref<40xi32, #tpu.memory_space<smem>>, %arg2: memref<40xi32, #tpu.memory_space<smem>>, %arg3: memref<40xi32, #tpu.memory_space<smem>>) -> (i32, i32, i32) {
    %get3A = arith.index_cast %arg0 : i32 to index
    %get3A_0 = memref.load %arg2[%get3A] : memref<40xi32, #tpu.memory_space<smem>>
    %c0_i32 = arith.constant 0 : i32
    %c0_i32_1 = arith.constant 0 : i32
    %c0_i32_2 = arith.constant 0 : i32
    return %get3A_0, %c0_i32, %c0_i32_1 : i32, i32, i32
  }
  func.func @transform_6(%arg0: i32, %arg1: memref<40xi32, #tpu.memory_space<smem>>, %arg2: memref<40xi32, #tpu.memory_space<smem>>, %arg3: memref<40xi32, #tpu.memory_space<smem>>) -> (i32, i32, i32) {
    %get3A = arith.index_cast %arg0 : i32 to index
    %get3A_0 = memref.load %arg2[%get3A] : memref<40xi32, #tpu.memory_space<smem>>
    %c0_i32 = arith.constant 0 : i32
    %c0_i32_1 = arith.constant 0 : i32
    %c0_i32_2 = arith.constant 0 : i32
    return %get3A_0, %c0_i32, %c0_i32_1 : i32, i32, i32
  }
  func.func @transform_7(%arg0: i32, %arg1: memref<40xi32, #tpu.memory_space<smem>>, %arg2: memref<40xi32, #tpu.memory_space<smem>>, %arg3: memref<40xi32, #tpu.memory_space<smem>>) -> (i32, i32) {
    %c0_i32 = arith.constant 0 : i32
    %c0_i32_0 = arith.constant 0 : i32
    return %arg0, %c0_i32 : i32, i32
  }
}

module attributes {stable_mosaic.version = 14 : i64} {
  func.func @_k1b_body(%arg0: i32, %arg1: memref<256x1024xf32, #tpu.memory_space<vmem>>, %arg2: memref<1024x512xf32, #tpu.memory_space<vmem>>, %arg3: memref<1x512xf32, #tpu.memory_space<vmem>>, %arg4: memref<1024x512xf32, #tpu.memory_space<vmem>>, %arg5: memref<1x512xf32, #tpu.memory_space<vmem>>, %arg6: memref<512x1024xf32, #tpu.memory_space<vmem>>, %arg7: memref<1x1024xf32, #tpu.memory_space<vmem>>, %arg8: memref<256x1024xf32, #tpu.memory_space<vmem>>) attributes {dimension_semantics = [#tpu.dimension_semantics<arbitrary>], iteration_bounds = array<i64: 16>, scalar_prefetch = 0 : i64, scratch_operands = 0 : i64, tpu.core_type = #tpu.core_type<tc>, window_params = [{transform_indices = @transform_0, window_bounds = array<i64: 256, 1024>}, {pipeline_mode = #tpu.pipeline_mode<synchronous>, transform_indices = @transform_1, window_bounds = array<i64: 1024, 512>}, {pipeline_mode = #tpu.pipeline_mode<synchronous>, transform_indices = @transform_2, window_bounds = array<i64: 1, 512>}, {pipeline_mode = #tpu.pipeline_mode<synchronous>, transform_indices = @transform_3, window_bounds = array<i64: 1024, 512>}, {pipeline_mode = #tpu.pipeline_mode<synchronous>, transform_indices = @transform_4, window_bounds = array<i64: 1, 512>}, {pipeline_mode = #tpu.pipeline_mode<synchronous>, transform_indices = @transform_5, window_bounds = array<i64: 512, 1024>}, {pipeline_mode = #tpu.pipeline_mode<synchronous>, transform_indices = @transform_6, window_bounds = array<i64: 1, 1024>}, {transform_indices = @transform_7, window_bounds = array<i64: 256, 1024>}]} {
    %get3A = arith.constant 0 : index
    %get3A_0 = arith.constant 0 : index
    %get3A_1 = vector.load %arg1[%get3A, %get3A_0] : memref<256x1024xf32, #tpu.memory_space<vmem>>, vector<256x1024xf32>
    %get3A_2 = arith.constant 0 : index
    %get3A_3 = arith.constant 0 : index
    %get3A_4 = vector.load %arg2[%get3A_2, %get3A_3] : memref<1024x512xf32, #tpu.memory_space<vmem>>, vector<1024x512xf32>
    %dot_general3A = arith.constant dense<0.000000e+00> : vector<256x512xf32>
    %dot_general3A_5 = tpu.matmul %get3A_1, %get3A_4, %dot_general3A {dimension_numbers = #tpu.dot_dimension_numbers<[1], [0], [0], [1], [0, 0, 1, 1], [], []>, transpose_lhs_hint = false} : vector<256x1024xf32>, vector<1024x512xf32>, vector<256x512xf32> -> vector<256x512xf32>
    %get3A_6 = arith.constant 0 : index
    %get3A_7 = arith.constant 0 : index
    %get3A_8 = vector.load %arg3[%get3A_6, %get3A_7] : memref<1x512xf32, #tpu.memory_space<vmem>>, vector<1x512xf32>
    %add3A = vector.broadcast %get3A_8 : vector<1x512xf32> to vector<256x512xf32>
    %add3A_9 = arith.addf %dot_general3A_5, %add3A : vector<256x512xf32>
    %get3A_10 = arith.constant 0 : index
    %get3A_11 = arith.constant 0 : index
    %get3A_12 = vector.load %arg4[%get3A_10, %get3A_11] : memref<1024x512xf32, #tpu.memory_space<vmem>>, vector<1024x512xf32>
    %dot_general3A_13 = arith.constant dense<0.000000e+00> : vector<256x512xf32>
    %dot_general3A_14 = tpu.matmul %get3A_1, %get3A_12, %dot_general3A_13 {dimension_numbers = #tpu.dot_dimension_numbers<[1], [0], [0], [1], [0, 0, 1, 1], [], []>, transpose_lhs_hint = false} : vector<256x1024xf32>, vector<1024x512xf32>, vector<256x512xf32> -> vector<256x512xf32>
    %get3A_15 = arith.constant 0 : index
    %get3A_16 = arith.constant 0 : index
    %get3A_17 = vector.load %arg5[%get3A_15, %get3A_16] : memref<1x512xf32, #tpu.memory_space<vmem>>, vector<1x512xf32>
    %add3A_18 = vector.broadcast %get3A_17 : vector<1x512xf32> to vector<256x512xf32>
    %add3A_19 = arith.addf %dot_general3A_14, %add3A_18 : vector<256x512xf32>
    %logistic3A = arith.negf %add3A_9 : vector<256x512xf32>
    %logistic3A_20 = math.exp %logistic3A : vector<256x512xf32>
    %logistic3A_21 = arith.constant 1.000000e+00 : f32
    %logistic3A_22 = vector.broadcast %logistic3A_21 : f32 to vector<256x512xf32>
    %logistic3A_23 = arith.addf %logistic3A_22, %logistic3A_20 : vector<256x512xf32>
    %logistic3A_24 = arith.divf %logistic3A_22, %logistic3A_23 : vector<256x512xf32>
    %mul3A = arith.mulf %add3A_9, %logistic3A_24 : vector<256x512xf32>
    %mul3A_25 = arith.mulf %mul3A, %add3A_19 : vector<256x512xf32>
    %get3A_26 = arith.constant 0 : index
    %get3A_27 = arith.constant 0 : index
    %get3A_28 = vector.load %arg6[%get3A_26, %get3A_27] : memref<512x1024xf32, #tpu.memory_space<vmem>>, vector<512x1024xf32>
    %dot_general3A_29 = arith.constant dense<0.000000e+00> : vector<256x1024xf32>
    %dot_general3A_30 = tpu.matmul %mul3A_25, %get3A_28, %dot_general3A_29 {dimension_numbers = #tpu.dot_dimension_numbers<[1], [0], [0], [1], [0, 0, 1, 1], [], []>, transpose_lhs_hint = false} : vector<256x512xf32>, vector<512x1024xf32>, vector<256x1024xf32> -> vector<256x1024xf32>
    %add3A_31 = arith.addf %get3A_1, %dot_general3A_30 : vector<256x1024xf32>
    %get3A_32 = arith.constant 0 : index
    %get3A_33 = arith.constant 0 : index
    %get3A_34 = vector.load %arg7[%get3A_32, %get3A_33] : memref<1x1024xf32, #tpu.memory_space<vmem>>, vector<1x1024xf32>
    %add3A_35 = vector.broadcast %get3A_34 : vector<1x1024xf32> to vector<256x1024xf32>
    %add3A_36 = arith.addf %add3A_31, %add3A_35 : vector<256x1024xf32>
    %swap3A = arith.constant 0 : index
    %swap3A_37 = arith.constant 0 : index
    %swap3A_38 = vector.load %arg8[%swap3A, %swap3A_37] : memref<256x1024xf32, #tpu.memory_space<vmem>>, vector<256x1024xf32>
    tpu.vector_store %arg8[%swap3A, %swap3A_37], %add3A_36 {strides = array<i32>} : memref<256x1024xf32, #tpu.memory_space<vmem>>, vector<256x1024xf32>,
    return
  }
  func.func @transform_0(%arg0: i32) -> (i32, i32) {
    %c0_i32 = arith.constant 0 : i32
    %c0_i32_0 = arith.constant 0 : i32
    return %arg0, %c0_i32 : i32, i32
  }
  func.func @transform_1(%arg0: i32) -> (i32, i32) {
    %c0_i32 = arith.constant 0 : i32
    %c0_i32_0 = arith.constant 0 : i32
    %c0_i32_1 = arith.constant 0 : i32
    return %c0_i32, %c0_i32_0 : i32, i32
  }
  func.func @transform_2(%arg0: i32) -> (i32, i32) {
    %c0_i32 = arith.constant 0 : i32
    %c0_i32_0 = arith.constant 0 : i32
    %c0_i32_1 = arith.constant 0 : i32
    return %c0_i32, %c0_i32_0 : i32, i32
  }
  func.func @transform_3(%arg0: i32) -> (i32, i32) {
    %c0_i32 = arith.constant 0 : i32
    %c0_i32_0 = arith.constant 0 : i32
    %c0_i32_1 = arith.constant 0 : i32
    return %c0_i32, %c0_i32_0 : i32, i32
  }
  func.func @transform_4(%arg0: i32) -> (i32, i32) {
    %c0_i32 = arith.constant 0 : i32
    %c0_i32_0 = arith.constant 0 : i32
    %c0_i32_1 = arith.constant 0 : i32
    return %c0_i32, %c0_i32_0 : i32, i32
  }
  func.func @transform_5(%arg0: i32) -> (i32, i32) {
    %c0_i32 = arith.constant 0 : i32
    %c0_i32_0 = arith.constant 0 : i32
    %c0_i32_1 = arith.constant 0 : i32
    return %c0_i32, %c0_i32_0 : i32, i32
  }
  func.func @transform_6(%arg0: i32) -> (i32, i32) {
    %c0_i32 = arith.constant 0 : i32
    %c0_i32_0 = arith.constant 0 : i32
    %c0_i32_1 = arith.constant 0 : i32
    return %c0_i32, %c0_i32_0 : i32, i32
  }
  func.func @transform_7(%arg0: i32) -> (i32, i32) {
    %c0_i32 = arith.constant 0 : i32
    %c0_i32_0 = arith.constant 0 : i32
    return %arg0, %c0_i32 : i32, i32
  }
}

</mosaic_0001>

<sc_bundles>
// kernel: gather_offload_async_start.1
scs
__scs_entry_jumppad:
0x0: {  	(pc) =	sbr.rel $0x88, $3  }
0x1: {  	(tag) =	ssettag $0x0;
	lr =	simm.s32 $0x1  }
0x2: {  	[smem:$0x3F92] =	sst lr;
	_ =	strace $0xD0000000  }
0x3: {  	_ = 	snop  }
0x4: {  	_ = 	snop  }
0x5: {  	_ = 	snop  }
0x6: {  	_ = 	snop  }
0x7: {  	_ = 	snop  }
__scs_overlays_trampoline_lowered:
0x8: {  	[smem:$0x3FA1] =	sst s0  }
0x9: {  	[smem:$0x3FA2] =	sst s1  }
0xa: {  	[smem:$0x3FA3] =	sst s2  }
0xb: {  	[smem:$0x3FA4] =	sst s3  }
0xc: {  	[smem:$0x3FA5] =	sst s4  }
0xd: {  	[smem:$0x3FA6] =	sst s5  }
0xe: {  	[smem:$0x3FA7] =	sst s6  }
0xf: {  	[smem:$0x3FA8] =	sst s7  }
0x10: {  	[smem:$0x3FA9] =	sst s8  }
0x11: {  	[smem:$0x3FAA] =	sst s9;
	s0 =	simm.s32 @!p0 $0x0  }
0x12: {  	s1 =	sld [smem:$0x3F90];
	s0 =	simm.s32 @p0 $0x1  }
0x13: {  	[smem:$0x3FAB] =	sst s0;
	s0 =	simm.s32 @!p1 $0x0  }
0x14: {  	s2 =	sld [smem:$0x3F8F];
	s0 =	simm.s32 @p1 $0x1  }
0x15: {  	[smem:$0x3FAC] =	sst s0;
	s0 =	simm.s32 @!p2 $0x0  }
0x16: {  	s3 =	sld [smem:$0x3FDB];
	s0 =	simm.s32 @p2 $0x1  }
0x17: {  	s4 =	simm.s32 $0x1BF5;
	[smem:$0x3FAE] =	sst s0  }
0x18: {  	s0 =	sld [smem:$0x3F91];
	_ =	swait.ge [sflag:s4], $0x0  }
0x19: {  	s7 =	sld [smem:$0x3F92]  }
0x1a: {  	s8 =	sadd.s32 $0xFFFFE003, lr  }
0x1b: {  	s9 =	sadd.s32 $0xFFFFFEF7, lr;
	s5 =	simm.s32 $0xFFFFFFFF;
	p2 =	slt.u32 s8, $0xFFFFF086  }
0x1c: {  	p1 =	slt.u32 s9, $0xF7A;
	s5 =	simm.s32 @!p2 $0x0  }
0x1d: {  	s5 =	simm.s32 @p1 $0x1;
	p0 =	seq.s32 s7, s2  }
0x1e: {  	s7 =	smul.u32 @!p0 $0xF7A, s2;
	p2 =	seq.s32 @!p0 s5, $0x0  }
0x1f: {  	s9 =	smul.u32 $0xF7A, s1;
	s8 =	simm.s32 @!p0 $0x1BF5;
	p2 =	por !p2, p0  }
0x20: {  	[sflag:s8] =	ssyncset.s32 @!p0 $0xFFFFF086;
	s6 =	sadd.s32 @!p0 s3, s7;
	s7 =	simm.s32 @!p0 $0x108  }
0x21: {  	s3 =	sadd.s32 s3, s9;
	s6 =	sadd.s32 @!p0 $0x88, s6;
	s7 =	simm.s32 @p2 $0x1082  }
0x22: {  	[simem:s7], [sflag:s8] =	dma.local @!p0 [hbm:s6], $0xF7A  }
0x23: {  	s9 =	sor.u32 $0xD0000000, s2;
	s6 =	simm.s32 $0x108;
	_ =	swait.ge @!p0 [sflag:s8], $0x0  }
0x24: {  	s3 =	sadd.s32 $0x88, s3;
	s6 =	simm.s32 @!p1 $0x1082;
	[sflag:s4] =	ssyncset.s32 $0xFFFFF086  }
0x25: {  	[simem:s6], [sflag:s4] =	dma.local [hbm:s3], $0xF7A  }
0x26: {  	[smem:$0x3F92] =	sst s1;
	(tag) =	ssettag s2;
	_ =	strace s9  }
0x27: {  	s1 =	sld [smem:$0x3FA2]  }
0x28: {  	s2 =	sld [smem:$0x3FA3]  }
0x29: {  	s4 =	sld [smem:$0x3FA5]  }
0x2a: {  	p0 =	seq.s32 s5, $0x0;
	s5 =	sld [smem:$0x3FA6]  }
0x2b: {  	s6 =	sld [smem:$0x3FA7]  }
0x2c: {  	s7 =	sld [smem:$0x3FA8]  }
0x2d: {  	s3 =	simm.s32 $0x108;
	s8 =	sld [smem:$0x3FA9]  }
0x2e: {  	s3 =	simm.s32 @!p0 $0x1082;
	s9 =	sld [smem:$0x3FAA]  }
0x2f: {  	lr =	sadd.s32 s0, s3;
	s0 =	sld [smem:$0x3FA1]  }
0x30: {  	s3 =	sld [smem:$0x3FA4]  }
0x31: {  	[smem:$0x3FAD] =	sst s10  }
0x32: {  	s10 =	sld [smem:$0x3FAB];
	_ =	sdelay $0x3  }
0x33: {  	p0 =	seq.s32 s10, $0x1;
	s10 =	sld [smem:$0x3FAD];
	_ =	sdelay $0x3  }
0x34: {  	[smem:$0x3FAD] =	sst s10  }
0x35: {  	s10 =	sld [smem:$0x3FAC];
	_ =	sdelay $0x3  }
0x36: {  	p1 =	seq.s32 s10, $0x1;
	s10 =	sld [smem:$0x3FAD];
	_ =	sdelay $0x3  }
0x37: {  	[smem:$0x3FAD] =	sst s10  }
0x38: {  	s10 =	sld [smem:$0x3FAE]  }
0x39: {  	_ = 	snop;
	(pc) =	sbr.ind lr, $3  }
0x3a: {  	_ = 	snop  }
0x3b: {  	_ = 	snop  }
0x3c: {  	p2 =	seq.s32 s10, $0x1;
	s10 =	sld [smem:$0x3FAD]  }
0x3d: {  	_ =	shalt  }
0x3e: {  	_ =	shalt  }
0x3f: {  	_ =	shalt  }
0x40: {  	_ =	shalt  }
0x41: {  	_ =	shalt  }
0x42: {  	_ =	shalt  }
0x43: {  	_ =	shalt  }
0x44: {  	_ =	shalt  }
0x45: {  	_ =	shalt  }
0x46: {  	_ =	shalt  }
0x47: {  	_ =	shalt  }
0x48: {  	_ =	shalt  }
0x49: {  	_ =	shalt  }
0x4a: {  	_ =	shalt  }
0x4b: {  	_ =	shalt  }
0x4c: {  	_ =	shalt  }
0x4d: {  	_ =	shalt  }
0x4e: {  	_ =	shalt  }
0x4f: {  	_ =	shalt  }
0x50: {  	_ =	shalt  }
0x51: {  	_ =	shalt  }
0x52: {  	_ =	shalt  }
0x53: {  	_ =	shalt  }
0x54: {  	_ =	shalt  }
0x55: {  	_ =	shalt  }
0x56: {  	_ =	shalt  }
0x57: {  	_ =	shalt  }
0x58: {  	_ =	shalt  }
0x59: {  	_ =	shalt  }
0x5a: {  	_ =	shalt  }
0x5b: {  	_ =	shalt  }
0x5c: {  	_ =	shalt  }
0x5d: {  	_ =	shalt  }
0x5e: {  	_ =	shalt  }
0x5f: {  	_ =	shalt  }
0x60: {  	_ =	shalt  }
0x61: {  	_ =	shalt  }
0x62: {  	_ =	shalt  }
0x63: {  	_ =	shalt  }
0x64: {  	_ =	shalt  }
0x65: {  	_ =	shalt  }
0x66: {  	_ =	shalt  }
0x67: {  	_ =	shalt  }
0x68: {  	_ =	shalt  }
0x69: {  	_ =	shalt  }
0x6a: {  	_ =	shalt  }
0x6b: {  	_ =	shalt  }
0x6c: {  	_ =	shalt  }
0x6d: {  	_ =	shalt  }
0x6e: {  	_ =	shalt  }
0x6f: {  	_ =	shalt  }
0x70: {  	_ =	shalt  }
0x71: {  	_ =	shalt  }
0x72: {  	_ =	shalt  }
0x73: {  	_ =	shalt  }
0x74: {  	_ =	shalt  }
0x75: {  	_ =	shalt  }
0x76: {  	_ =	shalt  }
0x77: {  	_ =	shalt  }
0x78: {  	_ =	shalt  }
0x79: {  	_ =	shalt  }
0x7a: {  	_ =	shalt  }
0x7b: {  	_ =	shalt  }
0x7c: {  	_ =	shalt  }
0x7d: {  	_ =	shalt  }
0x7e: {  	_ =	shalt  }
0x7f: {  	_ =	shalt  }
0x80: {  	_ =	shalt  }
0x81: {  	_ =	shalt  }
0x82: {  	_ =	shalt  }
0x83: {  	_ =	shalt  }
0x84: {  	_ =	shalt  }
0x85: {  	_ =	shalt  }
0x86: {  	_ =	shalt  }
0x87: {  	_ =	shalt  }
.Lfunc_end0:
.L_simem_size_0:
called_computation.1_lowered:
.L_overlay_start_0:
0x88: {  	s2 =	sld [smem:$0x3FD9]  }
0x89: {  	s3 =	sld [smem:$0x3FFE];
	_ =	sdelay $0x1  }
0x8a: {  	s1 =	srdreg.scid  }
0x8b: {  	s0 =	sand.u32 $0x1, s1  }
0x8c: {  	s17 =	sshll.u32 s0, $0xA;
	s2 =	sadd.s32 s3, s2  }
0x8d: {  	s2 =	sadd.s32 s2, s17  }
0x8e: {  	[smem:$0x3FB9] =	sst s2  }
0x8f: {  	_ = 	snop  }
0x90: {  	(tm) =	ssettm $0x1  }
0x91: {  	s18 =	sld [smem:$0x3FFB];
	_ =	sdelay $0x3  }
0x92: {  	_ =	strace s18  }
0x93: {  	s2 =	sld [smem:$0x3FFC];
	_ =	sdelay $0x3  }
0x94: {  	_ =	strace s2  }
0x95: {  	s2 =	sld [smem:$0x3FFD];
	_ =	sdelay $0x3  }
0x96: {  	_ =	strace s2  }
0x97: {  	_ =	strace $0x8FFFFFFF  }
0x98: {  	s19 =	sld [smem:$0x3FDB];
	_ =	sdelay $0x1  }
0x99: {  	s20 =	simm.s32 $_scs_section_size  }
0x9a: {  	s4 =	simm.s32 $_size__tile_overlayer_lowered;
	s5 =	simm.s32 $_tile_overlayer_lowered  }
0x9b: {  	s6 =	simm.s32 $0x1BFF;
	s21 =	sshll.u32 s5, $0x1;
	s3 =	sadd.s32 s20, s19  }
0x9c: {  	s22 =	simm.s32 $0x0;
	s4 =	sshll.u32 s4, $0x1;
	s5 =	sadd.s32 s21, s3  }
0x9d: {  	[timem:s22], [sflag:s6] =	dma.local [hbm:s5], s4  }
0x9e: {  	_ =	swait.ge [sflag:s6], s4  }
0x9f: {  	s4 =	ssub.s32 $0x0, s4;
	[sflag:s6] =	ssyncset.done $0x0  }
0xa0: {  	[sflag:s6] =	ssyncadd.s32 s4;
	_ =	sdelay $0x1  }
0xa1: {  	s23 =	simm.s32 $0x1B8B  }
0xa2: {  	_ =	swait.ge [sflag:s23], $0x1  }
0xa3: {  	[sflag:s23] =	ssyncset.done $0x0  }
0xa4: {  	[sflag:s23] =	ssyncadd.s32 $0xFFFFFFFF  }
0xa5: {  	s4 =	sld [smem:$0x0]  }
0xa6: {  	s5 =	sand.u32 $0xFFFFFFFE, s1  }
0xa7: {  	p0 =	sne.s32 s1, s5  }
0xa8: {  	s5 =	sshll.u32 @p0 s5, $0xE  }
0xa9: {  	s5 =	sadd.s32 @p0 $0x11B8D, s5;
	s6 =	sshll.u32 @p0 s4, $0x11  }
0xaa: {  	s5 =	sor.u32 @p0 s6, s5  }
0xab: {  	[sflag:s5] =	ssyncadd.remote.s32 @p0 $0x1;
	_ =	sdelay $0x1  }
0xac: {  	s5 =	simm.s32 @p0 $0x1B8D  }
0xad: {  	_ =	swait.eq @p0 [sflag:s5], $0x1  }
0xae: {  	[sflag:s5] =	ssyncadd.s32 @p0 $0xFFFFFFFF  }
0xaf: {  	s6 =	sshll.u32 @!p0 s1, $0xE  }
0xb0: {  	s6 =	sor.u32 @!p0 $0x4000, s6;
	s5 =	simm.s32 @!p0 $0x1B8D  }
0xb1: {  	s4 =	sshll.u32 @!p0 s4, $0x11;
	s6 =	sadd.s32 @!p0 $0x11B8D, s6;
	_ =	swait.eq @!p0 [sflag:s5], $0x1  }
0xb2: {  	s4 =	sor.u32 @!p0 s4, s6;
	[sflag:s5] =	ssyncadd.s32 @!p0 $0xFFFFFFFF  }
0xb3: {  	s25 =	simm.s32 $0x1B8E;
	s24 =	sld [smem:$0x3FFE];
	[sflag:s4] =	ssyncadd.remote.s32 @!p0 $0x1  }
0xb4: {  	s26 =	simm.s32 $execute0_lowered;
	[smem:$0x3FD2] =	sst s25  }
0xb5: {  	s5 =	sshll.u32 s26, $0x1;
	_ =	strace $0x8000004C;
	[dreg:$0x1] =	wrdreg $0xFFFFFFFF  }
0xb6: {  	s28 =	simm.s32 $_size_execute0_lowered;
	s3 =	sadd.s32 s3, s5;
	[dreg:$0x0] =	wrdreg $0x0  }
0xb7: {  	s5 =	sshll.u32 s28, $0x1;
	[dreg:$0x2] =	wrdreg s3  }
0xb8: {  	[dreg:$0x3] =	wrdreg s5  }
0xb9: {  	[dreg:$0x4] =	wrdreg $0xC0  }
0xba: {  	_ =	task [dreg:s22], $0x5FFFF  }
0xbb: {  	[dreg:$0x1] =	wrdreg $0xFFFFFFFF  }
0xbc: {  	[dreg:$0x0] =	wrdreg $0x60  }
0xbd: {  	[dreg:$0x2] =	wrdreg s24  }
0xbe: {  	[dreg:$0x3] =	wrdreg $0xA  }
0xbf: {  	_ =	task.clear_ibuf [dreg:s22], $0x4FFFF;
	_ =	strace $0x9000004C  }
0xc0: {  	s29 =	simm.s32 $0xA;
	_ =	strace $0x8000004E  }
0xc1: {  	_ =	swait.ge [sflag:s29], $0x1  }
0xc2: {  	[sflag:s29] =	ssyncadd.s32 $0xFFFFFFFF  }
0xc3: {  	_ =	strace $0x9000004E  }
0xc4: {  	_ =	sfence  }
0xc5: {  	s30 =	sld [smem:$0x0];
	_ =	sdelay $0x2  }
0xc6: {  	s31 =	sshll.u32 s1, $0xD;
	s1 =	sshrl.u32 s1, $0x2  }
0xc7: {  	s4 =	sand.u32 $0x4000, s31;
	s1 =	sadd.s32 s1, s30  }
0xc8: {  	s0 =	sor.u32 s4, s0;
	s1 =	sshll.u32 s1, $0x11  }
0xc9: {  	s0 =	sor.u32 s1, s0  }
0xca: {  	s0 =	sadd.s32 $0x8F2B, s0  }
0xcb: {  	[sflag:s0] =	ssyncadd.remote.s32 $0x1  }
0xcc: {  	_ =	sfence.sel $0xFFFF  }
0xcd: {  	[dreg:$0x0] =	wrdreg $0xFFFFFFFF;
	(pc) =	sbr.abs _section_cstart, $3  }
0xce: {  	[dreg:$0x1] =	wrdreg $0xFFFFFFFF  }
0xcf: {  	_ =	task.clear_ibuf [dreg:s22], $0x2FFFF;
	_ =	strace $0x9FFFFFFF  }
0xd0: {  	(tm) =	ssettm $0x7FFFFFFF  }
0xd1: {  	_ =	shalt  }
tec
execute0_lowered:
.L_overlay_start_1:
0x0: {  	(tag) =	ssettag $0x1  }
0x1: {  	s7 =	rddreg [dreg:$0x0]  }
0x2: {  	s0 =	rddreg [dreg:$0x1];
	_ =	strace $0x8000004D  }
0x3: {  	s1 =	srdreg.scid;
	s4 =	simm.s32 $0x1;
	s9 =	simm.s32 $0x3  }
0x4: {  	s11 =	simm.s32 $0x0;
	p0 =	por $0x0, $0x0;
	s5 =	sshll.u32 s1, $0x4  }
.Ltmp0:
0x5: {  	s1 =	stileid.u32;
	s5 =	sand.u32 $0x10, s5;
	(pc) =	sbr.rel .LBB2_1-.Ltmp0, $4  }
0x6: {  	s2 =	sadd.s32 $0x163A00, s7;
	s3 =	sadd.s32 $0x22A00, s7;
	s6 =	sor.u32 s1, s5  }
0x7: {  	[sflag:s4] =	ssyncpa.u1 $0x0;
	s5 =	simm.s32 $0x2;
	s6 =	sshll.u32 s6, $0x7  }
0x8: {  	s7 =	sadd.s32 $0xA2E00, s7;
	[sflag:s5] =	ssyncpa.u1 $0x0;
	s8 =	sadd.s32 $0x80, s6  }
0x9: {  	vm0 =	vmmov $0xff;
	vm1 =	vcmask $0x3F20;
	[sflag:s9] =	ssyncpa.u1 $0x0;
	s10 =	smov.u32 s6;
	s9 =	simm.s32 $0x0  }
.LBB2_9:
0xa: {  	p1 =	slt.u32 s9, $0x2;
	s11 =	sadd.s32 $0x20, s10  }
0xb: {  	s13 =	smov.u32 s6;
	s9 =	sadd.s32 $0x1, s9;
	p2 =	slt.s32 s11, s8  }
0xc: {  	s13 =	smov.u32 @p2 s11;
	p2 =	sne.s32 s9, $0x6  }
.Ltmp1:
0xd: {  	_ = 	snop;
	(pc) =	sbr.rel @!p2 .LBB2_10-.Ltmp1, $4  }
0xe: {  	s12 =	simm.s32 @!p1 $0x3  }
0xf: {  	_ =	swait.ge @!p1 [sflag:s12], $0x8000  }
0x10: {  	p0 =	por !p0, !p0;
	[sflag:s12] =	ssyncset.done @!p1 $0x0  }
0x11: {  	s11 =	smov.u32 s10;
	s10 =	smov.u32 s13;
	[sflag:s12] =	ssyncadd.s32 @!p1 $0xFFFF8000  }
.LBB2_1:
0x12: {  	p1 =	sgt.u32 s9, $0x3  }
0x13: {  	s12 =	sxor.u32 @!p1 $0xFFFFFFFF, s9  }
0x14: {  	s13 =	sshrl.u32 @!p1 s10, $0x3;
	s12 =	sshll.u32 @!p1 s12, $0x5  }
0x15: {  	s14 =	sand.u32 @!p1 $0x7, s10;
	s13 =	sadd.s32 @!p1 s3, s13;
	s12 =	sand.u32 @!p1 $0x20, s12  }
0x16: {  	[tilespmem:s12], [sflag:$0x2] =	stream.linear.gather @!p1 [hbm4b:s13+s14], $0x20, $0x38;
	[tilespmem:$0x10040] =	vst v63  }
0x17: {  	p1 =	seq.s32 s9, $0x0  }
0x18: {  	p2 =	seq.s32 @!p1 s9, $0x5  }
0x19: {  	p1 =	por p1, p2  }
.Ltmp2:
0x1a: {  	_ = 	snop;
	(pc) =	sbr.rel @p1 .LBB2_9-.Ltmp2, $1  }
0x1b: {  	_ =	sdelay $0x3  }
0x1c: {  	s12 =	simm.s32 $0x1  }
0x1d: {  	_ =	swait.ge [sflag:s5], $0x20;
	s13 =	sand.u32 $0x1, s9;
	s12 =	simm.s32 @!p0 $0x0  }
0x1e: {  	s15 =	simm.s32 $0x0;
	p2 =	por $0x1, $0x1;
	s12 =	sshll.u32 s12, $0x11  }
0x1f: {  	[sflag:s5] =	ssyncset.done $0x0;
	s13 =	sshll.u32 s13, $0x5;
	s14 =	sshrl.u32 s12, $0x2  }
0x20: {  	[sflag:s5] =	ssyncadd.s32 $0xFFFFFFE0;
	s12 =	sor.u32 $0x40, s14;
	s14 =	sadd.s32 $0x40, s14  }
.LBB2_3:
0x21: {  	s16 =	sshll.u32 s15, $0x4  }
0x22: {  	s16 =	sand.u32 $0x3FFFFFF0, s16  }
0x23: {  	s16 =	sadd.s32 s16, s13  }
0x24: {  	v0 =	vld.msk [tilespmem:s16+$0x0 ss:$0x1], $0xffff;
	_ =	sdelay $0x4  }
0x25: {  	vm2 =	vgt.s32 v0, $0x0  }
0x26: {  	v0 =	vnsel vm2, $0x0, v0  }
0x27: {  	v0 =	vmin.u32 v0, $0x27FF  }
0x28: {  	v1 =	vshll.u32 v0, $0x7;
	v0 =	vshll.u32 v0, $0x4  }
0x29: {  	v1 =	vand.u32 $0x1FFC00, v1;
	v0 =	vand.u32 $0x70, v0  }
0x2a: {  	v0 =	vor.u32 v0, v1  }
0x2b: {  	s31 =	sshll.u32 s15, $0x10  }
0x2c: {  	s15 =	sshra.s32 s31, $0x2  }
0x2d: {  	s15 =	sadd.s32 s15, s14  }
0x2e: {  	s17 =	sadd.s32 $0x0, s15  }
0x2f: {  	[tilespmem:s17], [sflag:$0x1] =	stream.indirect_vreg.gather [hbm:s2], $0x80, v0, vm0, $0x38;
	[tilespmem:$0x10040] =	vst v63  }
0x30: {  	p1 =	por p2, p2;
	s16 =	simm.s32 $0x1000;
	v1 =	vadd.s32 $0x80, v0;
	s17 =	sadd.s32 $0x2000, s17  }
.LBB2_4:
0x31: {  	[tilespmem:s17], [sflag:$0x1] =	stream.indirect_vreg.gather [hbm:s2], $0x80, v0, vm1, $0x38;
	[tilespmem:$0x10040] =	vst v63  }
0x32: {  	v0 =	vmov v1;
	s17 =	smov.u32 s16;
	p2 =	sne.s32 s16, $0x7000  }
.Ltmp3:
0x33: {  	s16 =	sadd.s32 $0x1000, s16;
	(pc) =	sbr.rel @p2 .LBB2_4-.Ltmp3, $4  }
0x34: {  	s17 =	sshra.s32 s17, $0x2  }
0x35: {  	s17 =	sadd.s32 s17, s15  }
0x36: {  	[tilespmem:s17], [sflag:$0x1] =	stream.indirect_vreg.gather [hbm:s2], $0x80, v1, vm0, $0x38;
	[tilespmem:$0x10040] =	vst v63  }
0x37: {  	s17 =	sadd.s32 $0x2000, s17;
	v1 =	vadd.s32 $0x80, v1  }
0x38: {  	_ = 	snop  }
.Ltmp4:
0x39: {  	_ = 	snop;
	(pc) =	sbr.rel @p1 .LBB2_3-.Ltmp4, $3  }
0x3a: {  	_ =	sdelay $0x1  }
0x3b: {  	[tilespmem:s17], [sflag:$0x1] =	stream.indirect_vreg.gather [hbm:s2], $0x80, v0, vm1, $0x38;
	[tilespmem:$0x10040] =	vst v63  }
0x3c: {  	s15 =	simm.s32 $0x1;
	p2 =	por $0x0, $0x0  }
0x3d: {  	s13 =	sshll.u32 s11, $0x7  }
0x3e: {  	s31 =	sshll.u32 s11, $0x4;
	s13 =	sand.u32 $0xFFFFFC00, s13  }
0x3f: {  	_ =	swait.ge [sflag:s4], $0x8000;
	s11 =	sand.u32 $0x70, s31;
	s13 =	sadd.s32 s13, s7  }
0x40: {  	s14 =	sadd.s32 $0x2000, s12;
	[sflag:s4] =	ssyncset.done $0x0;
	s11 =	sadd.s32 s11, s13  }
0x41: {  	[sflag:s4] =	ssyncadd.s32 $0xFFFF8000;
	s13 =	simm.s32 $0x400;
	s15 =	sadd.s32 $0x0, s11  }
.LBB2_7:
0x42: {  	[hbm:s15] =	stream.linear.scatter [tilespmem:s12], [sflag:$0x3], $0x2000, $0x38;
	[tilespmem:$0x10040] =	vst v63  }
0x43: {  	s15 =	smov.u32 s13;
	s12 =	smov.u32 s14;
	p1 =	sne.s32 s13, $0xC00  }
.Ltmp5:
0x44: {  	s13 =	sadd.s32 $0x400, s13;
	(pc) =	sbr.rel @p1 .LBB2_7-.Ltmp5, $2  }
0x45: {  	_ =	sdelay $0x2  }
0x46: {  	s14 =	sadd.s32 $0x2000, s14;
	s15 =	sadd.s32 s15, s11  }
.Ltmp6:
0x47: {  	(pc) =	sbr.rel .LBB2_9-.Ltmp6, $2  }
0x48: {  	_ =	sdelay $0x2  }
0x49: {  	[hbm:s15] =	stream.linear.scatter [tilespmem:s12], [sflag:$0x3], $0x2000, $0x38;
	[tilespmem:$0x10040] =	vst v63  }
.LBB2_10:
0x4a: {  	_ =	sfence.sel $0x180000  }
0x4b: {  	s2 =	simm.s32 $0x2;
	[bflag:$0x0] =	sbarrier.arrive $0xFFFF  }
0x4c: {  	s30 =	simm.s32 $0x3;
	[sflag:s2] =	ssyncpa.u1 $0x1  }
0x4d: {  	s31 =	simm.s32 $0x1;
	[sflag:s30] =	ssyncpa.u1 $0x1  }
0x4e: {  	[sflag:s31] =	ssyncpa.u1 $0x1  }
0x4f: {  	p0 =	sne.s32 s1, $0x0;
	_ =	strace $0x9000004D  }
0x50: {  	s0 =	sadd.s32 @!p0 $0x100000, s0;
	[bflag:$0x2] =	sbarrier.arrive $0xFFFF  }
0x51: {  	[sflag:s0] =	ssyncadd.tile.s32 @!p0 $0x1;
	_ =	shalt  }
.Lfunc_end2:
_tile_overlayer_lowered:
.L_overlay_start_2:
0x52: {  	(tag) =	ssettag $0x2  }
0x53: {  	s0 =	rddreg [dreg:$0x0];
	s2 =	stileid.u32  }
0x54: {  	s1 =	rddreg [dreg:$0x1];
	p0 =	sne.s32 s2, $0x0  }
0x55: {  	s3 =	rddreg [dreg:$0x2];
	[bflag:$0x3] =	sbarrier.arrive $0xFFFF;
	s2 =	simm.s32 @!p0 $0x1C01  }
0x56: {  	[timem:s3], [sflag:s2] =	dma.local @!p0 [hbm:s0], s1  }
0x57: {  	s0 =	simm.s32 @!p0 $0x1  }
0x58: {  	_ =	swait.ge @!p0 [sflag:s0], s1  }
0x59: {  	s1 =	ssub.s32 @!p0 $0x0, s1;
	[sflag:s0] =	ssyncset.done @!p0 $0x0  }
0x5a: {  	[sflag:s0] =	ssyncadd.s32 @!p0 s1  }
0x5b: {  	[bflag:$0x3] =	sbarrier.arrive $0xFFFF  }
0x5c: {  	_ =	shalt  }

// kernel: gather_offload_async_start
scs
__scs_entry_jumppad:
0x0: {  	(pc) =	sbr.rel $0x88, $3  }
0x1: {  	(tag) =	ssettag $0x0;
	lr =	simm.s32 $0x1  }
0x2: {  	[smem:$0x3F92] =	sst lr;
	_ =	strace $0xD0000000  }
0x3: {  	_ = 	snop  }
0x4: {  	_ = 	snop  }
0x5: {  	_ = 	snop  }
0x6: {  	_ = 	snop  }
0x7: {  	_ = 	snop  }
__scs_overlays_trampoline_lowered:
0x8: {  	[smem:$0x3FA1] =	sst s0  }
0x9: {  	[smem:$0x3FA2] =	sst s1  }
0xa: {  	[smem:$0x3FA3] =	sst s2  }
0xb: {  	[smem:$0x3FA4] =	sst s3  }
0xc: {  	[smem:$0x3FA5] =	sst s4  }
0xd: {  	[smem:$0x3FA6] =	sst s5  }
0xe: {  	[smem:$0x3FA7] =	sst s6  }
0xf: {  	[smem:$0x3FA8] =	sst s7  }
0x10: {  	[smem:$0x3FA9] =	sst s8  }
0x11: {  	[smem:$0x3FAA] =	sst s9;
	s0 =	simm.s32 @!p0 $0x0  }
0x12: {  	s1 =	sld [smem:$0x3F90];
	s0 =	simm.s32 @p0 $0x1  }
0x13: {  	[smem:$0x3FAB] =	sst s0;
	s0 =	simm.s32 @!p1 $0x0  }
0x14: {  	s2 =	sld [smem:$0x3F8F];
	s0 =	simm.s32 @p1 $0x1  }
0x15: {  	[smem:$0x3FAC] =	sst s0;
	s0 =	simm.s32 @!p2 $0x0  }
0x16: {  	s3 =	sld [smem:$0x3FDB];
	s0 =	simm.s32 @p2 $0x1  }
0x17: {  	s4 =	simm.s32 $0x1BF5;
	[smem:$0x3FAE] =	sst s0  }
0x18: {  	s0 =	sld [smem:$0x3F91];
	_ =	swait.ge [sflag:s4], $0x0  }
0x19: {  	s7 =	sld [smem:$0x3F92]  }
0x1a: {  	s8 =	sadd.s32 $0xFFFFE003, lr  }
0x1b: {  	s9 =	sadd.s32 $0xFFFFFEF7, lr;
	s5 =	simm.s32 $0xFFFFFFFF;
	p2 =	slt.u32 s8, $0xFFFFF086  }
0x1c: {  	p1 =	slt.u32 s9, $0xF7A;
	s5 =	simm.s32 @!p2 $0x0  }
0x1d: {  	s5 =	simm.s32 @p1 $0x1;
	p0 =	seq.s32 s7, s2  }
0x1e: {  	s7 =	smul.u32 @!p0 $0xF7A, s2;
	p2 =	seq.s32 @!p0 s5, $0x0  }
0x1f: {  	s9 =	smul.u32 $0xF7A, s1;
	s8 =	simm.s32 @!p0 $0x1BF5;
	p2 =	por !p2, p0  }
0x20: {  	[sflag:s8] =	ssyncset.s32 @!p0 $0xFFFFF086;
	s6 =	sadd.s32 @!p0 s3, s7;
	s7 =	simm.s32 @!p0 $0x108  }
0x21: {  	s3 =	sadd.s32 s3, s9;
	s6 =	sadd.s32 @!p0 $0x88, s6;
	s7 =	simm.s32 @p2 $0x1082  }
0x22: {  	[simem:s7], [sflag:s8] =	dma.local @!p0 [hbm:s6], $0xF7A  }
0x23: {  	s9 =	sor.u32 $0xD0000000, s2;
	s6 =	simm.s32 $0x108;
	_ =	swait.ge @!p0 [sflag:s8], $0x0  }
0x24: {  	s3 =	sadd.s32 $0x88, s3;
	s6 =	simm.s32 @!p1 $0x1082;
	[sflag:s4] =	ssyncset.s32 $0xFFFFF086  }
0x25: {  	[simem:s6], [sflag:s4] =	dma.local [hbm:s3], $0xF7A  }
0x26: {  	[smem:$0x3F92] =	sst s1;
	(tag) =	ssettag s2;
	_ =	strace s9  }
0x27: {  	s1 =	sld [smem:$0x3FA2]  }
0x28: {  	s2 =	sld [smem:$0x3FA3]  }
0x29: {  	s4 =	sld [smem:$0x3FA5]  }
0x2a: {  	p0 =	seq.s32 s5, $0x0;
	s5 =	sld [smem:$0x3FA6]  }
0x2b: {  	s6 =	sld [smem:$0x3FA7]  }
0x2c: {  	s7 =	sld [smem:$0x3FA8]  }
0x2d: {  	s3 =	simm.s32 $0x108;
	s8 =	sld [smem:$0x3FA9]  }
0x2e: {  	s3 =	simm.s32 @!p0 $0x1082;
	s9 =	sld [smem:$0x3FAA]  }
0x2f: {  	lr =	sadd.s32 s0, s3;
	s0 =	sld [smem:$0x3FA1]  }
0x30: {  	s3 =	sld [smem:$0x3FA4]  }
0x31: {  	[smem:$0x3FAD] =	sst s10  }
0x32: {  	s10 =	sld [smem:$0x3FAB];
	_ =	sdelay $0x3  }
0x33: {  	p0 =	seq.s32 s10, $0x1;
	s10 =	sld [smem:$0x3FAD];
	_ =	sdelay $0x3  }
0x34: {  	[smem:$0x3FAD] =	sst s10  }
0x35: {  	s10 =	sld [smem:$0x3FAC];
	_ =	sdelay $0x3  }
0x36: {  	p1 =	seq.s32 s10, $0x1;
	s10 =	sld [smem:$0x3FAD];
	_ =	sdelay $0x3  }
0x37: {  	[smem:$0x3FAD] =	sst s10  }
0x38: {  	s10 =	sld [smem:$0x3FAE]  }
0x39: {  	_ = 	snop;
	(pc) =	sbr.ind lr, $3  }
0x3a: {  	_ = 	snop  }
0x3b: {  	_ = 	snop  }
0x3c: {  	p2 =	seq.s32 s10, $0x1;
	s10 =	sld [smem:$0x3FAD]  }
0x3d: {  	_ =	shalt  }
0x3e: {  	_ =	shalt  }
0x3f: {  	_ =	shalt  }
0x40: {  	_ =	shalt  }
0x41: {  	_ =	shalt  }
0x42: {  	_ =	shalt  }
0x43: {  	_ =	shalt  }
0x44: {  	_ =	shalt  }
0x45: {  	_ =	shalt  }
0x46: {  	_ =	shalt  }
0x47: {  	_ =	shalt  }
0x48: {  	_ =	shalt  }
0x49: {  	_ =	shalt  }
0x4a: {  	_ =	shalt  }
0x4b: {  	_ =	shalt  }
0x4c: {  	_ =	shalt  }
0x4d: {  	_ =	shalt  }
0x4e: {  	_ =	shalt  }
0x4f: {  	_ =	shalt  }
0x50: {  	_ =	shalt  }
0x51: {  	_ =	shalt  }
0x52: {  	_ =	shalt  }
0x53: {  	_ =	shalt  }
0x54: {  	_ =	shalt  }
0x55: {  	_ =	shalt  }
0x56: {  	_ =	shalt  }
0x57: {  	_ =	shalt  }
0x58: {  	_ =	shalt  }
0x59: {  	_ =	shalt  }
0x5a: {  	_ =	shalt  }
0x5b: {  	_ =	shalt  }
0x5c: {  	_ =	shalt  }
0x5d: {  	_ =	shalt  }
0x5e: {  	_ =	shalt  }
0x5f: {  	_ =	shalt  }
0x60: {  	_ =	shalt  }
0x61: {  	_ =	shalt  }
0x62: {  	_ =	shalt  }
0x63: {  	_ =	shalt  }
0x64: {  	_ =	shalt  }
0x65: {  	_ =	shalt  }
0x66: {  	_ =	shalt  }
0x67: {  	_ =	shalt  }
0x68: {  	_ =	shalt  }
0x69: {  	_ =	shalt  }
0x6a: {  	_ =	shalt  }
0x6b: {  	_ =	shalt  }
0x6c: {  	_ =	shalt  }
0x6d: {  	_ =	shalt  }
0x6e: {  	_ =	shalt  }
0x6f: {  	_ =	shalt  }
0x70: {  	_ =	shalt  }
0x71: {  	_ =	shalt  }
0x72: {  	_ =	shalt  }
0x73: {  	_ =	shalt  }
0x74: {  	_ =	shalt  }
0x75: {  	_ =	shalt  }
0x76: {  	_ =	shalt  }
0x77: {  	_ =	shalt  }
0x78: {  	_ =	shalt  }
0x79: {  	_ =	shalt  }
0x7a: {  	_ =	shalt  }
0x7b: {  	_ =	shalt  }
0x7c: {  	_ =	shalt  }
0x7d: {  	_ =	shalt  }
0x7e: {  	_ =	shalt  }
0x7f: {  	_ =	shalt  }
0x80: {  	_ =	shalt  }
0x81: {  	_ =	shalt  }
0x82: {  	_ =	shalt  }
0x83: {  	_ =	shalt  }
0x84: {  	_ =	shalt  }
0x85: {  	_ =	shalt  }
0x86: {  	_ =	shalt  }
0x87: {  	_ =	shalt  }
.Lfunc_end0:
.L_simem_size_0:
called_computation_lowered:
.L_overlay_start_0:
0x88: {  	s2 =	sld [smem:$0x3FD9]  }
0x89: {  	s3 =	sld [smem:$0x3FFE];
	_ =	sdelay $0x1  }
0x8a: {  	s1 =	srdreg.scid  }
0x8b: {  	s0 =	sand.u32 $0x1, s1  }
0x8c: {  	s16 =	sshll.u32 s0, $0xA;
	s2 =	sadd.s32 s3, s2  }
0x8d: {  	s2 =	sadd.s32 s2, s16  }
0x8e: {  	[smem:$0x3FB9] =	sst s2  }
0x8f: {  	_ = 	snop  }
0x90: {  	(tm) =	ssettm $0x1  }
0x91: {  	s17 =	sld [smem:$0x3FFB];
	_ =	sdelay $0x3  }
0x92: {  	_ =	strace s17  }
0x93: {  	s2 =	sld [smem:$0x3FFC];
	_ =	sdelay $0x3  }
0x94: {  	_ =	strace s2  }
0x95: {  	s2 =	sld [smem:$0x3FFD];
	_ =	sdelay $0x3  }
0x96: {  	_ =	strace s2  }
0x97: {  	_ =	strace $0x8FFFFFFF  }
0x98: {  	s18 =	sld [smem:$0x3FDB];
	_ =	sdelay $0x1  }
0x99: {  	s19 =	simm.s32 $_scs_section_size  }
0x9a: {  	s4 =	simm.s32 $_size__tile_overlayer_lowered;
	s5 =	simm.s32 $_tile_overlayer_lowered  }
0x9b: {  	s22 =	simm.s32 $0x1BFF;
	s21 =	sshll.u32 s5, $0x1;
	s2 =	sadd.s32 s19, s18  }
0x9c: {  	s6 =	simm.s32 $0x0;
	s20 =	sshll.u32 s4, $0x1;
	s4 =	sadd.s32 s21, s2  }
0x9d: {  	[timem:s6], [sflag:s22] =	dma.local [hbm:s4], s20  }
0x9e: {  	_ =	swait.ge [sflag:s22], s20  }
0x9f: {  	s3 =	ssub.s32 $0x0, s20;
	[sflag:s22] =	ssyncset.done $0x0  }
0xa0: {  	[sflag:s22] =	ssyncadd.s32 s3;
	_ =	sdelay $0x1  }
0xa1: {  	s23 =	simm.s32 $0x1B8B  }
0xa2: {  	_ =	swait.ge [sflag:s23], $0x1  }
0xa3: {  	[sflag:s23] =	ssyncset.done $0x0  }
0xa4: {  	s25 =	simm.s32 $0x1B8E;
	s24 =	sld [smem:$0x3FFE];
	[sflag:s23] =	ssyncadd.s32 $0xFFFFFFFF  }
0xa5: {  	s26 =	simm.s32 $execute0_lowered;
	[smem:$0x3FD2] =	sst s25  }
0xa6: {  	s4 =	sshll.u32 s26, $0x1;
	_ =	strace $0x80000049;
	[dreg:$0x1] =	wrdreg $0xFFFFFFFF  }
0xa7: {  	s28 =	simm.s32 $_size_execute0_lowered;
	s2 =	sadd.s32 s2, s4;
	[dreg:$0x0] =	wrdreg $0x0  }
0xa8: {  	s4 =	sshll.u32 s28, $0x1;
	[dreg:$0x2] =	wrdreg s2  }
0xa9: {  	[dreg:$0x3] =	wrdreg s4  }
0xaa: {  	[dreg:$0x4] =	wrdreg $0xC0  }
0xab: {  	_ =	task [dreg:s6], $0x5FFFF  }
0xac: {  	[dreg:$0x1] =	wrdreg $0xFFFFFFFF  }
0xad: {  	[dreg:$0x0] =	wrdreg $0x60  }
0xae: {  	[dreg:$0x2] =	wrdreg s24  }
0xaf: {  	[dreg:$0x3] =	wrdreg $0x9  }
0xb0: {  	_ =	task.clear_ibuf [dreg:s6], $0x4FFFF;
	_ =	strace $0x90000049  }
0xb1: {  	s29 =	simm.s32 $0x9;
	_ =	strace $0x8000004B  }
0xb2: {  	_ =	swait.ge [sflag:s29], $0x1  }
0xb3: {  	[sflag:s29] =	ssyncadd.s32 $0xFFFFFFFF  }
0xb4: {  	_ =	strace $0x9000004B  }
0xb5: {  	_ =	sfence  }
0xb6: {  	s30 =	sld [smem:$0x0];
	_ =	sdelay $0x2  }
0xb7: {  	s31 =	sshll.u32 s1, $0xD;
	s1 =	sshrl.u32 s1, $0x2  }
0xb8: {  	s3 =	sand.u32 $0x4000, s31;
	s1 =	sadd.s32 s1, s30  }
0xb9: {  	s0 =	sor.u32 s3, s0;
	s1 =	sshll.u32 s1, $0x11  }
0xba: {  	s0 =	sor.u32 s1, s0  }
0xbb: {  	s0 =	sadd.s32 $0x8F2B, s0  }
0xbc: {  	[sflag:s0] =	ssyncadd.remote.s32 $0x1  }
0xbd: {  	_ =	sfence.sel $0xFFFF  }
0xbe: {  	[dreg:$0x0] =	wrdreg $0xFFFFFFFF;
	(pc) =	sbr.abs _section_cstart, $3  }
0xbf: {  	[dreg:$0x1] =	wrdreg $0xFFFFFFFF  }
0xc0: {  	_ =	task.clear_ibuf [dreg:s6], $0x2FFFF;
	_ =	strace $0x9FFFFFFF  }
0xc1: {  	(tm) =	ssettm $0x7FFFFFFF  }
tec
execute0_lowered:
.L_overlay_start_1:
0x0: {  	(tag) =	ssettag $0x1  }
0x1: {  	s7 =	rddreg [dreg:$0x0]  }
0x2: {  	s0 =	rddreg [dreg:$0x1];
	_ =	strace $0x8000004A  }
0x3: {  	s1 =	srdreg.scid;
	s4 =	simm.s32 $0x1;
	s9 =	simm.s32 $0x3  }
0x4: {  	s11 =	simm.s32 $0x0;
	p0 =	por $0x0, $0x0;
	s5 =	sshll.u32 s1, $0x4  }
.Ltmp0:
0x5: {  	s1 =	stileid.u32;
	s5 =	sand.u32 $0x10, s5;
	(pc) =	sbr.rel .LBB2_1-.Ltmp0, $4  }
0x6: {  	s2 =	sadd.s32 $0x163A00, s7;
	s3 =	sadd.s32 $0x22C00, s7;
	s6 =	sor.u32 s1, s5  }
0x7: {  	[sflag:s4] =	ssyncpa.u1 $0x0;
	s5 =	simm.s32 $0x2;
	s6 =	sshll.u32 s6, $0x7  }
0x8: {  	s7 =	sadd.s32 $0x22E00, s7;
	[sflag:s5] =	ssyncpa.u1 $0x0;
	s8 =	sadd.s32 $0x80, s6  }
0x9: {  	vm0 =	vmmov $0xff;
	vm1 =	vcmask $0x3F20;
	[sflag:s9] =	ssyncpa.u1 $0x0;
	s10 =	smov.u32 s6;
	s9 =	simm.s32 $0x0  }
.LBB2_9:
0xa: {  	p1 =	slt.u32 s9, $0x2;
	s11 =	sadd.s32 $0x20, s10  }
0xb: {  	s13 =	smov.u32 s6;
	s9 =	sadd.s32 $0x1, s9;
	p2 =	slt.s32 s11, s8  }
0xc: {  	s13 =	smov.u32 @p2 s11;
	p2 =	sne.s32 s9, $0x6  }
.Ltmp1:
0xd: {  	_ = 	snop;
	(pc) =	sbr.rel @!p2 .LBB2_10-.Ltmp1, $4  }
0xe: {  	s12 =	simm.s32 @!p1 $0x3  }
0xf: {  	_ =	swait.ge @!p1 [sflag:s12], $0x8000  }
0x10: {  	p0 =	por !p0, !p0;
	[sflag:s12] =	ssyncset.done @!p1 $0x0  }
0x11: {  	s11 =	smov.u32 s10;
	s10 =	smov.u32 s13;
	[sflag:s12] =	ssyncadd.s32 @!p1 $0xFFFF8000  }
.LBB2_1:
0x12: {  	p1 =	sgt.u32 s9, $0x3  }
0x13: {  	s12 =	sxor.u32 @!p1 $0xFFFFFFFF, s9  }
0x14: {  	s13 =	sshrl.u32 @!p1 s10, $0x3;
	s12 =	sshll.u32 @!p1 s12, $0x5  }
0x15: {  	s14 =	sand.u32 @!p1 $0x7, s10;
	s13 =	sadd.s32 @!p1 s3, s13;
	s12 =	sand.u32 @!p1 $0x20, s12  }
0x16: {  	[tilespmem:s12], [sflag:$0x2] =	stream.linear.gather @!p1 [hbm4b:s13+s14], $0x20, $0x38;
	[tilespmem:$0x10040] =	vst v63  }
0x17: {  	p1 =	seq.s32 s9, $0x0  }
0x18: {  	p2 =	seq.s32 @!p1 s9, $0x5  }
0x19: {  	p1 =	por p1, p2  }
.Ltmp2:
0x1a: {  	_ = 	snop;
	(pc) =	sbr.rel @p1 .LBB2_9-.Ltmp2, $1  }
0x1b: {  	_ =	sdelay $0x3  }
0x1c: {  	s12 =	simm.s32 $0x1  }
0x1d: {  	_ =	swait.ge [sflag:s5], $0x20;
	s13 =	sand.u32 $0x1, s9;
	s12 =	simm.s32 @!p0 $0x0  }
0x1e: {  	s15 =	simm.s32 $0x0;
	p2 =	por $0x1, $0x1;
	s12 =	sshll.u32 s12, $0x11  }
0x1f: {  	[sflag:s5] =	ssyncset.done $0x0;
	s13 =	sshll.u32 s13, $0x5;
	s14 =	sshrl.u32 s12, $0x2  }
0x20: {  	[sflag:s5] =	ssyncadd.s32 $0xFFFFFFE0;
	s12 =	sor.u32 $0x40, s14;
	s14 =	sadd.s32 $0x40, s14  }
.LBB2_3:
0x21: {  	s16 =	sshll.u32 s15, $0x4  }
0x22: {  	s16 =	sand.u32 $0x3FFFFFF0, s16  }
0x23: {  	s16 =	sadd.s32 s16, s13  }
0x24: {  	v0 =	vld.msk [tilespmem:s16+$0x0 ss:$0x1], $0xffff;
	_ =	sdelay $0x4  }
0x25: {  	vm2 =	vgt.s32 v0, $0x0  }
0x26: {  	v0 =	vnsel vm2, $0x0, v0  }
0x27: {  	v0 =	vmin.u32 v0, $0x27FF  }
0x28: {  	v1 =	vshll.u32 v0, $0x7;
	v0 =	vshll.u32 v0, $0x4  }
0x29: {  	v1 =	vand.u32 $0x1FFC00, v1;
	v0 =	vand.u32 $0x70, v0  }
0x2a: {  	v0 =	vor.u32 v0, v1  }
0x2b: {  	s31 =	sshll.u32 s15, $0x10  }
0x2c: {  	s15 =	sshra.s32 s31, $0x2  }
0x2d: {  	s15 =	sadd.s32 s15, s14  }
0x2e: {  	s17 =	sadd.s32 $0x0, s15  }
0x2f: {  	[tilespmem:s17], [sflag:$0x1] =	stream.indirect_vreg.gather [hbm:s2], $0x80, v0, vm0, $0x38;
	[tilespmem:$0x10040] =	vst v63  }
0x30: {  	p1 =	por p2, p2;
	s16 =	simm.s32 $0x1000;
	v1 =	vadd.s32 $0x80, v0;
	s17 =	sadd.s32 $0x2000, s17  }
.LBB2_4:
0x31: {  	[tilespmem:s17], [sflag:$0x1] =	stream.indirect_vreg.gather [hbm:s2], $0x80, v0, vm1, $0x38;
	[tilespmem:$0x10040] =	vst v63  }
0x32: {  	v0 =	vmov v1;
	s17 =	smov.u32 s16;
	p2 =	sne.s32 s16, $0x7000  }
.Ltmp3:
0x33: {  	s16 =	sadd.s32 $0x1000, s16;
	(pc) =	sbr.rel @p2 .LBB2_4-.Ltmp3, $4  }
0x34: {  	s17 =	sshra.s32 s17, $0x2  }
0x35: {  	s17 =	sadd.s32 s17, s15  }
0x36: {  	[tilespmem:s17], [sflag:$0x1] =	stream.indirect_vreg.gather [hbm:s2], $0x80, v1, vm0, $0x38;
	[tilespmem:$0x10040] =	vst v63  }
0x37: {  	s17 =	sadd.s32 $0x2000, s17;
	v1 =	vadd.s32 $0x80, v1  }
0x38: {  	_ = 	snop  }
.Ltmp4:
0x39: {  	_ = 	snop;
	(pc) =	sbr.rel @p1 .LBB2_3-.Ltmp4, $3  }
0x3a: {  	_ =	sdelay $0x1  }
0x3b: {  	[tilespmem:s17], [sflag:$0x1] =	stream.indirect_vreg.gather [hbm:s2], $0x80, v0, vm1, $0x38;
	[tilespmem:$0x10040] =	vst v63  }
0x3c: {  	s15 =	simm.s32 $0x1;
	p2 =	por $0x0, $0x0  }
0x3d: {  	s13 =	sshll.u32 s11, $0x7  }
0x3e: {  	s31 =	sshll.u32 s11, $0x4;
	s13 =	sand.u32 $0xFFFFFC00, s13  }
0x3f: {  	_ =	swait.ge [sflag:s4], $0x8000;
	s11 =	sand.u32 $0x70, s31;
	s13 =	sadd.s32 s13, s7  }
0x40: {  	s14 =	sadd.s32 $0x2000, s12;
	[sflag:s4] =	ssyncset.done $0x0;
	s11 =	sadd.s32 s11, s13  }
0x41: {  	[sflag:s4] =	ssyncadd.s32 $0xFFFF8000;
	s13 =	simm.s32 $0x400;
	s15 =	sadd.s32 $0x0, s11  }
.LBB2_7:
0x42: {  	[hbm:s15] =	stream.linear.scatter [tilespmem:s12], [sflag:$0x3], $0x2000, $0x38;
	[tilespmem:$0x10040] =	vst v63  }
0x43: {  	s15 =	smov.u32 s13;
	s12 =	smov.u32 s14;
	p1 =	sne.s32 s13, $0xC00  }
.Ltmp5:
0x44: {  	s13 =	sadd.s32 $0x400, s13;
	(pc) =	sbr.rel @p1 .LBB2_7-.Ltmp5, $2  }
0x45: {  	_ =	sdelay $0x2  }
0x46: {  	s14 =	sadd.s32 $0x2000, s14;
	s15 =	sadd.s32 s15, s11  }
.Ltmp6:
0x47: {  	(pc) =	sbr.rel .LBB2_9-.Ltmp6, $2  }
0x48: {  	_ =	sdelay $0x2  }
0x49: {  	[hbm:s15] =	stream.linear.scatter [tilespmem:s12], [sflag:$0x3], $0x2000, $0x38;
	[tilespmem:$0x10040] =	vst v63  }
.LBB2_10:
0x4a: {  	_ =	sfence.sel $0x180000  }
0x4b: {  	s2 =	simm.s32 $0x2;
	[bflag:$0x0] =	sbarrier.arrive $0xFFFF  }
0x4c: {  	s30 =	simm.s32 $0x3;
	[sflag:s2] =	ssyncpa.u1 $0x1  }
0x4d: {  	s31 =	simm.s32 $0x1;
	[sflag:s30] =	ssyncpa.u1 $0x1  }
0x4e: {  	[sflag:s31] =	ssyncpa.u1 $0x1  }
0x4f: {  	p0 =	sne.s32 s1, $0x0;
	_ =	strace $0x9000004A  }
0x50: {  	s0 =	sadd.s32 @!p0 $0x100000, s0;
	[bflag:$0x2] =	sbarrier.arrive $0xFFFF  }
0x51: {  	[sflag:s0] =	ssyncadd.tile.s32 @!p0 $0x1;
	_ =	shalt  }
.Lfunc_end2:
_tile_overlayer_lowered:
.L_overlay_start_2:
0x52: {  	(tag) =	ssettag $0x2  }
0x53: {  	s0 =	rddreg [dreg:$0x0];
	s2 =	stileid.u32  }
0x54: {  	s1 =	rddreg [dreg:$0x1];
	p0 =	sne.s32 s2, $0x0  }
0x55: {  	s3 =	rddreg [dreg:$0x2];
	[bflag:$0x3] =	sbarrier.arrive $0xFFFF;
	s2 =	simm.s32 @!p0 $0x1C01  }
0x56: {  	[timem:s3], [sflag:s2] =	dma.local @!p0 [hbm:s0], s1  }
0x57: {  	s0 =	simm.s32 @!p0 $0x1  }
0x58: {  	_ =	swait.ge @!p0 [sflag:s0], s1  }
0x59: {  	s1 =	ssub.s32 @!p0 $0x0, s1;
	[sflag:s0] =	ssyncset.done @!p0 $0x0  }
0x5a: {  	[sflag:s0] =	ssyncadd.s32 @!p0 s1  }
0x5b: {  	[bflag:$0x3] =	sbarrier.arrive $0xFFFF  }
0x5c: {  	_ =	shalt  }

// kernel: kernel.6.cloned.1.call-start
scs
__scs_entry_jumppad:
0x0: {  	(pc) =	sbr.rel $0x88, $3  }
0x1: {  	(tag) =	ssettag $0x0;
	lr =	simm.s32 $0x1  }
0x2: {  	[smem:$0x3F92] =	sst lr;
	_ =	strace $0xD0000000  }
0x3: {  	_ = 	snop  }
0x4: {  	_ = 	snop  }
0x5: {  	_ = 	snop  }
0x6: {  	_ = 	snop  }
0x7: {  	_ = 	snop  }
__scs_overlays_trampoline_lowered:
0x8: {  	[smem:$0x3FA1] =	sst s0  }
0x9: {  	[smem:$0x3FA2] =	sst s1  }
0xa: {  	[smem:$0x3FA3] =	sst s2  }
0xb: {  	[smem:$0x3FA4] =	sst s3  }
0xc: {  	[smem:$0x3FA5] =	sst s4  }
0xd: {  	[smem:$0x3FA6] =	sst s5  }
0xe: {  	[smem:$0x3FA7] =	sst s6  }
0xf: {  	[smem:$0x3FA8] =	sst s7  }
0x10: {  	[smem:$0x3FA9] =	sst s8  }
0x11: {  	[smem:$0x3FAA] =	sst s9;
	s0 =	simm.s32 @!p0 $0x0  }
0x12: {  	s1 =	sld [smem:$0x3F90];
	s0 =	simm.s32 @p0 $0x1  }
0x13: {  	[smem:$0x3FAB] =	sst s0;
	s0 =	simm.s32 @!p1 $0x0  }
0x14: {  	s2 =	sld [smem:$0x3F8F];
	s0 =	simm.s32 @p1 $0x1  }
0x15: {  	[smem:$0x3FAC] =	sst s0;
	s0 =	simm.s32 @!p2 $0x0  }
0x16: {  	s3 =	sld [smem:$0x3FDB];
	s0 =	simm.s32 @p2 $0x1  }
0x17: {  	s4 =	simm.s32 $0x1BF5;
	[smem:$0x3FAE] =	sst s0  }
0x18: {  	s0 =	sld [smem:$0x3F91];
	_ =	swait.ge [sflag:s4], $0x0  }
0x19: {  	s7 =	sld [smem:$0x3F92]  }
0x1a: {  	s8 =	sadd.s32 $0xFFFFE003, lr  }
0x1b: {  	s9 =	sadd.s32 $0xFFFFFEF7, lr;
	s5 =	simm.s32 $0xFFFFFFFF;
	p2 =	slt.u32 s8, $0xFFFFF086  }
0x1c: {  	p1 =	slt.u32 s9, $0xF7A;
	s5 =	simm.s32 @!p2 $0x0  }
0x1d: {  	s5 =	simm.s32 @p1 $0x1;
	p0 =	seq.s32 s7, s2  }
0x1e: {  	s7 =	smul.u32 @!p0 $0xF7A, s2;
	p2 =	seq.s32 @!p0 s5, $0x0  }
0x1f: {  	s9 =	smul.u32 $0xF7A, s1;
	s8 =	simm.s32 @!p0 $0x1BF5;
	p2 =	por !p2, p0  }
0x20: {  	[sflag:s8] =	ssyncset.s32 @!p0 $0xFFFFF086;
	s6 =	sadd.s32 @!p0 s3, s7;
	s7 =	simm.s32 @!p0 $0x108  }
0x21: {  	s3 =	sadd.s32 s3, s9;
	s6 =	sadd.s32 @!p0 $0x88, s6;
	s7 =	simm.s32 @p2 $0x1082  }
0x22: {  	[simem:s7], [sflag:s8] =	dma.local @!p0 [hbm:s6], $0xF7A  }
0x23: {  	s9 =	sor.u32 $0xD0000000, s2;
	s6 =	simm.s32 $0x108;
	_ =	swait.ge @!p0 [sflag:s8], $0x0  }
0x24: {  	s3 =	sadd.s32 $0x88, s3;
	s6 =	simm.s32 @!p1 $0x1082;
	[sflag:s4] =	ssyncset.s32 $0xFFFFF086  }
0x25: {  	[simem:s6], [sflag:s4] =	dma.local [hbm:s3], $0xF7A  }
0x26: {  	[smem:$0x3F92] =	sst s1;
	(tag) =	ssettag s2;
	_ =	strace s9  }
0x27: {  	s1 =	sld [smem:$0x3FA2]  }
0x28: {  	s2 =	sld [smem:$0x3FA3]  }
0x29: {  	s4 =	sld [smem:$0x3FA5]  }
0x2a: {  	p0 =	seq.s32 s5, $0x0;
	s5 =	sld [smem:$0x3FA6]  }
0x2b: {  	s6 =	sld [smem:$0x3FA7]  }
0x2c: {  	s7 =	sld [smem:$0x3FA8]  }
0x2d: {  	s3 =	simm.s32 $0x108;
	s8 =	sld [smem:$0x3FA9]  }
0x2e: {  	s3 =	simm.s32 @!p0 $0x1082;
	s9 =	sld [smem:$0x3FAA]  }
0x2f: {  	lr =	sadd.s32 s0, s3;
	s0 =	sld [smem:$0x3FA1]  }
0x30: {  	s3 =	sld [smem:$0x3FA4]  }
0x31: {  	[smem:$0x3FAD] =	sst s10  }
0x32: {  	s10 =	sld [smem:$0x3FAB];
	_ =	sdelay $0x3  }
0x33: {  	p0 =	seq.s32 s10, $0x1;
	s10 =	sld [smem:$0x3FAD];
	_ =	sdelay $0x3  }
0x34: {  	[smem:$0x3FAD] =	sst s10  }
0x35: {  	s10 =	sld [smem:$0x3FAC];
	_ =	sdelay $0x3  }
0x36: {  	p1 =	seq.s32 s10, $0x1;
	s10 =	sld [smem:$0x3FAD];
	_ =	sdelay $0x3  }
0x37: {  	[smem:$0x3FAD] =	sst s10  }
0x38: {  	s10 =	sld [smem:$0x3FAE]  }
0x39: {  	_ = 	snop;
	(pc) =	sbr.ind lr, $3  }
0x3a: {  	_ = 	snop  }
0x3b: {  	_ = 	snop  }
0x3c: {  	p2 =	seq.s32 s10, $0x1;
	s10 =	sld [smem:$0x3FAD]  }
0x3d: {  	_ =	shalt  }
0x3e: {  	_ =	shalt  }
0x3f: {  	_ =	shalt  }
0x40: {  	_ =	shalt  }
0x41: {  	_ =	shalt  }
0x42: {  	_ =	shalt  }
0x43: {  	_ =	shalt  }
0x44: {  	_ =	shalt  }
0x45: {  	_ =	shalt  }
0x46: {  	_ =	shalt  }
0x47: {  	_ =	shalt  }
0x48: {  	_ =	shalt  }
0x49: {  	_ =	shalt  }
0x4a: {  	_ =	shalt  }
0x4b: {  	_ =	shalt  }
0x4c: {  	_ =	shalt  }
0x4d: {  	_ =	shalt  }
0x4e: {  	_ =	shalt  }
0x4f: {  	_ =	shalt  }
0x50: {  	_ =	shalt  }
0x51: {  	_ =	shalt  }
0x52: {  	_ =	shalt  }
0x53: {  	_ =	shalt  }
0x54: {  	_ =	shalt  }
0x55: {  	_ =	shalt  }
0x56: {  	_ =	shalt  }
0x57: {  	_ =	shalt  }
0x58: {  	_ =	shalt  }
0x59: {  	_ =	shalt  }
0x5a: {  	_ =	shalt  }
0x5b: {  	_ =	shalt  }
0x5c: {  	_ =	shalt  }
0x5d: {  	_ =	shalt  }
0x5e: {  	_ =	shalt  }
0x5f: {  	_ =	shalt  }
0x60: {  	_ =	shalt  }
0x61: {  	_ =	shalt  }
0x62: {  	_ =	shalt  }
0x63: {  	_ =	shalt  }
0x64: {  	_ =	shalt  }
0x65: {  	_ =	shalt  }
0x66: {  	_ =	shalt  }
0x67: {  	_ =	shalt  }
0x68: {  	_ =	shalt  }
0x69: {  	_ =	shalt  }
0x6a: {  	_ =	shalt  }
0x6b: {  	_ =	shalt  }
0x6c: {  	_ =	shalt  }
0x6d: {  	_ =	shalt  }
0x6e: {  	_ =	shalt  }
0x6f: {  	_ =	shalt  }
0x70: {  	_ =	shalt  }
0x71: {  	_ =	shalt  }
0x72: {  	_ =	shalt  }
0x73: {  	_ =	shalt  }
0x74: {  	_ =	shalt  }
0x75: {  	_ =	shalt  }
0x76: {  	_ =	shalt  }
0x77: {  	_ =	shalt  }
0x78: {  	_ =	shalt  }
0x79: {  	_ =	shalt  }
0x7a: {  	_ =	shalt  }
0x7b: {  	_ =	shalt  }
0x7c: {  	_ =	shalt  }
0x7d: {  	_ =	shalt  }
0x7e: {  	_ =	shalt  }
0x7f: {  	_ =	shalt  }
0x80: {  	_ =	shalt  }
0x81: {  	_ =	shalt  }
0x82: {  	_ =	shalt  }
0x83: {  	_ =	shalt  }
0x84: {  	_ =	shalt  }
0x85: {  	_ =	shalt  }
0x86: {  	_ =	shalt  }
0x87: {  	_ =	shalt  }
.Lfunc_end0:
.L_simem_size_0:
called_computation.2_lowered:
.L_overlay_start_0:
0x88: {  	s2 =	sld [smem:$0x3FD9]  }
0x89: {  	s3 =	sld [smem:$0x3FFE];
	_ =	sdelay $0x1  }
0x8a: {  	s1 =	srdreg.scid  }
0x8b: {  	s0 =	sand.u32 $0x1, s1  }
0x8c: {  	s17 =	sshll.u32 s0, $0xA;
	s2 =	sadd.s32 s3, s2  }
0x8d: {  	s2 =	sadd.s32 s2, s17  }
0x8e: {  	[smem:$0x3FB9] =	sst s2  }
0x8f: {  	_ = 	snop  }
0x90: {  	s2 =	sld [smem:$0x3FC9]  }
0x91: {  	s18 =	sld [smem:$0x3FD0];
	(tm) =	ssettm $0x1  }
0x92: {  	s4 =	sld [smem:$0x3FFB];
	_ =	sdelay $0x3  }
0x93: {  	_ =	strace s4  }
0x94: {  	s4 =	sld [smem:$0x3FFC];
	_ =	sdelay $0x3  }
0x95: {  	_ =	strace s4  }
0x96: {  	s4 =	sld [smem:$0x3FFD];
	_ =	sdelay $0x3  }
0x97: {  	_ =	strace s4  }
0x98: {  	_ =	strace $0x8FFFFFFF  }
0x99: {  	s19 =	sld [smem:$0x3FDB];
	_ =	sdelay $0x1  }
0x9a: {  	s5 =	simm.s32 $_scs_section_size  }
0x9b: {  	s6 =	simm.s32 $_size__tile_overlayer_lowered;
	s7 =	simm.s32 $_tile_overlayer_lowered  }
0x9c: {  	s22 =	simm.s32 $0x1BFF;
	s21 =	sshll.u32 s7, $0x1;
	s4 =	sadd.s32 s5, s19  }
0x9d: {  	s8 =	simm.s32 $0x0;
	s20 =	sshll.u32 s6, $0x1;
	s6 =	sadd.s32 s21, s4  }
0x9e: {  	[timem:s8], [sflag:s22] =	dma.local [hbm:s6], s20  }
0x9f: {  	_ =	swait.ge [sflag:s22], s20  }
0xa0: {  	s5 =	ssub.s32 $0x0, s20;
	[sflag:s22] =	ssyncset.done $0x0  }
0xa1: {  	[sflag:s22] =	ssyncadd.s32 s5;
	_ =	sdelay $0x1  }
0xa2: {  	s23 =	simm.s32 $0x1B8B  }
0xa3: {  	_ =	swait.ge [sflag:s23], $0x1  }
0xa4: {  	[sflag:s23] =	ssyncset.done $0x0  }
0xa5: {  	s25 =	simm.s32 $0x1B8E;
	s24 =	sld [smem:$0x3FFE];
	[sflag:s23] =	ssyncadd.s32 $0xFFFFFFFF  }
0xa6: {  	s26 =	simm.s32 $execute0_lowered;
	[smem:$0x3FD2] =	sst s25  }
0xa7: {  	s6 =	sshll.u32 s26, $0x1;
	_ =	strace $0x80000046;
	[dreg:$0x1] =	wrdreg $0xFFFFFFFF  }
0xa8: {  	s28 =	simm.s32 $_size_execute0_lowered;
	s4 =	sadd.s32 s4, s6;
	[dreg:$0x0] =	wrdreg $0x0  }
0xa9: {  	s6 =	sshll.u32 s28, $0x1;
	[dreg:$0x2] =	wrdreg s4  }
0xaa: {  	[dreg:$0x3] =	wrdreg s6  }
0xab: {  	[dreg:$0x4] =	wrdreg $0xC0  }
0xac: {  	_ =	task [dreg:s8], $0x5FFFF  }
0xad: {  	[dreg:$0x1] =	wrdreg $0xFFFFFFFF  }
0xae: {  	[dreg:$0x0] =	wrdreg $0x60  }
0xaf: {  	[dreg:$0x2] =	wrdreg s2  }
0xb0: {  	[dreg:$0x3] =	wrdreg s24  }
0xb1: {  	[dreg:$0x4] =	wrdreg s18  }
0xb2: {  	[dreg:$0x5] =	wrdreg $0x9  }
0xb3: {  	_ =	task.clear_ibuf [dreg:s8], $0x6FFFF;
	_ =	strace $0x90000046  }
0xb4: {  	s29 =	simm.s32 $0x9;
	_ =	strace $0x80000048  }
0xb5: {  	_ =	swait.ge [sflag:s29], $0x1  }
0xb6: {  	[sflag:s29] =	ssyncadd.s32 $0xFFFFFFFF  }
0xb7: {  	_ =	strace $0x90000048  }
0xb8: {  	_ =	sfence  }
0xb9: {  	s30 =	sld [smem:$0x0];
	_ =	sdelay $0x2  }
0xba: {  	s31 =	sshll.u32 s1, $0xD;
	s1 =	sshrl.u32 s1, $0x2  }
0xbb: {  	s3 =	sand.u32 $0x4000, s31;
	s1 =	sadd.s32 s1, s30  }
0xbc: {  	s0 =	sor.u32 s3, s0;
	s1 =	sshll.u32 s1, $0x11  }
0xbd: {  	s0 =	sor.u32 s1, s0  }
0xbe: {  	s0 =	sadd.s32 $0x8F2B, s0  }
0xbf: {  	[sflag:s0] =	ssyncadd.remote.s32 $0x1  }
0xc0: {  	_ =	sfence.sel $0xFFFF  }
0xc1: {  	[dreg:$0x0] =	wrdreg $0xFFFFFFFF;
	(pc) =	sbr.abs _section_cstart, $3  }
0xc2: {  	[dreg:$0x1] =	wrdreg $0xFFFFFFFF  }
0xc3: {  	_ =	task.clear_ibuf [dreg:s8], $0x2FFFF;
	_ =	strace $0x9FFFFFFF  }
0xc4: {  	(tm) =	ssettm $0x7FFFFFFF  }
0xc5: {  	_ =	shalt  }
tec
execute0_lowered:
.L_overlay_start_1:
0x0: {  	(tag) =	ssettag $0x1  }
0x1: {  	s0 =	rddreg [dreg:$0x0]  }
0x2: {  	s2 =	rddreg [dreg:$0x1]  }
0x3: {  	s3 =	rddreg [dreg:$0x2];
	s1 =	simm.s32 $0x0;
	s9 =	srdreg.scid  }
0x4: {  	s11 =	stileid.u32;
	[smem:$0x7FF] =	sst s1  }
0x5: {  	s5 =	sadd.s32 $0x22C00, s2;
	s6 =	sadd.s32 $0x22E00, s2;
	s7 =	sadd.s32 $0x23000, s2  }
0x6: {  	s8 =	sadd.s32 $0x23200, s2;
	s4 =	sadd.s32 $0x22A00, s2;
	s10 =	sadd.s32 $0x23400, s2  }
0x7: {  	s9 =	sand.u32 $0x1, s9;
	s14 =	sadd.s32 $0x23600, s2;
	s11 =	sshll.u32 s11, $0x1  }
0x8: {  	s12 =	sadd.s32 $0x23800, s2;
	_ =	strace $0x80000047;
	[dreg:$0x4] =	wrdreg s4  }
0x9: {  	[dreg:$0x5] =	wrdreg s10;
	s15 =	ssub.s32 $0x2, s9;
	s9 =	sor.u32 s9, s11  }
0xa: {  	s4 =	sadd.s32 $0x23A00, s2;
	[dreg:$0x6] =	wrdreg s14;
	s17 =	sshll.u32 s9, $0x4  }
0xb: {  	[dreg:$0x7] =	wrdreg s12;
	s16 =	sshrl.u32 s15, $0x1;
	s13 =	sadd.s32 s5, s17  }
0xc: {  	s11 =	sshll.u32 s9, $0x7;
	s18 =	sadd.s32 s7, s17;
	[dreg:$0x8] =	wrdreg s13  }
0xd: {  	s19 =	sshll.u32 s9, $0xE;
	s14 =	sadd.s32 s6, s17;
	[dreg:$0x9] =	wrdreg s18  }
0xe: {  	s21 =	sshll.u32 s9, $0x5;
	s12 =	sadd.s32 s8, s17;
	[dreg:$0xa] =	wrdreg s14  }
0xf: {  	s20 =	sadd.s32 s0, s19;
	s11 =	sor.u32 $0x40, s11;
	[dreg:$0xb] =	wrdreg s12  }
0x10: {  	[dreg:$0xc] =	wrdreg s20;
	s12 =	sadd.s32 s3, s21;
	s22 =	sshrl.u32 s11, $0x3  }
0x11: {  	p0 =	sne.s32 s9, $0x0;
	s23 =	sadd.s32 s5, s22;
	[dreg:$0xd] =	wrdreg s12  }
0x12: {  	s10 =	ssub.s32 s15, s16;
	s24 =	sadd.s32 s7, s22;
	[dreg:$0xe] =	wrdreg s23  }
0x13: {  	v0 =	vimm.s32 $0x0;
	v1 =	vlaneseq.u32;
	s16 =	sadd.s32 $0x23D00, s2;
	s25 =	sadd.s32 s6, s22;
	[dreg:$0xf] =	wrdreg s24  }
0x14: {  	v2 =	vimm.s32 $0x1;
	vm0 =	vmmov $0x3;
	v3 =	vimm.s32 $0x2;
	s28 =	sshll.u32 s11, $0x7;
	s26 =	sadd.s32 s8, s22;
	[dreg:$0x10] =	wrdreg s25  }
.Ltmp0:
0x15: {  	vm1 =	vmmov $0x7;
	v4 =	vimm.s32 $0x3;
	vm2 =	vmmov $0xf;
	s29 =	sadd.s32 $0x10, s12;
	[dreg:$0x11] =	wrdreg s26;
	(pc) =	sbr.rel .LBB2_1-.Ltmp0, $4  }
0x16: {  	v5 =	vimm.s32 $0x4;
	vm3 =	vmmov $0x1f;
	v6 =	vimm.s32 $0x5;
	s13 =	sadd.s32 $0x23B00, s2;
	s0 =	sadd.s32 s0, s28;
	[dreg:$0x12] =	wrdreg s29  }
0x17: {  	vm4 =	vmmov $0x3f;
	v7 =	vimm.s32 $0x6;
	vm5 =	vmmov $0x7f;
	s14 =	sadd.s32 $0x23C00, s2;
	s30 =	sadd.s32 $0x8, s12;
	[dreg:$0x13] =	wrdreg s0  }
0x18: {  	vm6 =	vmmov $0xffff;
	v11 =	vimm.s32 $0x7;
	v9 =	vshrl.u32 v1, $0x3;
	s21 =	simm.s32 $0x280;
	s31 =	sadd.s32 $0x18, s12;
	[dreg:$0x14] =	wrdreg s30  }
0x19: {  	v8 =	vand.u32 $0x7, v1;
	v10 =	vor.u32 $0x8, v1;
	v9 =	vmul.u32 $0x8, v9;
	[dreg:$0x15] =	wrdreg s31;
	s0 =	smax.u32 s10, $0x1;
	s26 =	simm.s32 $0x3  }
.LBB2_3:
0x1a: {  	s0 =	rddreg [dreg:$0x16]  }
0x1b: {  	s0 =	sadd.s32 $0xFFFFFFFF, s0  }
0x1c: {  	p1 =	sne.s32 s0, $0x0  }
.Ltmp1:
0x1d: {  	_ = 	snop;
	(pc) =	sbr.rel @!p1 .LBB2_4-.Ltmp1, $1  }
0x1e: {  	_ =	sdelay $0x3  }
.LBB2_1:
0x1f: {  	[dreg:$0x16] =	wrdreg s0  }
0x20: {  	s11 =	rddreg [dreg:$0x4]  }
0x21: {  	[tilespmem:s1], [sflag:$0x3] =	stream.linear.gather [hbm4b:s11+s1], $0x80, $0x38;
	[tilespmem:$0x10400] =	vst v63  }
0x22: {  	_ =	swait.ge [sflag:s26], $0x80  }
0x23: {  	[sflag:s26] =	ssyncset.done $0x0  }
0x24: {  	[sflag:s26] =	ssyncadd.s32 $0xFFFFFF80  }
0x25: {  	v12 =	vld [tilespmem:$0x0]  }
0x26: {  	s18 =	simm.s32 $0x80;
	s17 =	rddreg [dreg:$0x8]  }
0x27: {  	[tilespmem:s18], [sflag:$0x3] =	stream.linear.gather [hbm4b:s17+s1], $0x40, $0x38;
	[tilespmem:$0x10400] =	vst v63  }
0x28: {  	_ =	swait.ge [sflag:s26], $0x40  }
0x29: {  	[sflag:s26] =	ssyncset.done $0x0  }
0x2a: {  	s2 =	simm.s32 $0x100;
	s20 =	rddreg [dreg:$0x9];
	[sflag:s26] =	ssyncadd.s32 $0xFFFFFFC0;
	v12 =	vadd.s32 $0xFF, v12  }
0x2b: {  	[tilespmem:s2], [sflag:$0x3] =	stream.linear.gather [hbm4b:s20+s1], $0x40, $0x38;
	v12 =	vshra.s32 v12, $0x8;
	[tilespmem:$0x10400] =	vst v63  }
0x2c: {  	_ =	swait.ge [sflag:s26], $0x40;
	v13 =	vperm.xlane v12, v0;
	v14 =	vperm.xlane v12, v2  }
0x2d: {  	vm7 =	veq.s32 v1, $0x0;
	[sflag:s26] =	ssyncset.done $0x0;
	v15 =	vperm.xlane v12, v3  }
0x2e: {  	v16 =	vperm.xlane v12, v4;
	[sflag:s26] =	ssyncadd.s32 $0xFFFFFFC0;
	v13 =	vsel vm7, $0x0, v13;
	v14 =	vsel vm0, $0x0, v14  }
0x2f: {  	v17 =	vld [tilespmem:$0x80];
	v13 =	vadd.s32 v13, v14;
	v14 =	vsel vm1, $0x0, v15;
	v15 =	vperm.xlane v12, v5  }
0x30: {  	v27 =	vperm.xlane v12, v6;
	v18 =	vld [tilespmem:$0x100];
	v13 =	vadd.s32 v14, v13;
	v14 =	vsel vm2, $0x0, v16  }
0x31: {  	v19 =	vld [tilespmem:$0x90];
	v13 =	vadd.s32 v14, v13;
	v14 =	vsel vm3, $0x0, v15;
	v15 =	vperm.xlane v12, v7  }
0x32: {  	v28 =	vld [tilespmem:$0x110];
	v13 =	vadd.s32 v14, v13;
	v14 =	vsel vm4, $0x0, v27  }
0x33: {  	v13 =	vadd.s32 v14, v13;
	v14 =	vsel vm5, $0x0, v15;
	v15 =	vld [tilespmem:$0xA0]  }
0x34: {  	v20 =	vld [tilespmem:$0xB0];
	v13 =	vadd.s32 v14, v13  }
0x35: {  	v21 =	vld [tilespmem:$0x120];
	v14 =	vshll.u32 v13, $0x8  }
0x36: {  	v22 =	vld [tilespmem:$0x130];
	v17 =	vperm.xlane v14, v17  }
0x37: {  	v19 =	vperm.xlane v14, v19  }
0x38: {  	v17 =	vadd.s32 v17, v18;
	v15 =	vperm.xlane v14, v15  }
0x39: {  	v29 =	vperm.xlane v14, v20;
	v16 =	vadd.s32 v19, v28;
	[tilespmem:$0x180] =	vst v17  }
0x3a: {  	[tilespmem:$0x190] =	vst v16;
	v15 =	vadd.s32 v15, v21  }
0x3b: {  	[tilespmem:$0x1A0] =	vst v15;
	v15 =	vadd.s32 v29, v22  }
0x3c: {  	s19 =	simm.s32 $0x80;
	s23 =	rddreg [dreg:$0xa];
	[tilespmem:$0x1B0] =	vst v15  }
0x3d: {  	[tilespmem:s19], [sflag:$0x3] =	stream.linear.gather [hbm4b:s23+s1], $0x40, $0x38;
	[tilespmem:$0x10400] =	vst v63  }
0x3e: {  	_ =	swait.ge [sflag:s26], $0x40  }
0x3f: {  	[sflag:s26] =	ssyncset.done $0x0  }
0x40: {  	s22 =	simm.s32 $0x100;
	s24 =	rddreg [dreg:$0xb];
	[sflag:s26] =	ssyncadd.s32 $0xFFFFFFC0  }
0x41: {  	[tilespmem:s22], [sflag:$0x3] =	stream.linear.gather [hbm4b:s24+s1], $0x40, $0x38;
	[tilespmem:$0x10400] =	vst v63  }
0x42: {  	_ =	swait.ge [sflag:s26], $0x40  }
0x43: {  	[sflag:s26] =	ssyncset.done $0x0  }
0x44: {  	[sflag:s26] =	ssyncadd.s32 $0xFFFFFFC0  }
0x45: {  	v15 =	vld [tilespmem:$0x80]  }
0x46: {  	v30 =	vld [tilespmem:$0x100]  }
0x47: {  	v31 =	vld [tilespmem:$0x90]  }
0x48: {  	v32 =	vld [tilespmem:$0x110]  }
0x49: {  	v33 =	vld [tilespmem:$0xA0]  }
0x4a: {  	v34 =	vld [tilespmem:$0xB0]  }
0x4b: {  	v35 =	vld [tilespmem:$0x120]  }
0x4c: {  	v36 =	vld [tilespmem:$0x130];
	v15 =	vperm.xlane v14, v15  }
0x4d: {  	v17 =	vperm.xlane v14, v31  }
0x4e: {  	v37 =	vperm.xlane v14, v33;
	v15 =	vadd.s32 v15, v30  }
0x4f: {  	v38 =	vperm.xlane v14, v34;
	[tilespmem:$0x200] =	vst v15;
	v15 =	vadd.s32 v17, v32  }
0x50: {  	[tilespmem:$0x210] =	vst v15;
	v15 =	vadd.s32 v37, v35  }
0x51: {  	[tilespmem:$0x220] =	vst v15;
	v15 =	vadd.s32 v38, v36  }
0x52: {  	s25 =	rddreg [dreg:$0xc];
	[tilespmem:$0x230] =	vst v15  }
0x53: {  	[tilespmem:s21], [sflag:$0x3] =	stream.linear.gather [hbm4b:s25+s1], $0x10000, $0x38;
	[tilespmem:$0x10400] =	vst v63  }
0x54: {  	_ =	swait.ge [sflag:s26], $0x10000  }
0x55: {  	[sflag:s26] =	ssyncset.done $0x0  }
0x56: {  	[sflag:s26] =	ssyncadd.s32 $0xFFFF0000  }
0x57: {  	v15 =	vld [tilespmem:$0x180];
	_ =	sdelay $0x4  }
0x58: {  	v39 =	vshll.u32 v15, $0x3  }
0x59: {  	v15 =	vand.u32 $0x7, v15;
	v16 =	vand.u32 $0xFFFFFFC0, v39  }
0x5a: {  	v15 =	vor.u32 v15, v16  }
0x5b: {  	v16 =	vperm.xlane v15, v8;
	_ =	sdelay $0x1  }
0x5c: {  	v16 =	vadd.s32 v9, v16;
	_ =	sdelay $0x4  }
0x5d: {  	[hbm4b:s4+s1] =	stream.indirect_vreg.scatter [tilespmem:s21], [sflag:$0x1], $0x80, v16, vm6, $0xb8;
	[tilespmem:$0x10400] =	vst v63  }
0x5e: {  	s28 =	simm.s32 $0xA80;
	v15 =	vperm.xlane v15, v10  }
0x5f: {  	[hbm4b:s13+s1] =	stream.indirect_vreg.scatter [tilespmem:s28], [sflag:$0x1], $0x80, v16, vm6, $0xb8;
	[tilespmem:$0x10400] =	vst v63  }
0x60: {  	s29 =	simm.s32 $0x1280;
	v15 =	vadd.s32 v9, v15  }
0x61: {  	[hbm4b:s14+s1] =	stream.indirect_vreg.scatter [tilespmem:s29], [sflag:$0x1], $0x80, v16, vm6, $0xb8;
	[tilespmem:$0x10400] =	vst v63  }
0x62: {  	s30 =	simm.s32 $0x1A80  }
0x63: {  	[hbm4b:s16+s1] =	stream.indirect_vreg.scatter [tilespmem:s30], [sflag:$0x1], $0x80, v16, vm6, $0xb8;
	[tilespmem:$0x10400] =	vst v63  }
0x64: {  	s31 =	simm.s32 $0x2280  }
0x65: {  	[hbm4b:s4+s1] =	stream.indirect_vreg.scatter [tilespmem:s31], [sflag:$0x1], $0x80, v15, vm6, $0xb8;
	[tilespmem:$0x10400] =	vst v63  }
0x66: {  	s2 =	simm.s32 $0x2A80  }
0x67: {  	[hbm4b:s13+s1] =	stream.indirect_vreg.scatter [tilespmem:s2], [sflag:$0x1], $0x80, v15, vm6, $0xb8;
	[tilespmem:$0x10400] =	vst v63  }
0x68: {  	s3 =	simm.s32 $0x3280  }
0x69: {  	[hbm4b:s14+s1] =	stream.indirect_vreg.scatter [tilespmem:s3], [sflag:$0x1], $0x80, v15, vm6, $0xb8;
	[tilespmem:$0x10400] =	vst v63  }
0x6a: {  	s5 =	simm.s32 $0x3A80  }
0x6b: {  	[hbm4b:s16+s1] =	stream.indirect_vreg.scatter [tilespmem:s5], [sflag:$0x1], $0x80, v15, vm6, $0xb8;
	[tilespmem:$0x10400] =	vst v63  }
0x6c: {  	v15 =	vld [tilespmem:$0x190];
	_ =	sdelay $0x4  }
0x6d: {  	v40 =	vshll.u32 v15, $0x3  }
0x6e: {  	v15 =	vand.u32 $0x7, v15;
	v16 =	vand.u32 $0xFFFFFFC0, v40  }
0x6f: {  	v15 =	vor.u32 v15, v16  }
0x70: {  	v16 =	vperm.xlane v15, v8;
	_ =	sdelay $0x1  }
0x71: {  	v16 =	vadd.s32 v9, v16;
	_ =	sdelay $0x3  }
0x72: {  	s6 =	simm.s32 $0x4280  }
0x73: {  	[hbm4b:s4+s1] =	stream.indirect_vreg.scatter [tilespmem:s6], [sflag:$0x1], $0x80, v16, vm6, $0xb8;
	[tilespmem:$0x10400] =	vst v63  }
0x74: {  	s9 =	simm.s32 $0x4A80;
	v15 =	vperm.xlane v15, v10  }
0x75: {  	[hbm4b:s13+s1] =	stream.indirect_vreg.scatter [tilespmem:s9], [sflag:$0x1], $0x80, v16, vm6, $0xb8;
	[tilespmem:$0x10400] =	vst v63  }
0x76: {  	s10 =	simm.s32 $0x5280;
	v15 =	vadd.s32 v9, v15  }
0x77: {  	[hbm4b:s14+s1] =	stream.indirect_vreg.scatter [tilespmem:s10], [sflag:$0x1], $0x80, v16, vm6, $0xb8;
	[tilespmem:$0x10400] =	vst v63  }
0x78: {  	s11 =	simm.s32 $0x5A80  }
0x79: {  	[hbm4b:s16+s1] =	stream.indirect_vreg.scatter [tilespmem:s11], [sflag:$0x1], $0x80, v16, vm6, $0xb8;
	[tilespmem:$0x10400] =	vst v63  }
0x7a: {  	s12 =	simm.s32 $0x6280  }
0x7b: {  	[hbm4b:s4+s1] =	stream.indirect_vreg.scatter [tilespmem:s12], [sflag:$0x1], $0x80, v15, vm6, $0xb8;
	[tilespmem:$0x10400] =	vst v63  }
0x7c: {  	s15 =	simm.s32 $0x6A80  }
0x7d: {  	[hbm4b:s13+s1] =	stream.indirect_vreg.scatter [tilespmem:s15], [sflag:$0x1], $0x80, v15, vm6, $0xb8;
	[tilespmem:$0x10400] =	vst v63  }
0x7e: {  	s17 =	simm.s32 $0x7280  }
0x7f: {  	[hbm4b:s14+s1] =	stream.indirect_vreg.scatter [tilespmem:s17], [sflag:$0x1], $0x80, v15, vm6, $0xb8;
	[tilespmem:$0x10400] =	vst v63  }
0x80: {  	s25 =	simm.s32 $0x7A80  }
0x81: {  	[hbm4b:s16+s1] =	stream.indirect_vreg.scatter [tilespmem:s25], [sflag:$0x1], $0x80, v15, vm6, $0xb8;
	[tilespmem:$0x10400] =	vst v63  }
0x82: {  	v15 =	vld [tilespmem:$0x1A0];
	_ =	sdelay $0x4  }
0x83: {  	v41 =	vshll.u32 v15, $0x3  }
0x84: {  	v15 =	vand.u32 $0x7, v15;
	v16 =	vand.u32 $0xFFFFFFC0, v41  }
0x85: {  	v15 =	vor.u32 v15, v16  }
0x86: {  	v16 =	vperm.xlane v15, v8;
	_ =	sdelay $0x1  }
0x87: {  	v16 =	vadd.s32 v9, v16;
	_ =	sdelay $0x3  }
0x88: {  	s28 =	simm.s32 $0x8280  }
0x89: {  	[hbm4b:s4+s1] =	stream.indirect_vreg.scatter [tilespmem:s28], [sflag:$0x1], $0x80, v16, vm6, $0xb8;
	[tilespmem:$0x10400] =	vst v63  }
0x8a: {  	s30 =	simm.s32 $0x8A80;
	v15 =	vperm.xlane v15, v10  }
0x8b: {  	[hbm4b:s13+s1] =	stream.indirect_vreg.scatter [tilespmem:s30], [sflag:$0x1], $0x80, v16, vm6, $0xb8;
	[tilespmem:$0x10400] =	vst v63  }
0x8c: {  	s31 =	simm.s32 $0x9280;
	v15 =	vadd.s32 v9, v15  }
0x8d: {  	[hbm4b:s14+s1] =	stream.indirect_vreg.scatter [tilespmem:s31], [sflag:$0x1], $0x80, v16, vm6, $0xb8;
	[tilespmem:$0x10400] =	vst v63  }
0x8e: {  	s10 =	simm.s32 $0x9A80  }
0x8f: {  	[hbm4b:s16+s1] =	stream.indirect_vreg.scatter [tilespmem:s10], [sflag:$0x1], $0x80, v16, vm6, $0xb8;
	[tilespmem:$0x10400] =	vst v63  }
0x90: {  	s17 =	simm.s32 $0xA280  }
0x91: {  	[hbm4b:s4+s1] =	stream.indirect_vreg.scatter [tilespmem:s17], [sflag:$0x1], $0x80, v15, vm6, $0xb8;
	[tilespmem:$0x10400] =	vst v63  }
0x92: {  	s25 =	simm.s32 $0xAA80  }
0x93: {  	[hbm4b:s13+s1] =	stream.indirect_vreg.scatter [tilespmem:s25], [sflag:$0x1], $0x80, v15, vm6, $0xb8;
	[tilespmem:$0x10400] =	vst v63  }
0x94: {  	s30 =	simm.s32 $0xB280  }
0x95: {  	[hbm4b:s14+s1] =	stream.indirect_vreg.scatter [tilespmem:s30], [sflag:$0x1], $0x80, v15, vm6, $0xb8;
	[tilespmem:$0x10400] =	vst v63  }
0x96: {  	s31 =	simm.s32 $0xBA80  }
0x97: {  	[hbm4b:s16+s1] =	stream.indirect_vreg.scatter [tilespmem:s31], [sflag:$0x1], $0x80, v15, vm6, $0xb8;
	[tilespmem:$0x10400] =	vst v63  }
0x98: {  	v15 =	vld [tilespmem:$0x1B0];
	_ =	sdelay $0x4  }
0x99: {  	v42 =	vshll.u32 v15, $0x3  }
0x9a: {  	v15 =	vand.u32 $0x7, v15;
	v16 =	vand.u32 $0xFFFFFFC0, v42  }
0x9b: {  	v15 =	vor.u32 v15, v16  }
0x9c: {  	v16 =	vperm.xlane v15, v8;
	_ =	sdelay $0x1  }
0x9d: {  	v16 =	vadd.s32 v9, v16;
	_ =	sdelay $0x3  }
0x9e: {  	s10 =	simm.s32 $0xC280  }
0x9f: {  	[hbm4b:s4+s1] =	stream.indirect_vreg.scatter [tilespmem:s10], [sflag:$0x1], $0x80, v16, vm6, $0xb8;
	[tilespmem:$0x10400] =	vst v63  }
0xa0: {  	s30 =	simm.s32 $0xCA80;
	v15 =	vperm.xlane v15, v10  }
0xa1: {  	[hbm4b:s13+s1] =	stream.indirect_vreg.scatter [tilespmem:s30], [sflag:$0x1], $0x80, v16, vm6, $0xb8;
	[tilespmem:$0x10400] =	vst v63  }
0xa2: {  	v15 =	vadd.s32 v9, v15;
	s10 =	simm.s32 $0xD280  }
0xa3: {  	[hbm4b:s14+s1] =	stream.indirect_vreg.scatter [tilespmem:s10], [sflag:$0x1], $0x80, v16, vm6, $0xb8;
	[tilespmem:$0x10400] =	vst v63  }
0xa4: {  	s10 =	simm.s32 $0xDA80  }
0xa5: {  	[hbm4b:s16+s1] =	stream.indirect_vreg.scatter [tilespmem:s10], [sflag:$0x1], $0x80, v16, vm6, $0xb8;
	[tilespmem:$0x10400] =	vst v63  }
0xa6: {  	s10 =	simm.s32 $0xE280  }
0xa7: {  	[hbm4b:s4+s1] =	stream.indirect_vreg.scatter [tilespmem:s10], [sflag:$0x1], $0x80, v15, vm6, $0xb8;
	[tilespmem:$0x10400] =	vst v63  }
0xa8: {  	s10 =	simm.s32 $0xEA80  }
0xa9: {  	[hbm4b:s13+s1] =	stream.indirect_vreg.scatter [tilespmem:s10], [sflag:$0x1], $0x80, v15, vm6, $0xb8;
	[tilespmem:$0x10400] =	vst v63  }
0xaa: {  	s10 =	simm.s32 $0xF280  }
0xab: {  	[hbm4b:s14+s1] =	stream.indirect_vreg.scatter [tilespmem:s10], [sflag:$0x1], $0x80, v15, vm6, $0xb8;
	[tilespmem:$0x10400] =	vst v63  }
0xac: {  	s0 =	simm.s32 $0xFA80  }
0xad: {  	[hbm4b:s16+s1] =	stream.indirect_vreg.scatter [tilespmem:s0], [sflag:$0x1], $0x80, v15, vm6, $0xb8;
	[tilespmem:$0x10400] =	vst v63  }
0xae: {  	v15 =	vld [tilespmem:$0x200];
	_ =	sdelay $0x4  }
0xaf: {  	v43 =	vshll.u32 v15, $0x3  }
0xb0: {  	v15 =	vand.u32 $0x7, v15;
	v16 =	vand.u32 $0xFFFFFFC0, v43  }
0xb1: {  	v15 =	vor.u32 v15, v16  }
0xb2: {  	v16 =	vperm.xlane v15, v8;
	_ =	sdelay $0x1  }
0xb3: {  	v16 =	vadd.s32 v9, v16;
	_ =	sdelay $0x4  }
0xb4: {  	[hbm4b:s4+s1] =	stream.indirect_vreg.scatter [tilespmem:s21], [sflag:$0x2], $0x80, v16, vm6, $0xb8;
	[tilespmem:$0x10400] =	vst v63  }
0xb5: {  	s7 =	simm.s32 $0xA80;
	v15 =	vperm.xlane v15, v10  }
0xb6: {  	[hbm4b:s13+s1] =	stream.indirect_vreg.scatter [tilespmem:s7], [sflag:$0x2], $0x80, v16, vm6, $0xb8;
	[tilespmem:$0x10400] =	vst v63  }
0xb7: {  	s18 =	simm.s32 $0x1280;
	v15 =	vadd.s32 v9, v15  }
0xb8: {  	[hbm4b:s14+s1] =	stream.indirect_vreg.scatter [tilespmem:s18], [sflag:$0x2], $0x80, v16, vm6, $0xb8;
	[tilespmem:$0x10400] =	vst v63  }
0xb9: {  	s19 =	simm.s32 $0x1A80  }
0xba: {  	[hbm4b:s16+s1] =	stream.indirect_vreg.scatter [tilespmem:s19], [sflag:$0x2], $0x80, v16, vm6, $0xb8;
	[tilespmem:$0x10400] =	vst v63  }
0xbb: {  	s20 =	simm.s32 $0x2280  }
0xbc: {  	[hbm4b:s4+s1] =	stream.indirect_vreg.scatter [tilespmem:s20], [sflag:$0x2], $0x80, v15, vm6, $0xb8;
	[tilespmem:$0x10400] =	vst v63  }
0xbd: {  	s22 =	simm.s32 $0x2A80  }
0xbe: {  	[hbm4b:s13+s1] =	stream.indirect_vreg.scatter [tilespmem:s22], [sflag:$0x2], $0x80, v15, vm6, $0xb8;
	[tilespmem:$0x10400] =	vst v63  }
0xbf: {  	s23 =	simm.s32 $0x3280  }
0xc0: {  	[hbm4b:s14+s1] =	stream.indirect_vreg.scatter [tilespmem:s23], [sflag:$0x2], $0x80, v15, vm6, $0xb8;
	[tilespmem:$0x10400] =	vst v63  }
0xc1: {  	s8 =	simm.s32 $0x3A80  }
0xc2: {  	[hbm4b:s16+s1] =	stream.indirect_vreg.scatter [tilespmem:s8], [sflag:$0x2], $0x80, v15, vm6, $0xb8;
	[tilespmem:$0x10400] =	vst v63  }
0xc3: {  	v15 =	vld [tilespmem:$0x210];
	_ =	sdelay $0x4  }
0xc4: {  	v44 =	vshll.u32 v15, $0x3  }
0xc5: {  	v15 =	vand.u32 $0x7, v15;
	v16 =	vand.u32 $0xFFFFFFC0, v44  }
0xc6: {  	v15 =	vor.u32 v15, v16  }
0xc7: {  	v16 =	vperm.xlane v15, v8;
	_ =	sdelay $0x1  }
0xc8: {  	v16 =	vadd.s32 v9, v16;
	_ =	sdelay $0x3  }
0xc9: {  	s6 =	simm.s32 $0x4280  }
0xca: {  	[hbm4b:s4+s1] =	stream.indirect_vreg.scatter [tilespmem:s6], [sflag:$0x2], $0x80, v16, vm6, $0xb8;
	[tilespmem:$0x10400] =	vst v63  }
0xcb: {  	s9 =	simm.s32 $0x4A80;
	v15 =	vperm.xlane v15, v10  }
0xcc: {  	[hbm4b:s13+s1] =	stream.indirect_vreg.scatter [tilespmem:s9], [sflag:$0x2], $0x80, v16, vm6, $0xb8;
	[tilespmem:$0x10400] =	vst v63  }
0xcd: {  	s24 =	simm.s32 $0x5280;
	v15 =	vadd.s32 v9, v15  }
0xce: {  	[hbm4b:s14+s1] =	stream.indirect_vreg.scatter [tilespmem:s24], [sflag:$0x2], $0x80, v16, vm6, $0xb8;
	[tilespmem:$0x10400] =	vst v63  }
0xcf: {  	s29 =	simm.s32 $0x5A80  }
0xd0: {  	[hbm4b:s16+s1] =	stream.indirect_vreg.scatter [tilespmem:s29], [sflag:$0x2], $0x80, v16, vm6, $0xb8;
	[tilespmem:$0x10400] =	vst v63  }
0xd1: {  	s29 =	simm.s32 $0x6280  }
0xd2: {  	[hbm4b:s4+s1] =	stream.indirect_vreg.scatter [tilespmem:s29], [sflag:$0x2], $0x80, v15, vm6, $0xb8;
	[tilespmem:$0x10400] =	vst v63  }
0xd3: {  	s11 =	simm.s32 $0x6A80  }
0xd4: {  	[hbm4b:s13+s1] =	stream.indirect_vreg.scatter [tilespmem:s11], [sflag:$0x2], $0x80, v15, vm6, $0xb8;
	[tilespmem:$0x10400] =	vst v63  }
0xd5: {  	s12 =	simm.s32 $0x7280  }
0xd6: {  	[hbm4b:s14+s1] =	stream.indirect_vreg.scatter [tilespmem:s12], [sflag:$0x2], $0x80, v15, vm6, $0xb8;
	[tilespmem:$0x10400] =	vst v63  }
0xd7: {  	s3 =	simm.s32 $0x7A80  }
0xd8: {  	[hbm4b:s16+s1] =	stream.indirect_vreg.scatter [tilespmem:s3], [sflag:$0x2], $0x80, v15, vm6, $0xb8;
	[tilespmem:$0x10400] =	vst v63  }
0xd9: {  	v15 =	vld [tilespmem:$0x220];
	_ =	sdelay $0x4  }
0xda: {  	v45 =	vshll.u32 v15, $0x3  }
0xdb: {  	v15 =	vand.u32 $0x7, v15;
	v16 =	vand.u32 $0xFFFFFFC0, v45  }
0xdc: {  	v15 =	vor.u32 v15, v16  }
0xdd: {  	v16 =	vperm.xlane v15, v8;
	_ =	sdelay $0x1  }
0xde: {  	v16 =	vadd.s32 v9, v16;
	_ =	sdelay $0x3  }
0xdf: {  	s5 =	simm.s32 $0x8280  }
0xe0: {  	[hbm4b:s4+s1] =	stream.indirect_vreg.scatter [tilespmem:s5], [sflag:$0x2], $0x80, v16, vm6, $0xb8;
	[tilespmem:$0x10400] =	vst v63  }
0xe1: {  	s2 =	simm.s32 $0x8A80;
	v15 =	vperm.xlane v15, v10  }
0xe2: {  	[hbm4b:s13+s1] =	stream.indirect_vreg.scatter [tilespmem:s2], [sflag:$0x2], $0x80, v16, vm6, $0xb8;
	[tilespmem:$0x10400] =	vst v63  }
0xe3: {  	s15 =	simm.s32 $0x9280;
	v15 =	vadd.s32 v9, v15  }
0xe4: {  	[hbm4b:s14+s1] =	stream.indirect_vreg.scatter [tilespmem:s15], [sflag:$0x2], $0x80, v16, vm6, $0xb8;
	[tilespmem:$0x10400] =	vst v63  }
0xe5: {  	s28 =	simm.s32 $0x9A80  }
0xe6: {  	[hbm4b:s16+s1] =	stream.indirect_vreg.scatter [tilespmem:s28], [sflag:$0x2], $0x80, v16, vm6, $0xb8;
	[tilespmem:$0x10400] =	vst v63  }
0xe7: {  	s17 =	simm.s32 $0xA280  }
0xe8: {  	[hbm4b:s4+s1] =	stream.indirect_vreg.scatter [tilespmem:s17], [sflag:$0x2], $0x80, v15, vm6, $0xb8;
	[tilespmem:$0x10400] =	vst v63  }
0xe9: {  	s15 =	simm.s32 $0xAA80  }
0xea: {  	[hbm4b:s13+s1] =	stream.indirect_vreg.scatter [tilespmem:s15], [sflag:$0x2], $0x80, v15, vm6, $0xb8;
	[tilespmem:$0x10400] =	vst v63  }
0xeb: {  	s17 =	simm.s32 $0xB280  }
0xec: {  	[hbm4b:s14+s1] =	stream.indirect_vreg.scatter [tilespmem:s17], [sflag:$0x2], $0x80, v15, vm6, $0xb8;
	[tilespmem:$0x10400] =	vst v63  }
0xed: {  	s25 =	simm.s32 $0xBA80  }
0xee: {  	[hbm4b:s16+s1] =	stream.indirect_vreg.scatter [tilespmem:s25], [sflag:$0x2], $0x80, v15, vm6, $0xb8;
	[tilespmem:$0x10400] =	vst v63  }
0xef: {  	v15 =	vld [tilespmem:$0x230];
	_ =	sdelay $0x4  }
0xf0: {  	v46 =	vshll.u32 v15, $0x3  }
0xf1: {  	v15 =	vand.u32 $0x7, v15;
	v16 =	vand.u32 $0xFFFFFFC0, v46  }
0xf2: {  	v15 =	vor.u32 v15, v16  }
0xf3: {  	v16 =	vperm.xlane v15, v8;
	_ =	sdelay $0x1  }
0xf4: {  	v16 =	vadd.s32 v9, v16;
	_ =	sdelay $0x3  }
0xf5: {  	s31 =	simm.s32 $0xC280  }
0xf6: {  	[hbm4b:s4+s1] =	stream.indirect_vreg.scatter [tilespmem:s31], [sflag:$0x2], $0x80, v16, vm6, $0xb8;
	[tilespmem:$0x10400] =	vst v63  }
0xf7: {  	s30 =	simm.s32 $0xCA80;
	v15 =	vperm.xlane v15, v10  }
0xf8: {  	[hbm4b:s13+s1] =	stream.indirect_vreg.scatter [tilespmem:s30], [sflag:$0x2], $0x80, v16, vm6, $0xb8;
	[tilespmem:$0x10400] =	vst v63  }
0xf9: {  	s19 =	simm.s32 $0xD280;
	v15 =	vadd.s32 v9, v15  }
0xfa: {  	[hbm4b:s14+s1] =	stream.indirect_vreg.scatter [tilespmem:s19], [sflag:$0x2], $0x80, v16, vm6, $0xb8;
	[tilespmem:$0x10400] =	vst v63  }
0xfb: {  	s20 =	simm.s32 $0xDA80  }
0xfc: {  	[hbm4b:s16+s1] =	stream.indirect_vreg.scatter [tilespmem:s20], [sflag:$0x2], $0x80, v16, vm6, $0xb8;
	[tilespmem:$0x10400] =	vst v63  }
0xfd: {  	s25 =	simm.s32 $0xE280  }
0xfe: {  	[hbm4b:s4+s1] =	stream.indirect_vreg.scatter [tilespmem:s25], [sflag:$0x2], $0x80, v15, vm6, $0xb8;
	[tilespmem:$0x10400] =	vst v63  }
0xff: {  	s29 =	simm.s32 $0xEA80  }
0x100: {  	[hbm4b:s13+s1] =	stream.indirect_vreg.scatter [tilespmem:s29], [sflag:$0x2], $0x80, v15, vm6, $0xb8;
	[tilespmem:$0x10400] =	vst v63  }
0x101: {  	s10 =	simm.s32 $0xF280  }
0x102: {  	[hbm4b:s14+s1] =	stream.indirect_vreg.scatter [tilespmem:s10], [sflag:$0x2], $0x80, v15, vm6, $0xb8;
	[tilespmem:$0x10400] =	vst v63  }
0x103: {  	s0 =	simm.s32 $0xFA80  }
0x104: {  	[hbm4b:s16+s1] =	stream.indirect_vreg.scatter [tilespmem:s0], [sflag:$0x2], $0x80, v15, vm6, $0xb8;
	[tilespmem:$0x10400] =	vst v63  }
0x105: {  	s31 =	simm.s32 $0x180;
	s30 =	rddreg [dreg:$0xd]  }
0x106: {  	[hbm4b:s30+s1] =	stream.linear.scatter [tilespmem:s31], [sflag:$0x3], $0x40, $0x38;
	[tilespmem:$0x10400] =	vst v63  }
0x107: {  	_ =	swait.ge [sflag:s26], $0x40  }
0x108: {  	[sflag:s26] =	ssyncset.done $0x0  }
0x109: {  	s10 =	simm.s32 $0x200;
	s2 =	rddreg [dreg:$0x12];
	[sflag:s26] =	ssyncadd.s32 $0xFFFFFFC0  }
0x10a: {  	[hbm4b:s2+s1] =	stream.linear.scatter [tilespmem:s10], [sflag:$0x3], $0x40, $0x38;
	[tilespmem:$0x10400] =	vst v63  }
0x10b: {  	_ =	swait.ge [sflag:s26], $0x40  }
0x10c: {  	[sflag:s26] =	ssyncset.done $0x0  }
0x10d: {  	s20 =	simm.s32 $0x1;
	[sflag:s26] =	ssyncadd.s32 $0xFFFFFFC0  }
0x10e: {  	_ =	swait.ge [sflag:s20], $0x10000  }
0x10f: {  	[sflag:s20] =	ssyncset.done $0x0  }
0x110: {  	s19 =	simm.s32 $0x2;
	[sflag:s20] =	ssyncadd.s32 $0xFFFF0000  }
0x111: {  	_ =	swait.ge [sflag:s19], $0x10000  }
0x112: {  	[sflag:s19] =	ssyncset.done $0x0  }
0x113: {  	s17 =	simm.s32 $0x80;
	s15 =	rddreg [dreg:$0xe];
	[sflag:s19] =	ssyncadd.s32 $0xFFFF0000  }
0x114: {  	[tilespmem:s17], [sflag:$0x3] =	stream.linear.gather [hbm4b:s15+s1], $0x40, $0x38;
	[tilespmem:$0x10400] =	vst v63  }
0x115: {  	_ =	swait.ge [sflag:s26], $0x40  }
0x116: {  	[sflag:s26] =	ssyncset.done $0x0  }
0x117: {  	s29 =	simm.s32 $0x100;
	s25 =	rddreg [dreg:$0xf];
	[sflag:s26] =	ssyncadd.s32 $0xFFFFFFC0  }
0x118: {  	[tilespmem:s29], [sflag:$0x3] =	stream.linear.gather [hbm4b:s25+s1], $0x40, $0x38;
	[tilespmem:$0x10400] =	vst v63  }
0x119: {  	_ =	swait.ge [sflag:s26], $0x40  }
0x11a: {  	[sflag:s26] =	ssyncset.done $0x0  }
0x11b: {  	[sflag:s26] =	ssyncadd.s32 $0xFFFFFFC0  }
0x11c: {  	v15 =	vld [tilespmem:$0x80]  }
0x11d: {  	v47 =	vld [tilespmem:$0x100]  }
0x11e: {  	v48 =	vld [tilespmem:$0x90]  }
0x11f: {  	v49 =	vld [tilespmem:$0x110]  }
0x120: {  	v50 =	vld [tilespmem:$0xA0]  }
0x121: {  	v51 =	vld [tilespmem:$0xB0]  }
0x122: {  	v52 =	vld [tilespmem:$0x120]  }
0x123: {  	v53 =	vld [tilespmem:$0x130];
	v15 =	vperm.xlane v14, v15  }
0x124: {  	v17 =	vperm.xlane v14, v48  }
0x125: {  	v54 =	vperm.xlane v14, v50;
	v15 =	vadd.s32 v15, v47  }
0x126: {  	v55 =	vperm.xlane v14, v51;
	[tilespmem:$0x180] =	vst v15;
	v15 =	vadd.s32 v17, v49  }
0x127: {  	[tilespmem:$0x190] =	vst v15;
	v15 =	vadd.s32 v54, v52  }
0x128: {  	[tilespmem:$0x1A0] =	vst v15;
	v15 =	vadd.s32 v55, v53  }
0x129: {  	s0 =	rddreg [dreg:$0x10];
	[tilespmem:$0x1B0] =	vst v15  }
0x12a: {  	[tilespmem:s17], [sflag:$0x3] =	stream.linear.gather [hbm4b:s0+s1], $0x40, $0x38;
	[tilespmem:$0x10400] =	vst v63  }
0x12b: {  	_ =	swait.ge [sflag:s26], $0x40  }
0x12c: {  	[sflag:s26] =	ssyncset.done $0x0  }
0x12d: {  	s2 =	rddreg [dreg:$0x11];
	[sflag:s26] =	ssyncadd.s32 $0xFFFFFFC0  }
0x12e: {  	[tilespmem:s29], [sflag:$0x3] =	stream.linear.gather [hbm4b:s2+s1], $0x40, $0x38;
	[tilespmem:$0x10400] =	vst v63  }
0x12f: {  	_ =	swait.ge [sflag:s26], $0x40  }
0x130: {  	[sflag:s26] =	ssyncset.done $0x0  }
0x131: {  	[sflag:s26] =	ssyncadd.s32 $0xFFFFFFC0  }
0x132: {  	v15 =	vld [tilespmem:$0x80]  }
0x133: {  	v57 =	vld [tilespmem:$0x90]  }
0x134: {  	v59 =	vld [tilespmem:$0xA0]  }
0x135: {  	v60 =	vld [tilespmem:$0xB0]  }
0x136: {  	v56 =	vld [tilespmem:$0x100]  }
0x137: {  	v62 =	vld [tilespmem:$0x130]  }
0x138: {  	v58 =	vld [tilespmem:$0x110]  }
0x139: {  	v61 =	vld [tilespmem:$0x120];
	v15 =	vperm.xlane v14, v15;
	v17 =	vperm.xlane v14, v57  }
0x13a: {  	v63 =	vperm.xlane v14, v59;
	v14 =	vperm.xlane v14, v60  }
0x13b: {  	v15 =	vadd.s32 v15, v56  }
0x13c: {  	v14 =	vadd.s32 v14, v62;
	[tilespmem:$0x200] =	vst v15  }
0x13d: {  	v15 =	vadd.s32 v17, v58;
	[tilespmem:$0x230] =	vst v14  }
0x13e: {  	[tilespmem:$0x210] =	vst v15;
	v15 =	vadd.s32 v63, v61  }
0x13f: {  	s10 =	rddreg [dreg:$0x13];
	[tilespmem:$0x220] =	vst v15  }
0x140: {  	[tilespmem:s21], [sflag:$0x3] =	stream.linear.gather [hbm4b:s10+s1], $0x10000, $0x38;
	[tilespmem:$0x10400] =	vst v63  }
0x141: {  	_ =	swait.ge [sflag:s26], $0x10000  }
0x142: {  	[sflag:s26] =	ssyncset.done $0x0  }
0x143: {  	[sflag:s26] =	ssyncadd.s32 $0xFFFF0000  }
0x144: {  	v14 =	vld [tilespmem:$0x180];
	_ =	sdelay $0x4  }
0x145: {  	v15 =	vshll.u32 v14, $0x3  }
0x146: {  	v14 =	vand.u32 $0x7, v14;
	v15 =	vand.u32 $0xFFFFFFC0, v15  }
0x147: {  	v14 =	vor.u32 v14, v15  }
0x148: {  	v15 =	vperm.xlane v14, v8;
	_ =	sdelay $0x1  }
0x149: {  	v15 =	vadd.s32 v9, v15;
	_ =	sdelay $0x4  }
0x14a: {  	[hbm4b:s4+s1] =	stream.indirect_vreg.scatter [tilespmem:s21], [sflag:$0x1], $0x80, v15, vm6, $0xb8;
	[tilespmem:$0x10400] =	vst v63  }
0x14b: {  	s17 =	simm.s32 $0xA80;
	v14 =	vperm.xlane v14, v10  }
0x14c: {  	[hbm4b:s13+s1] =	stream.indirect_vreg.scatter [tilespmem:s17], [sflag:$0x1], $0x80, v15, vm6, $0xb8;
	[tilespmem:$0x10400] =	vst v63  }
0x14d: {  	s7 =	simm.s32 $0x1280;
	v14 =	vadd.s32 v9, v14  }
0x14e: {  	[hbm4b:s14+s1] =	stream.indirect_vreg.scatter [tilespmem:s7], [sflag:$0x1], $0x80, v15, vm6, $0xb8;
	[tilespmem:$0x10400] =	vst v63  }
0x14f: {  	s11 =	simm.s32 $0x1A80  }
0x150: {  	[hbm4b:s16+s1] =	stream.indirect_vreg.scatter [tilespmem:s11], [sflag:$0x1], $0x80, v15, vm6, $0xb8;
	[tilespmem:$0x10400] =	vst v63  }
0x151: {  	s15 =	simm.s32 $0x2280  }
0x152: {  	[hbm4b:s4+s1] =	stream.indirect_vreg.scatter [tilespmem:s15], [sflag:$0x1], $0x80, v14, vm6, $0xb8;
	[tilespmem:$0x10400] =	vst v63  }
0x153: {  	s18 =	simm.s32 $0x2A80  }
0x154: {  	[hbm4b:s13+s1] =	stream.indirect_vreg.scatter [tilespmem:s18], [sflag:$0x1], $0x80, v14, vm6, $0xb8;
	[tilespmem:$0x10400] =	vst v63  }
0x155: {  	s22 =	simm.s32 $0x3280  }
0x156: {  	[hbm4b:s14+s1] =	stream.indirect_vreg.scatter [tilespmem:s22], [sflag:$0x1], $0x80, v14, vm6, $0xb8;
	[tilespmem:$0x10400] =	vst v63  }
0x157: {  	s2 =	simm.s32 $0x3A80  }
0x158: {  	[hbm4b:s16+s1] =	stream.indirect_vreg.scatter [tilespmem:s2], [sflag:$0x1], $0x80, v14, vm6, $0xb8;
	[tilespmem:$0x10400] =	vst v63  }
0x159: {  	v14 =	vld [tilespmem:$0x190];
	_ =	sdelay $0x4  }
0x15a: {  	v15 =	vshll.u32 v14, $0x3  }
0x15b: {  	v14 =	vand.u32 $0x7, v14;
	v15 =	vand.u32 $0xFFFFFFC0, v15  }
0x15c: {  	v14 =	vor.u32 v14, v15  }
0x15d: {  	v15 =	vperm.xlane v14, v8;
	_ =	sdelay $0x1  }
0x15e: {  	v15 =	vadd.s32 v9, v15;
	_ =	sdelay $0x3  }
0x15f: {  	s23 =	simm.s32 $0x4280  }
0x160: {  	[hbm4b:s4+s1] =	stream.indirect_vreg.scatter [tilespmem:s23], [sflag:$0x1], $0x80, v15, vm6, $0xb8;
	[tilespmem:$0x10400] =	vst v63  }
0x161: {  	s9 =	simm.s32 $0x4A80;
	v14 =	vperm.xlane v14, v10  }
0x162: {  	[hbm4b:s13+s1] =	stream.indirect_vreg.scatter [tilespmem:s9], [sflag:$0x1], $0x80, v15, vm6, $0xb8;
	[tilespmem:$0x10400] =	vst v63  }
0x163: {  	s6 =	simm.s32 $0x5280;
	v14 =	vadd.s32 v9, v14  }
0x164: {  	[hbm4b:s14+s1] =	stream.indirect_vreg.scatter [tilespmem:s6], [sflag:$0x1], $0x80, v15, vm6, $0xb8;
	[tilespmem:$0x10400] =	vst v63  }
0x165: {  	s0 =	simm.s32 $0x5A80  }
0x166: {  	[hbm4b:s16+s1] =	stream.indirect_vreg.scatter [tilespmem:s0], [sflag:$0x1], $0x80, v15, vm6, $0xb8;
	[tilespmem:$0x10400] =	vst v63  }
0x167: {  	s11 =	simm.s32 $0x6280  }
0x168: {  	[hbm4b:s4+s1] =	stream.indirect_vreg.scatter [tilespmem:s11], [sflag:$0x1], $0x80, v14, vm6, $0xb8;
	[tilespmem:$0x10400] =	vst v63  }
0x169: {  	s30 =	simm.s32 $0x6A80  }
0x16a: {  	[hbm4b:s13+s1] =	stream.indirect_vreg.scatter [tilespmem:s30], [sflag:$0x1], $0x80, v14, vm6, $0xb8;
	[tilespmem:$0x10400] =	vst v63  }
0x16b: {  	s9 =	simm.s32 $0x7280  }
0x16c: {  	[hbm4b:s14+s1] =	stream.indirect_vreg.scatter [tilespmem:s9], [sflag:$0x1], $0x80, v14, vm6, $0xb8;
	[tilespmem:$0x10400] =	vst v63  }
0x16d: {  	s12 =	simm.s32 $0x7A80  }
0x16e: {  	[hbm4b:s16+s1] =	stream.indirect_vreg.scatter [tilespmem:s12], [sflag:$0x1], $0x80, v14, vm6, $0xb8;
	[tilespmem:$0x10400] =	vst v63  }
0x16f: {  	v14 =	vld [tilespmem:$0x1A0];
	_ =	sdelay $0x4  }
0x170: {  	v15 =	vshll.u32 v14, $0x3  }
0x171: {  	v14 =	vand.u32 $0x7, v14;
	v15 =	vand.u32 $0xFFFFFFC0, v15  }
0x172: {  	v14 =	vor.u32 v14, v15  }
0x173: {  	v15 =	vperm.xlane v14, v8;
	_ =	sdelay $0x1  }
0x174: {  	v15 =	vadd.s32 v9, v15;
	_ =	sdelay $0x3  }
0x175: {  	s15 =	simm.s32 $0x8280  }
0x176: {  	[hbm4b:s4+s1] =	stream.indirect_vreg.scatter [tilespmem:s15], [sflag:$0x1], $0x80, v15, vm6, $0xb8;
	[tilespmem:$0x10400] =	vst v63  }
0x177: {  	s12 =	simm.s32 $0x8A80;
	v14 =	vperm.xlane v14, v10  }
0x178: {  	[hbm4b:s13+s1] =	stream.indirect_vreg.scatter [tilespmem:s12], [sflag:$0x1], $0x80, v15, vm6, $0xb8;
	[tilespmem:$0x10400] =	vst v63  }
0x179: {  	s25 =	simm.s32 $0x9280;
	v14 =	vadd.s32 v9, v14  }
0x17a: {  	[hbm4b:s14+s1] =	stream.indirect_vreg.scatter [tilespmem:s25], [sflag:$0x1], $0x80, v15, vm6, $0xb8;
	[tilespmem:$0x10400] =	vst v63  }
0x17b: {  	s24 =	simm.s32 $0x9A80  }
0x17c: {  	[hbm4b:s16+s1] =	stream.indirect_vreg.scatter [tilespmem:s24], [sflag:$0x1], $0x80, v15, vm6, $0xb8;
	[tilespmem:$0x10400] =	vst v63  }
0x17d: {  	s3 =	simm.s32 $0xA280  }
0x17e: {  	[hbm4b:s4+s1] =	stream.indirect_vreg.scatter [tilespmem:s3], [sflag:$0x1], $0x80, v14, vm6, $0xb8;
	[tilespmem:$0x10400] =	vst v63  }
0x17f: {  	s31 =	simm.s32 $0xAA80  }
0x180: {  	[hbm4b:s13+s1] =	stream.indirect_vreg.scatter [tilespmem:s31], [sflag:$0x1], $0x80, v14, vm6, $0xb8;
	[tilespmem:$0x10400] =	vst v63  }
0x181: {  	s18 =	simm.s32 $0xB280  }
0x182: {  	[hbm4b:s14+s1] =	stream.indirect_vreg.scatter [tilespmem:s18], [sflag:$0x1], $0x80, v14, vm6, $0xb8;
	[tilespmem:$0x10400] =	vst v63  }
0x183: {  	s5 =	simm.s32 $0xBA80  }
0x184: {  	[hbm4b:s16+s1] =	stream.indirect_vreg.scatter [tilespmem:s5], [sflag:$0x1], $0x80, v14, vm6, $0xb8;
	[tilespmem:$0x10400] =	vst v63  }
0x185: {  	v14 =	vld [tilespmem:$0x1B0];
	_ =	sdelay $0x4  }
0x186: {  	v15 =	vshll.u32 v14, $0x3  }
0x187: {  	v14 =	vand.u32 $0x7, v14;
	v15 =	vand.u32 $0xFFFFFFC0, v15  }
0x188: {  	v14 =	vor.u32 v14, v15  }
0x189: {  	v15 =	vperm.xlane v14, v8;
	_ =	sdelay $0x1  }
0x18a: {  	v15 =	vadd.s32 v9, v15;
	_ =	sdelay $0x3  }
0x18b: {  	s28 =	simm.s32 $0xC280  }
0x18c: {  	[hbm4b:s4+s1] =	stream.indirect_vreg.scatter [tilespmem:s28], [sflag:$0x1], $0x80, v15, vm6, $0xb8;
	[tilespmem:$0x10400] =	vst v63  }
0x18d: {  	s10 =	simm.s32 $0xCA80;
	v14 =	vperm.xlane v14, v10  }
0x18e: {  	[hbm4b:s13+s1] =	stream.indirect_vreg.scatter [tilespmem:s10], [sflag:$0x1], $0x80, v15, vm6, $0xb8;
	[tilespmem:$0x10400] =	vst v63  }
0x18f: {  	s3 =	simm.s32 $0xD280;
	v14 =	vadd.s32 v9, v14  }
0x190: {  	[hbm4b:s14+s1] =	stream.indirect_vreg.scatter [tilespmem:s3], [sflag:$0x1], $0x80, v15, vm6, $0xb8;
	[tilespmem:$0x10400] =	vst v63  }
0x191: {  	s5 =	simm.s32 $0xDA80  }
0x192: {  	[hbm4b:s16+s1] =	stream.indirect_vreg.scatter [tilespmem:s5], [sflag:$0x1], $0x80, v15, vm6, $0xb8;
	[tilespmem:$0x10400] =	vst v63  }
0x193: {  	s6 =	simm.s32 $0xE280  }
0x194: {  	[hbm4b:s4+s1] =	stream.indirect_vreg.scatter [tilespmem:s6], [sflag:$0x1], $0x80, v14, vm6, $0xb8;
	[tilespmem:$0x10400] =	vst v63  }
0x195: {  	s7 =	simm.s32 $0xEA80  }
0x196: {  	[hbm4b:s13+s1] =	stream.indirect_vreg.scatter [tilespmem:s7], [sflag:$0x1], $0x80, v14, vm6, $0xb8;
	[tilespmem:$0x10400] =	vst v63  }
0x197: {  	s8 =	simm.s32 $0xF280  }
0x198: {  	[hbm4b:s14+s1] =	stream.indirect_vreg.scatter [tilespmem:s8], [sflag:$0x1], $0x80, v14, vm6, $0xb8;
	[tilespmem:$0x10400] =	vst v63  }
0x199: {  	s8 =	simm.s32 $0xFA80  }
0x19a: {  	[hbm4b:s16+s1] =	stream.indirect_vreg.scatter [tilespmem:s8], [sflag:$0x1], $0x80, v14, vm6, $0xb8;
	[tilespmem:$0x10400] =	vst v63  }
0x19b: {  	v14 =	vld [tilespmem:$0x200];
	_ =	sdelay $0x4  }
0x19c: {  	v15 =	vshll.u32 v14, $0x3  }
0x19d: {  	v14 =	vand.u32 $0x7, v14;
	v15 =	vand.u32 $0xFFFFFFC0, v15  }
0x19e: {  	v14 =	vor.u32 v14, v15  }
0x19f: {  	v15 =	vperm.xlane v14, v8;
	_ =	sdelay $0x1  }
0x1a0: {  	v15 =	vadd.s32 v9, v15;
	_ =	sdelay $0x4  }
0x1a1: {  	[hbm4b:s4+s1] =	stream.indirect_vreg.scatter [tilespmem:s21], [sflag:$0x2], $0x80, v15, vm6, $0xb8;
	[tilespmem:$0x10400] =	vst v63  }
0x1a2: {  	v14 =	vperm.xlane v14, v10  }
0x1a3: {  	[hbm4b:s13+s1] =	stream.indirect_vreg.scatter [tilespmem:s17], [sflag:$0x2], $0x80, v15, vm6, $0xb8;
	[tilespmem:$0x10400] =	vst v63  }
0x1a4: {  	s29 =	simm.s32 $0x1280;
	v14 =	vadd.s32 v9, v14  }
0x1a5: {  	[hbm4b:s14+s1] =	stream.indirect_vreg.scatter [tilespmem:s29], [sflag:$0x2], $0x80, v15, vm6, $0xb8;
	[tilespmem:$0x10400] =	vst v63  }
0x1a6: {  	s29 =	simm.s32 $0x1A80  }
0x1a7: {  	[hbm4b:s16+s1] =	stream.indirect_vreg.scatter [tilespmem:s29], [sflag:$0x2], $0x80, v15, vm6, $0xb8;
	[tilespmem:$0x10400] =	vst v63  }
0x1a8: {  	s29 =	simm.s32 $0x2280  }
0x1a9: {  	[hbm4b:s4+s1] =	stream.indirect_vreg.scatter [tilespmem:s29], [sflag:$0x2], $0x80, v14, vm6, $0xb8;
	[tilespmem:$0x10400] =	vst v63  }
0x1aa: {  	s29 =	simm.s32 $0x2A80  }
0x1ab: {  	[hbm4b:s13+s1] =	stream.indirect_vreg.scatter [tilespmem:s29], [sflag:$0x2], $0x80, v14, vm6, $0xb8;
	[tilespmem:$0x10400] =	vst v63  }
0x1ac: {  	s29 =	simm.s32 $0x3280  }
0x1ad: {  	[hbm4b:s14+s1] =	stream.indirect_vreg.scatter [tilespmem:s29], [sflag:$0x2], $0x80, v14, vm6, $0xb8;
	[tilespmem:$0x10400] =	vst v63  }
0x1ae: {  	_ = 	snop  }
0x1af: {  	[hbm4b:s16+s1] =	stream.indirect_vreg.scatter [tilespmem:s2], [sflag:$0x2], $0x80, v14, vm6, $0xb8;
	[tilespmem:$0x10400] =	vst v63  }
0x1b0: {  	v14 =	vld [tilespmem:$0x210];
	_ =	sdelay $0x4  }
0x1b1: {  	v15 =	vshll.u32 v14, $0x3  }
0x1b2: {  	v14 =	vand.u32 $0x7, v14;
	v15 =	vand.u32 $0xFFFFFFC0, v15  }
0x1b3: {  	v14 =	vor.u32 v14, v15  }
0x1b4: {  	v15 =	vperm.xlane v14, v8;
	_ =	sdelay $0x1  }
0x1b5: {  	v15 =	vadd.s32 v9, v15;
	_ =	sdelay $0x3  }
0x1b6: {  	s29 =	simm.s32 $0x4280  }
0x1b7: {  	[hbm4b:s4+s1] =	stream.indirect_vreg.scatter [tilespmem:s29], [sflag:$0x2], $0x80, v15, vm6, $0xb8;
	[tilespmem:$0x10400] =	vst v63  }
0x1b8: {  	s17 =	simm.s32 $0x4A80;
	v14 =	vperm.xlane v14, v10  }
0x1b9: {  	[hbm4b:s13+s1] =	stream.indirect_vreg.scatter [tilespmem:s17], [sflag:$0x2], $0x80, v15, vm6, $0xb8;
	[tilespmem:$0x10400] =	vst v63  }
0x1ba: {  	s23 =	simm.s32 $0x5280;
	v14 =	vadd.s32 v9, v14  }
0x1bb: {  	[hbm4b:s14+s1] =	stream.indirect_vreg.scatter [tilespmem:s23], [sflag:$0x2], $0x80, v15, vm6, $0xb8;
	[tilespmem:$0x10400] =	vst v63  }
0x1bc: {  	_ = 	snop  }
0x1bd: {  	[hbm4b:s16+s1] =	stream.indirect_vreg.scatter [tilespmem:s0], [sflag:$0x2], $0x80, v15, vm6, $0xb8;
	[tilespmem:$0x10400] =	vst v63  }
0x1be: {  	_ = 	snop  }
0x1bf: {  	[hbm4b:s4+s1] =	stream.indirect_vreg.scatter [tilespmem:s11], [sflag:$0x2], $0x80, v14, vm6, $0xb8;
	[tilespmem:$0x10400] =	vst v63  }
0x1c0: {  	_ = 	snop  }
0x1c1: {  	[hbm4b:s13+s1] =	stream.indirect_vreg.scatter [tilespmem:s30], [sflag:$0x2], $0x80, v14, vm6, $0xb8;
	[tilespmem:$0x10400] =	vst v63  }
0x1c2: {  	_ = 	snop  }
0x1c3: {  	[hbm4b:s14+s1] =	stream.indirect_vreg.scatter [tilespmem:s9], [sflag:$0x2], $0x80, v14, vm6, $0xb8;
	[tilespmem:$0x10400] =	vst v63  }
0x1c4: {  	s23 =	simm.s32 $0x7A80  }
0x1c5: {  	[hbm4b:s16+s1] =	stream.indirect_vreg.scatter [tilespmem:s23], [sflag:$0x2], $0x80, v14, vm6, $0xb8;
	[tilespmem:$0x10400] =	vst v63  }
0x1c6: {  	v14 =	vld [tilespmem:$0x220];
	_ =	sdelay $0x4  }
0x1c7: {  	v15 =	vshll.u32 v14, $0x3  }
0x1c8: {  	v14 =	vand.u32 $0x7, v14;
	v15 =	vand.u32 $0xFFFFFFC0, v15  }
0x1c9: {  	v14 =	vor.u32 v14, v15  }
0x1ca: {  	v15 =	vperm.xlane v14, v8;
	_ =	sdelay $0x1  }
0x1cb: {  	v15 =	vadd.s32 v9, v15;
	_ =	sdelay $0x4  }
0x1cc: {  	[hbm4b:s4+s1] =	stream.indirect_vreg.scatter [tilespmem:s15], [sflag:$0x2], $0x80, v15, vm6, $0xb8;
	[tilespmem:$0x10400] =	vst v63  }
0x1cd: {  	v14 =	vperm.xlane v14, v10  }
0x1ce: {  	[hbm4b:s13+s1] =	stream.indirect_vreg.scatter [tilespmem:s12], [sflag:$0x2], $0x80, v15, vm6, $0xb8;
	[tilespmem:$0x10400] =	vst v63  }
0x1cf: {  	s25 =	simm.s32 $0x9280;
	v14 =	vadd.s32 v9, v14  }
0x1d0: {  	[hbm4b:s14+s1] =	stream.indirect_vreg.scatter [tilespmem:s25], [sflag:$0x2], $0x80, v15, vm6, $0xb8;
	[tilespmem:$0x10400] =	vst v63  }
0x1d1: {  	s24 =	simm.s32 $0x9A80  }
0x1d2: {  	[hbm4b:s16+s1] =	stream.indirect_vreg.scatter [tilespmem:s24], [sflag:$0x2], $0x80, v15, vm6, $0xb8;
	[tilespmem:$0x10400] =	vst v63  }
0x1d3: {  	s24 =	simm.s32 $0xA280  }
0x1d4: {  	[hbm4b:s4+s1] =	stream.indirect_vreg.scatter [tilespmem:s24], [sflag:$0x2], $0x80, v14, vm6, $0xb8;
	[tilespmem:$0x10400] =	vst v63  }
0x1d5: {  	_ = 	snop  }
0x1d6: {  	[hbm4b:s13+s1] =	stream.indirect_vreg.scatter [tilespmem:s31], [sflag:$0x2], $0x80, v14, vm6, $0xb8;
	[tilespmem:$0x10400] =	vst v63  }
0x1d7: {  	_ = 	snop  }
0x1d8: {  	[hbm4b:s14+s1] =	stream.indirect_vreg.scatter [tilespmem:s18], [sflag:$0x2], $0x80, v14, vm6, $0xb8;
	[tilespmem:$0x10400] =	vst v63  }
0x1d9: {  	s22 =	simm.s32 $0xBA80  }
0x1da: {  	[hbm4b:s16+s1] =	stream.indirect_vreg.scatter [tilespmem:s22], [sflag:$0x2], $0x80, v14, vm6, $0xb8;
	[tilespmem:$0x10400] =	vst v63  }
0x1db: {  	v14 =	vld [tilespmem:$0x230];
	_ =	sdelay $0x4  }
0x1dc: {  	v15 =	vshll.u32 v14, $0x3  }
0x1dd: {  	v14 =	vand.u32 $0x7, v14;
	v15 =	vand.u32 $0xFFFFFFC0, v15  }
0x1de: {  	v14 =	vor.u32 v14, v15  }
0x1df: {  	v15 =	vperm.xlane v14, v8;
	_ =	sdelay $0x1  }
0x1e0: {  	v15 =	vadd.s32 v9, v15;
	_ =	sdelay $0x3  }
0x1e1: {  	s28 =	simm.s32 $0xC280  }
0x1e2: {  	[hbm4b:s4+s1] =	stream.indirect_vreg.scatter [tilespmem:s28], [sflag:$0x2], $0x80, v15, vm6, $0xb8;
	[tilespmem:$0x10400] =	vst v63  }
0x1e3: {  	v14 =	vperm.xlane v14, v10  }
0x1e4: {  	[hbm4b:s13+s1] =	stream.indirect_vreg.scatter [tilespmem:s10], [sflag:$0x2], $0x80, v15, vm6, $0xb8;
	[tilespmem:$0x10400] =	vst v63  }
0x1e5: {  	v14 =	vadd.s32 v9, v14  }
0x1e6: {  	[hbm4b:s14+s1] =	stream.indirect_vreg.scatter [tilespmem:s3], [sflag:$0x2], $0x80, v15, vm6, $0xb8;
	[tilespmem:$0x10400] =	vst v63  }
0x1e7: {  	_ = 	snop  }
0x1e8: {  	[hbm4b:s16+s1] =	stream.indirect_vreg.scatter [tilespmem:s5], [sflag:$0x2], $0x80, v15, vm6, $0xb8;
	[tilespmem:$0x10400] =	vst v63  }
0x1e9: {  	_ = 	snop  }
0x1ea: {  	[hbm4b:s4+s1] =	stream.indirect_vreg.scatter [tilespmem:s6], [sflag:$0x2], $0x80, v14, vm6, $0xb8;
	[tilespmem:$0x10400] =	vst v63  }
0x1eb: {  	_ = 	snop  }
0x1ec: {  	[hbm4b:s13+s1] =	stream.indirect_vreg.scatter [tilespmem:s7], [sflag:$0x2], $0x80, v14, vm6, $0xb8;
	[tilespmem:$0x10400] =	vst v63  }
0x1ed: {  	s25 =	simm.s32 $0xF280  }
0x1ee: {  	[hbm4b:s14+s1] =	stream.indirect_vreg.scatter [tilespmem:s25], [sflag:$0x2], $0x80, v14, vm6, $0xb8;
	[tilespmem:$0x10400] =	vst v63  }
0x1ef: {  	_ = 	snop  }
0x1f0: {  	[hbm4b:s16+s1] =	stream.indirect_vreg.scatter [tilespmem:s8], [sflag:$0x2], $0x80, v14, vm6, $0xb8;
	[tilespmem:$0x10400] =	vst v63  }
0x1f1: {  	s29 =	simm.s32 $0x180;
	s28 =	rddreg [dreg:$0x14]  }
0x1f2: {  	[hbm4b:s28+s1] =	stream.linear.scatter [tilespmem:s29], [sflag:$0x3], $0x40, $0x38;
	[tilespmem:$0x10400] =	vst v63  }
0x1f3: {  	_ =	swait.ge [sflag:s26], $0x40  }
0x1f4: {  	[sflag:s26] =	ssyncset.done $0x0  }
0x1f5: {  	s31 =	simm.s32 $0x200;
	s30 =	rddreg [dreg:$0x15];
	[sflag:s26] =	ssyncadd.s32 $0xFFFFFFC0  }
0x1f6: {  	[hbm4b:s30+s1] =	stream.linear.scatter [tilespmem:s31], [sflag:$0x3], $0x40, $0x38;
	[tilespmem:$0x10400] =	vst v63  }
0x1f7: {  	_ =	swait.ge [sflag:s26], $0x40  }
0x1f8: {  	[sflag:s26] =	ssyncset.done $0x0  }
0x1f9: {  	[sflag:s26] =	ssyncadd.s32 $0xFFFFFFC0  }
0x1fa: {  	_ =	swait.ge [sflag:s20], $0x10000  }
.Ltmp2:
0x1fb: {  	[sflag:s20] =	ssyncset.done $0x0;
	(pc) =	sbr.rel @p0 .LBB2_3-.Ltmp2, $4  }
0x1fc: {  	[sflag:s20] =	ssyncadd.s32 $0xFFFF0000  }
0x1fd: {  	_ =	swait.ge [sflag:s19], $0x10000  }
0x1fe: {  	[sflag:s19] =	ssyncset.done $0x0  }
0x1ff: {  	[sflag:s19] =	ssyncadd.s32 $0xFFFF0000  }
0x200: {  	v12 =	vadd.s32 v12, v13  }
0x201: {  	v14 =	vadd.s32 $0x1, v1;
	v13 =	vperm.xlane v12, v0  }
0x202: {  	v44 =	vadd.s32 $0x11, v1;
	v15 =	vperm.xlane v12, v2;
	v16 =	vperm.xlane v12, v11  }
0x203: {  	v50 =	vadd.s32 $0x19, v1;
	v17 =	vperm.xlane v12, v3;
	v19 =	vperm.xlane v12, v4  }
0x204: {  	v54 =	vor.u32 $0x10, v1;
	v23 =	vperm.xlane v12, v5;
	v24 =	vperm.xlane v12, v6  }
0x205: {  	v12 =	vperm.xlane v12, v7;
	vm7 =	vlt.s32 v13, v14;
	vm8 =	vlt.s32 v17, v14  }
0x206: {  	vm9 =	vlt.s32 v16, v14;
	vm14 =	vlt.s32 v15, v44;
	vm15 =	vlt.s32 v16, v44  }
0x207: {  	v18 =	vsel vm7, $0x1, v0;
	vm7 =	vlt.s32 v15, v14;
	v21 =	vsel vm8, $0x1, v0  }
0x208: {  	v22 =	vsel vm9, $0x1, v0;
	vm8 =	vlt.s32 v13, v44;
	v25 =	vsel vm14, $0x1, v0  }
0x209: {  	v28 =	vsel vm15, $0x1, v0;
	v20 =	vsel vm7, $0x1, v0;
	v18 =	vadd.s32 v22, v18  }
0x20a: {  	vm7 =	vlt.s32 v19, v14;
	v46 =	vsel vm8, $0x1, v0;
	v18 =	vadd.s32 v20, v18  }
0x20b: {  	v38 =	vsel vm7, $0x1, v0;
	vm7 =	vlt.s32 v23, v14;
	v18 =	vadd.s32 v21, v18  }
0x20c: {  	v39 =	vsel vm7, $0x1, v0;
	vm7 =	vlt.s32 v24, v14;
	v18 =	vadd.s32 v38, v18  }
0x20d: {  	v40 =	vsel vm7, $0x1, v0;
	vm7 =	vlt.s32 v12, v14;
	v41 =	vadd.s32 v39, v18  }
0x20e: {  	vm8 =	vlt.s32 v19, v44;
	v42 =	vsel vm7, $0x1, v0;
	v14 =	vadd.s32 v40, v41  }
0x20f: {  	v27 =	vsel vm8, $0x1, v0;
	vm7 =	vgt.s32 v16, v1;
	v14 =	vadd.s32 v42, v14  }
0x210: {  	v22 =	vadd.s32 v28, v46;
	v43 =	vsel vm7, $0x1, v0;
	v14 =	vmin.u32 v14, $0x7  }
0x211: {  	v45 =	vnsel vm7, $0x0, v1;
	v14 =	vnsel vm7, $0x0, v14;
	vm7 =	vlt.s32 v17, v44  }
0x212: {  	vm8 =	vlt.s32 v24, v44;
	v26 =	vsel vm7, $0x1, v0;
	vm7 =	vlt.s32 v23, v44  }
0x213: {  	v22 =	vadd.s32 v25, v22;
	v47 =	vsel vm7, $0x1, v0;
	vm7 =	vlt.s32 v12, v44  }
0x214: {  	v48 =	vsel vm8, $0x1, v0;
	v51 =	vsel vm7, $0x1, v0;
	vm7 =	vlt.s32 v13, v50  }
0x215: {  	v49 =	vadd.s32 v26, v22;
	v53 =	vsel vm7, $0x1, v0;
	vm7 =	vlt.s32 v15, v50  }
0x216: {  	v20 =	vadd.s32 v27, v49;
	v15 =	vsel vm7, $0x1, v0;
	vm7 =	vlt.s32 v17, v50  }
0x217: {  	v52 =	vadd.s32 v47, v20;
	v17 =	vsel vm7, $0x1, v0;
	vm7 =	vlt.s32 v16, v50  }
0x218: {  	v13 =	vadd.s32 v48, v52;
	v55 =	vsel vm7, $0x1, v0;
	vm7 =	vlt.s32 v19, v50  }
0x219: {  	v13 =	vadd.s32 v51, v13;
	v19 =	vsel vm7, $0x1, v0;
	vm7 =	vlt.s32 v23, v50  }
0x21a: {  	v20 =	vadd.s32 v55, v53;
	v23 =	vsel vm7, $0x1, v0;
	vm7 =	vlt.s32 v24, v50  }
0x21b: {  	[tilespmem:$0x10380] =	vst v43;
	v15 =	vadd.s32 v15, v20;
	v56 =	vsel vm7, $0x1, v0;
	vm7 =	vlt.s32 v12, v50  }
0x21c: {  	[tilespmem:$0x10280] =	vst v45;
	v57 =	vadd.s32 v17, v15;
	v58 =	vsel vm7, $0x1, v0;
	vm7 =	vgt.s32 v16, v54  }
0x21d: {  	[tilespmem:$0x10300] =	vst v14;
	v13 =	vmin.u32 v13, $0x7;
	v12 =	vadd.s32 v19, v57;
	v59 =	vsel vm7, $0x1, v0  }
0x21e: {  	v60 =	vadd.s32 $0x18, v1;
	v12 =	vadd.s32 v23, v12;
	v13 =	vnsel vm7, $0x0, v13;
	[tilespmem:$0x10390] =	vst v59  }
0x21f: {  	v61 =	vnsel vm7, $0x0, v54;
	vm7 =	vgt.s32 v16, v60;
	v12 =	vadd.s32 v56, v12;
	[tilespmem:$0x10310] =	vst v13  }
0x220: {  	[tilespmem:$0x10290] =	vst v61;
	v62 =	vsel vm7, $0x1, v0;
	v12 =	vadd.s32 v58, v12  }
0x221: {  	v63 =	vnsel vm7, $0x0, v60;
	[tilespmem:$0x10398] =	vst v62;
	v12 =	vmin.u32 v12, $0x7  }
0x222: {  	[tilespmem:$0x10298] =	vst v63;
	v12 =	vnsel vm7, $0x0, v12  }
0x223: {  	s11 =	rddreg [dreg:$0x5];
	s0 =	simm.s32 $0x10280;
	[tilespmem:$0x10318] =	vst v12  }
0x224: {  	[hbm4b:s11+s1] =	stream.linear.scatter [tilespmem:s0], [sflag:$0x3], $0x80, $0x38;
	[tilespmem:$0x10400] =	vst v63  }
0x225: {  	_ =	swait.ge [sflag:s26], $0x80  }
0x226: {  	[sflag:s26] =	ssyncset.done $0x0  }
0x227: {  	s29 =	simm.s32 $0x10300;
	s28 =	rddreg [dreg:$0x6];
	[sflag:s26] =	ssyncadd.s32 $0xFFFFFF80  }
0x228: {  	[hbm4b:s28+s1] =	stream.linear.scatter [tilespmem:s29], [sflag:$0x3], $0x80, $0x38;
	[tilespmem:$0x10400] =	vst v63  }
0x229: {  	_ =	swait.ge [sflag:s26], $0x80  }
0x22a: {  	s31 =	simm.s32 $0x10380;
	[sflag:s26] =	ssyncset.done $0x0  }
.Ltmp3:
0x22b: {  	s30 =	rddreg [dreg:$0x7];
	[sflag:s26] =	ssyncadd.s32 $0xFFFFFF80;
	(pc) =	sbr.rel .LBB2_3-.Ltmp3, $4  }
0x22c: {  	[hbm4b:s30+s1] =	stream.linear.scatter [tilespmem:s31], [sflag:$0x3], $0x80, $0x38;
	[tilespmem:$0x10400] =	vst v63  }
0x22d: {  	_ =	swait.ge [sflag:s26], $0x80  }
0x22e: {  	[sflag:s26] =	ssyncset.done $0x0  }
0x22f: {  	[sflag:s26] =	ssyncadd.s32 $0xFFFFFF80  }
.LBB2_4:
0x230: {  	_ =	sfence.sel $0x180000  }
0x231: {  	[bflag:$0x0] =	sbarrier.arrive $0xFFFF  }
0x232: {  	_ =	strace $0x90000047  }
0x233: {  	s0 =	stileid.u32;
	[bflag:$0x2] =	sbarrier.arrive $0xFFFF  }
0x234: {  	p0 =	sne.s32 s0, $0x0;
	s0 =	rddreg [dreg:$0x3]  }
0x235: {  	s0 =	sadd.s32 @!p0 $0x100000, s0  }
0x236: {  	[sflag:s0] =	ssyncadd.tile.s32 @!p0 $0x1;
	_ =	shalt  }
.Lfunc_end2:
_tile_overlayer_lowered:
.L_overlay_start_2:
0x237: {  	(tag) =	ssettag $0x2  }
0x238: {  	s0 =	rddreg [dreg:$0x0];
	s2 =	stileid.u32  }
0x239: {  	s1 =	rddreg [dreg:$0x1];
	p0 =	sne.s32 s2, $0x0  }
0x23a: {  	s3 =	rddreg [dreg:$0x2];
	[bflag:$0x3] =	sbarrier.arrive $0xFFFF;
	s2 =	simm.s32 @!p0 $0x1C03  }
0x23b: {  	[timem:s3], [sflag:s2] =	dma.local @!p0 [hbm:s0], s1  }
0x23c: {  	s0 =	simm.s32 @!p0 $0x3  }
0x23d: {  	_ =	swait.ge @!p0 [sflag:s0], s1  }
0x23e: {  	s1 =	ssub.s32 @!p0 $0x0, s1;
	[sflag:s0] =	ssyncset.done @!p0 $0x0  }
0x23f: {  	[sflag:s0] =	ssyncadd.s32 @!p0 s1  }
0x240: {  	[bflag:$0x3] =	sbarrier.arrive $0xFFFF  }
0x241: {  	_ =	shalt  }

</sc_bundles>
